<compile_context>
chip_gen: v7x
topology: tpu7x:2x2x1
jax: 0.10.2.dev20260603
libtpu: 0.0.44.dev20260713+nightly
codegen_flags: <defaults>
</compile_context>

<pallas_src>
import functools

import jax
import jax.numpy as jnp
from jax import lax
from jax.experimental import pallas as pl
from jax.experimental.pallas import tpu as pltpu
from jax.experimental.pallas import tpu_sc as plsc

N = 10000
E = 320000
Q = 65536
D = 128
NP = 10240

NC = 2
NS = 16
NW = NC * NS

ECHUNK = 64
EPT = E // NW
EPT_PAD = 10240
NCH = EPT_PAD // ECHUNK
NBUF = 2
NG = NCH // NBUF

QCHUNK = 128
QNCH = 2 * (Q // NW) // QCHUNK
QPT = Q // NW

ROWS_PER_TILE = NP // NS

_MESH = plsc.VectorSubcoreMesh(core_axis_name="c", subcore_axis_name="s")


DEGW = 128
DEG_FD = 8


@functools.partial(
    pl.kernel,
    out_type=jax.ShapeDtypeStruct((NC * NP, DEGW), jnp.float32),
    mesh=_MESH,
    scratch_types=[
        pltpu.VMEM((NCH, ECHUNK), jnp.int32),
        pltpu.VMEM((ECHUNK, DEGW), jnp.float32),
        pltpu.VMEM_SHARED((NP, DEGW), jnp.float32),
        pltpu.SemaphoreType.DMA,
    ],
)
def _deg_sc(dst_hbm, ones_hbm, zeros_hbm, out_hbm, dstv, onesv, deg, sem):
    cid = lax.axis_index("c")
    sid = lax.axis_index("s")
    wid = cid * NS + sid
    r0 = sid * ROWS_PER_TILE
    pltpu.sync_copy(zeros_hbm, deg.at[pl.ds(r0, ROWS_PER_TILE)])
    pltpu.sync_copy(ones_hbm, onesv)
    pltpu.sync_copy(dst_hbm.at[wid], dstv)
    plsc.subcore_barrier()

    def d_desc(j):
        return pltpu.make_async_copy(onesv, deg.at[dstv.at[j]], sem)

    def body(j, carry):
        d_desc(j).start(add=True)

        @pl.when(j >= DEG_FD)
        def _():
            d_desc(j - DEG_FD).wait()

        return carry

    lax.fori_loop(0, NCH, body, 0)
    for k in range(DEG_FD):
        d_desc(NCH - DEG_FD + k).wait()
    plsc.subcore_barrier()
    pltpu.sync_copy(deg.at[pl.ds(r0, ROWS_PER_TILE)],
                    out_hbm.at[pl.ds(cid * NP + r0, ROWS_PER_TILE)])


ECONV = 128
CNCH = EPT_PAD // ECONV


@functools.partial(
    pl.kernel,
    out_type=jax.ShapeDtypeStruct((NC * NP, D), jnp.float32),
    mesh=_MESH,
    scratch_types=[
        pltpu.VMEM((CNCH, ECONV), jnp.int32),
        pltpu.VMEM_SHARED((NP, D), jnp.float32),
    ]
    + [pltpu.VMEM((ECONV,), jnp.int32)] * NBUF
    + [pltpu.VMEM((ECONV, D), jnp.float32)] * NBUF
    + [pltpu.SemaphoreType.DMA] * (3 * NBUF),
)
def _conv_sc(h_hbm, src_hbm, dst_hbm, out_hbm, dstv, acc, *bufs):
    sidx = bufs[:NBUF]
    rows = bufs[NBUF:2 * NBUF]
    isem = bufs[2 * NBUF:3 * NBUF]
    gsem = bufs[3 * NBUF:4 * NBUF]
    ssem = bufs[4 * NBUF:]
    cid = lax.axis_index("c")
    sid = lax.axis_index("s")
    wid = cid * NS + sid
    r0 = sid * ROWS_PER_TILE

    def i_desc(b, j):
        return pltpu.make_async_copy(src_hbm.at[wid, j], sidx[b], isem[b])

    def g_desc(b, j):
        return pltpu.make_async_copy(h_hbm.at[sidx[b]], rows[b], gsem[b])

    def s_desc(b, j):
        return pltpu.make_async_copy(rows[b], acc.at[dstv.at[j]], ssem[b])

    i_desc(0, 0).start()
    i_desc(1, 1).start()
    pltpu.sync_copy(dst_hbm.at[wid], dstv)

    def initb(p, carry):
        pltpu.sync_copy(h_hbm.at[pl.ds(r0 + p * ECONV, ECONV)], rows[0])
        pltpu.sync_copy(rows[0], acc.at[pl.ds(r0 + p * ECONV, ECONV)])
        return carry

    lax.fori_loop(0, ROWS_PER_TILE // ECONV, initb, 0)
    plsc.subcore_barrier()

    i_desc(0, 0).wait()
    g_desc(0, 0).start()

    def step(j, b, b1):
        g_desc(b, j).wait()
        s_desc(b, j).start(add=True)

        @pl.when(j >= 1)
        def _():
            s_desc(b1, j - 1).wait()

        @pl.when(j + 1 < CNCH)
        def _():
            i_desc(b1, j + 1).wait()
            g_desc(b1, j + 1).start()

        @pl.when(j + 2 < CNCH)
        def _():
            i_desc(b, j + 2).start()

    def outer(o, carry):
        j0 = o * 2
        step(j0, 0, 1)
        step(j0 + 1, 1, 0)
        return carry

    lax.fori_loop(0, CNCH // 2, outer, 0)
    s_desc((CNCH - 1) % 2, CNCH - 1).wait()
    plsc.subcore_barrier()

    def outb(p, carry):
        pltpu.sync_copy(acc.at[pl.ds(r0 + p * ECONV, ECONV)], rows[0])
        pltpu.sync_copy(rows[0],
                        out_hbm.at[pl.ds(cid * NP + r0 + p * ECONV, ECONV)])
        return carry

    lax.fori_loop(0, ROWS_PER_TILE // ECONV, outb, 0)


@functools.partial(
    pl.kernel,
    out_type=jax.ShapeDtypeStruct((2 * Q, D), jnp.float32),
    mesh=_MESH,
    scratch_types=[
        pltpu.VMEM((QNCH, QCHUNK), jnp.int32),
    ]
    + [pltpu.VMEM((QCHUNK, D), jnp.float32)] * NBUF
    + [pltpu.SemaphoreType.DMA] * (2 * NBUF),
)
def _link_sc(x_hbm, q_hbm, out_hbm, qv, *bufs):
    rows = bufs[:NBUF]
    gsem = bufs[NBUF:2 * NBUF]
    ssem = bufs[2 * NBUF:]
    cid = lax.axis_index("c")
    sid = lax.axis_index("s")
    wid = cid * NS + sid
    pltpu.sync_copy(q_hbm.at[wid], qv)

    half = QNCH // 2

    def out_off(j):
        sel = j // half
        return sel * Q + wid * QPT + (j - sel * half) * QCHUNK

    def g_desc(b, j):
        return pltpu.make_async_copy(x_hbm.at[qv.at[j]], rows[b], gsem[b])

    def s_desc(b, j):
        return pltpu.make_async_copy(
            rows[b], out_hbm.at[pl.ds(out_off(j), QCHUNK)], ssem[b])

    for b in range(NBUF):
        g_desc(b, b).start()

    def outer(o, carry):
        j0 = o * NBUF
        for b in range(NBUF):
            g_desc(b, j0 + b).wait()
            s_desc(b, j0 + b).start()
        for b in range(NBUF):
            s_desc(b, j0 + b).wait()
            nj = j0 + NBUF + b

            @pl.when(nj < QNCH)
            def _():
                g_desc(b, nj).start()

        return carry

    lax.fori_loop(0, QNCH // NBUF, outer, 0)


_RB = 1024


def _prep_body(degp0_ref, degp1_ref, emb_ref, w1_ref, h_ref, dis_ref):
    deg = degp0_ref[:, 0:1] + degp1_ref[:, 0:1] + 1.0
    dis = lax.rsqrt(deg)
    dis_ref[...] = dis
    h_ref[...] = jnp.dot(emb_ref[...] * dis, w1_ref[...],
                         preferred_element_type=jnp.float32)


def _prep_tc(degp, emb, w1):
    return pl.pallas_call(
        _prep_body,
        grid=(NP // _RB,),
        in_specs=[
            pl.BlockSpec((_RB, DEGW), lambda i: (i, 0)),
            pl.BlockSpec((_RB, DEGW), lambda i: (i + NP // _RB, 0)),
            pl.BlockSpec((_RB, D), lambda i: (i, 0)),
            pl.BlockSpec((D, D), lambda i: (0, 0)),
        ],
        out_specs=[
            pl.BlockSpec((_RB, D), lambda i: (i, 0)),
            pl.BlockSpec((_RB, 1), lambda i: (i, 0)),
        ],
        out_shape=[
            jax.ShapeDtypeStruct((NP, D), jnp.float32),
            jax.ShapeDtypeStruct((NP, 1), jnp.float32),
        ],
    )(degp, degp, emb, w1)


def _mid_body(acca_ref, accb_ref, hp_ref, dis_ref, b_ref, w_ref, out_ref):
    s = acca_ref[...] + accb_ref[...] - hp_ref[...]
    x1 = jnp.maximum(dis_ref[...] * s + b_ref[...], 0.0)
    out_ref[...] = jnp.dot(x1 * dis_ref[...], w_ref[...],
                           preferred_element_type=jnp.float32)


def _mid_tc(acc, hp, dis, b_row, w2):
    return pl.pallas_call(
        _mid_body,
        grid=(NP // _RB,),
        in_specs=[
            pl.BlockSpec((_RB, D), lambda i: (i, 0)),
            pl.BlockSpec((_RB, D), lambda i: (i + NP // _RB, 0)),
            pl.BlockSpec((_RB, D), lambda i: (i, 0)),
            pl.BlockSpec((_RB, 1), lambda i: (i, 0)),
            pl.BlockSpec((1, D), lambda i: (0, 0)),
            pl.BlockSpec((D, D), lambda i: (0, 0)),
        ],
        out_specs=pl.BlockSpec((_RB, D), lambda i: (i, 0)),
        out_shape=jax.ShapeDtypeStruct((NP, D), jnp.float32),
    )(acc, acc, hp, dis, b_row, w2)


def _final_body(acca_ref, accb_ref, hp_ref, dis_ref, b_ref, out_ref):
    s = acca_ref[...] + accb_ref[...] - hp_ref[...]
    out_ref[...] = dis_ref[...] * s + b_ref[...]


def _final_tc(acc, hp, dis, b_row):
    return pl.pallas_call(
        _final_body,
        grid=(NP // _RB,),
        in_specs=[
            pl.BlockSpec((_RB, D), lambda i: (i, 0)),
            pl.BlockSpec((_RB, D), lambda i: (i + NP // _RB, 0)),
            pl.BlockSpec((_RB, D), lambda i: (i, 0)),
            pl.BlockSpec((_RB, 1), lambda i: (i, 0)),
            pl.BlockSpec((1, D), lambda i: (0, 0)),
        ],
        out_specs=pl.BlockSpec((_RB, D), lambda i: (i, 0)),
        out_shape=jax.ShapeDtypeStruct((NP, D), jnp.float32),
    )(acc, acc, hp, dis, b_row)


_QB = 2048


def _pred_body(ga_ref, gb_ref, wp1_ref, bp1_ref, wp2_ref, bp2_ref, out_ref):
    h = ga_ref[...] * gb_ref[...]
    h = jnp.maximum(
        jnp.dot(h, wp1_ref[...], preferred_element_type=jnp.float32)
        + bp1_ref[...], 0.0)
    z = jnp.dot(h, wp2_ref[...], preferred_element_type=jnp.float32) \
        + bp2_ref[...]
    out_ref[...] = jax.nn.sigmoid(z)


def _pred_tc(gab, wp1, bp1_row, wp2, bp2_row):
    return pl.pallas_call(
        _pred_body,
        grid=(Q // _QB,),
        in_specs=[
            pl.BlockSpec((_QB, D), lambda i: (i, 0)),
            pl.BlockSpec((_QB, D), lambda i: (i + Q // _QB, 0)),
            pl.BlockSpec((D, D), lambda i: (0, 0)),
            pl.BlockSpec((1, D), lambda i: (0, 0)),
            pl.BlockSpec((D, 1), lambda i: (0, 0)),
            pl.BlockSpec((1, 1), lambda i: (0, 0)),
        ],
        out_specs=pl.BlockSpec((_QB, 1), lambda i: (i, 0)),
        out_shape=jax.ShapeDtypeStruct((Q, 1), jnp.float32),
    )(gab, gab, wp1, bp1_row, wp2, bp2_row)


def kernel(edge_index, edges, emb, W1, b1, W2, b2, Wp1, bp1, Wp2, bp2):
    src = edge_index[0].astype(jnp.int32)
    dst = edge_index[1].astype(jnp.int32)
    pad_rows = jnp.broadcast_to(
        jnp.arange(N, NP, dtype=jnp.int32)[None, :], (NW, EPT_PAD - EPT))
    src3 = jnp.concatenate([src.reshape(NW, EPT), pad_rows], axis=1) \
        .reshape(NW, NCH, ECHUNK)
    dst3 = jnp.concatenate([dst.reshape(NW, EPT), pad_rows], axis=1) \
        .reshape(NW, NCH, ECHUNK)
    srcc = src3.reshape(NW, CNCH, ECONV)
    dstc = dst3.reshape(NW, CNCH, ECONV)
    q0 = edges[0].astype(jnp.int32).reshape(NW, QNCH // 2, QCHUNK)
    q1 = edges[1].astype(jnp.int32).reshape(NW, QNCH // 2, QCHUNK)
    qall = jnp.concatenate([q0, q1], axis=1)

    emb_p = jnp.pad(emb, ((0, NP - N), (0, 0)))
    degp = _deg_sc(dst3,
                   jnp.ones((ECHUNK, DEGW), jnp.float32),
                   jnp.zeros((ROWS_PER_TILE, DEGW), jnp.float32))
    h1p, dis = _prep_tc(degp, emb_p, W1)
    acc1 = _conv_sc(h1p, srcc, dstc)
    h2p = _mid_tc(acc1, h1p, dis, b1.reshape(1, D), W2)
    acc2 = _conv_sc(h2p, srcc, dstc)
    x2 = _final_tc(acc2, h2p, dis, b2.reshape(1, D))
    gab = _link_sc(x2, qall)
    out = _pred_tc(gab, Wp1, bp1.reshape(1, D), Wp2, bp2.reshape(1, 1))
    return out[:, 0]

# --- scband reference (transcript-rebuilt; emitter-appended) ---
"""Pipeline reference for scband-gcn-44504451121629 (READ-ONLY COPY).

The authoritative reference and input builder live on the scoring server;
editing this copy changes nothing except your own understanding.
"""

import jax, jax.numpy as jnp
import numpy as np

N = 10000
E = 320000
Q = 65536
D = 128


def _gcn_conv(x, W, b, src, dst, num_nodes):
    # GCNConv: x' = D^-1/2 (A + I) D^-1/2 (x W) + b
    h = x @ W
    loop = jnp.arange(num_nodes, dtype=src.dtype)
    s = jnp.concatenate([src, loop])
    d = jnp.concatenate([dst, loop])
    deg = jnp.zeros((num_nodes,), dtype=h.dtype).at[d].add(1.0)
    dis = jnp.where(deg > 0, jax.lax.rsqrt(jnp.maximum(deg, 1e-12)), 0.0)
    norm = dis[s] * dis[d]
    msg = jnp.take(h, s, axis=0) * norm[:, None]
    out = jax.ops.segment_sum(msg, d, num_segments=num_nodes)
    return out + b


def setup_inputs(seed: int = 0) -> dict:
    key = jax.random.key(seed)
    ks = jax.random.split(key, 8)

    def xavier(k, shape):
        a = float(np.sqrt(6.0 / (shape[0] + shape[1])))
        return jax.random.uniform(k, shape, minval=-a, maxval=a, dtype=jnp.float32)

    edge_index = jax.random.randint(ks[0], (2, E), 0, N)
    edges = jax.random.randint(ks[1], (2, Q), 0, N)
    emb = xavier(ks[2], (N, D))
    W1 = xavier(ks[3], (D, D)); b1 = jnp.zeros((D,), jnp.float32)
    W2 = xavier(ks[4], (D, D)); b2 = jnp.zeros((D,), jnp.float32)
    Wp1 = xavier(ks[5], (D, D)); bp1 = jnp.zeros((D,), jnp.float32)
    Wp2 = xavier(ks[6], (D, 1)); bp2 = jnp.zeros((1,), jnp.float32)
    return {"edge_index": edge_index, "edges": edges, "emb": emb,
            "W1": W1, "b1": b1, "W2": W2, "b2": b2,
            "Wp1": Wp1, "bp1": bp1, "Wp2": Wp2, "bp2": bp2}


def reference(edge_index, edges, emb, W1, b1, W2, b2, Wp1, bp1, Wp2, bp2):
    src, dst = edge_index[0], edge_index[1]
    # conv 1 + relu (dropout is identity in eval mode)
    x = _gcn_conv(emb, W1, b1, src, dst, N)
    x = jax.nn.relu(x)
    # conv 2 (final, no relu)
    x = _gcn_conv(x, W2, b2, src, dst, N)
    # LinkPredictor: elementwise product of endpoint embeddings -> MLP -> sigmoid
    h = jnp.take(x, edges[0], axis=0) * jnp.take(x, edges[1], axis=0)
    h = jax.nn.relu(h @ Wp1 + bp1)
    out = jax.nn.sigmoid(h @ Wp2 + bp2)
    return out[:, 0]

if __name__ == "__main__":
    import jax
    _d = setup_inputs()
    print(jax.jit(kernel)(*tuple(_d.values())))

</pallas_src>

<mosaic_0001>
#map = affine_map<(d0, d1) -> (0, 0)>
#map1 = affine_map<(d0, d1) -> (0, 0, 0)>
module attributes {stable_mosaic.version = 14 : i64} {
  func.func @_link_sc(%arg0: i32, %arg1: i32, %arg2: memref<10240x128xf32, #tpu.memory_space<hbm>>, %arg3: memref<32x32x128xi32, #tpu.memory_space<hbm>>, %arg4: memref<131072x128xf32, #tpu.memory_space<hbm>>, %arg5: memref<32x128xi32, #tpu.memory_space<vmem>>, %arg6: memref<128x128xf32, #tpu.memory_space<vmem>>, %arg7: memref<128x128xf32, #tpu.memory_space<vmem>>, %arg8: memref<!tpu.dma_semaphore, #tpu.memory_space<semaphore_mem>>, %arg9: memref<!tpu.dma_semaphore, #tpu.memory_space<semaphore_mem>>, %arg10: memref<!tpu.dma_semaphore, #tpu.memory_space<semaphore_mem>>, %arg11: memref<!tpu.dma_semaphore, #tpu.memory_space<semaphore_mem>>) attributes {dimension_semantics = [#tpu.dimension_semantics<core_parallel>, #tpu.dimension_semantics<subcore_parallel>], iteration_bounds = array<i64: 2, 16>, scalar_prefetch = 0 : i64, scratch_operands = 7 : i64, tpu.core_type = #tpu.core_type<sc_vector_subcore>, window_params = [{transform_indices = #map}, {transform_indices = #map1}, {transform_indices = #map}]} {
    %mul3A = arith.constant 16 : i32
    %mul3A_0 = arith.muli %arg0, %mul3A : i32
    %add3A = arith.addi %mul3A_0, %arg1 : i32
    "tpu.region"() ({
      %run_scoped3A = tpu.sem_alloc : memref<!tpu.dma_semaphore, #tpu.memory_space<semaphore_mem>>
      %dma_start3A_19 = arith.constant 0 : i32
      %dma_start3A_20 = arith.constant 0 : i32
      %dma_start3A_21 = tpu.memref_slice %arg3[%add3A, %dma_start3A_19, %dma_start3A_20] : memref<32x32x128xi32, #tpu.memory_space<hbm>> -> memref<1x32x128xi32, #tpu.memory_space<hbm>>
      %dma_start3A_22 = tpu.memref_squeeze %dma_start3A_21 : memref<1x32x128xi32, #tpu.memory_space<hbm>> -> memref<32x128xi32, #tpu.memory_space<hbm>>
      %dma_start3A_23 = arith.constant 0 : i32
      %dma_start3A_24 = arith.constant 0 : i32
      %dma_start3A_25 = tpu.memref_slice %arg3[%add3A, %dma_start3A_23, %dma_start3A_24] : memref<32x32x128xi32, #tpu.memory_space<hbm>> -> memref<1x32x128xi32, #tpu.memory_space<hbm>>
      %dma_start3A_26 = tpu.memref_squeeze %dma_start3A_25 : memref<1x32x128xi32, #tpu.memory_space<hbm>> -> memref<32x128xi32, #tpu.memory_space<hbm>>
      tpu.enqueue_dma source(%dma_start3A_26 : memref<32x128xi32, #tpu.memory_space<hbm>>) target(%arg5 : memref<32x128xi32, #tpu.memory_space<vmem>>) target_semaphore(%run_scoped3A : memref<!tpu.dma_semaphore, #tpu.memory_space<semaphore_mem>>)
      %dma_wait3A = arith.constant 0 : i32
      %dma_wait3A_27 = arith.constant 0 : i32
      %dma_wait3A_28 = tpu.memref_slice %arg3[%add3A, %dma_wait3A, %dma_wait3A_27] : memref<32x32x128xi32, #tpu.memory_space<hbm>> -> memref<1x32x128xi32, #tpu.memory_space<hbm>>
      %dma_wait3A_29 = tpu.memref_squeeze %dma_wait3A_28 : memref<1x32x128xi32, #tpu.memory_space<hbm>> -> memref<32x128xi32, #tpu.memory_space<hbm>>
      %dma_wait3A_30 = arith.constant 0 : i32
      %dma_wait3A_31 = arith.constant 0 : i32
      %dma_wait3A_32 = tpu.memref_slice %arg3[%add3A, %dma_wait3A_30, %dma_wait3A_31] : memref<32x32x128xi32, #tpu.memory_space<hbm>> -> memref<1x32x128xi32, #tpu.memory_space<hbm>>
      %dma_wait3A_33 = tpu.memref_squeeze %dma_wait3A_32 : memref<1x32x128xi32, #tpu.memory_space<hbm>> -> memref<32x128xi32, #tpu.memory_space<hbm>>
      tpu.wait_dma2 semaphore(%run_scoped3A : memref<!tpu.dma_semaphore, #tpu.memory_space<semaphore_mem>>) src(%dma_wait3A_33 : memref<32x128xi32, #tpu.memory_space<hbm>>) dst(%arg5 : memref<32x128xi32, #tpu.memory_space<vmem>>)
      tpu.yield
    }) : () -> ()
    %dma_start3A = arith.constant 0 : i32
    %dma_start3A_1 = arith.constant 0 : i32
    %dma_start3A_2 = tpu.memref_slice %arg5[%dma_start3A, %dma_start3A_1] : memref<32x128xi32, #tpu.memory_space<vmem>> -> memref<1x128xi32, #tpu.memory_space<vmem>>
    %dma_start3A_3 = tpu.memref_squeeze %dma_start3A_2 : memref<1x128xi32, #tpu.memory_space<vmem>> -> memref<128xi32, #tpu.memory_space<vmem>>
    %dma_start3A_4 = arith.constant 0 : i32
    %dma_start3A_5 = arith.constant 0 : i32
    %dma_start3A_6 = tpu.memref_slice %arg2[%dma_start3A_4, %dma_start3A_5] : memref<10240x128xf32, #tpu.memory_space<hbm>> -> memref<10240x128xf32, #tpu.memory_space<hbm>>
    tpu.enqueue_indirect_dma source(%dma_start3A_6 : memref<10240x128xf32, #tpu.memory_space<hbm>>) target(%arg6 : memref<128x128xf32, #tpu.memory_space<vmem>>) offsets(%dma_start3A_3 : memref<128xi32, #tpu.memory_space<vmem>>) semaphore(%arg8 : memref<!tpu.dma_semaphore, #tpu.memory_space<semaphore_mem>>)
    %dma_start3A_7 = arith.constant 1 : i32
    %dma_start3A_8 = arith.constant 0 : i32
    %dma_start3A_9 = tpu.memref_slice %arg5[%dma_start3A_7, %dma_start3A_8] : memref<32x128xi32, #tpu.memory_space<vmem>> -> memref<1x128xi32, #tpu.memory_space<vmem>>
    %dma_start3A_10 = tpu.memref_squeeze %dma_start3A_9 : memref<1x128xi32, #tpu.memory_space<vmem>> -> memref<128xi32, #tpu.memory_space<vmem>>
    %dma_start3A_11 = arith.constant 0 : i32
    %dma_start3A_12 = arith.constant 0 : i32
    %dma_start3A_13 = tpu.memref_slice %arg2[%dma_start3A_11, %dma_start3A_12] : memref<10240x128xf32, #tpu.memory_space<hbm>> -> memref<10240x128xf32, #tpu.memory_space<hbm>>
    tpu.enqueue_indirect_dma source(%dma_start3A_13 : memref<10240x128xf32, #tpu.memory_space<hbm>>) target(%arg7 : memref<128x128xf32, #tpu.memory_space<vmem>>) offsets(%dma_start3A_10 : memref<128xi32, #tpu.memory_space<vmem>>) semaphore(%arg9 : memref<!tpu.dma_semaphore, #tpu.memory_space<semaphore_mem>>)
    %scan3A = arith.constant 0 : i32
    %scan3A_14 = arith.constant 0 : i32
    %scan3A_15 = arith.constant 16 : i32
    %scan3A_16 = arith.addi %scan3A_14, %scan3A_15 : i32
    %scan3A_17 = arith.constant 1 : i32
    scf.for %scan3A_19 = %scan3A_14 to %scan3A_16 step %scan3A_17  : i32 {
      %mul3A_20 = arith.constant 2 : i32
      %mul3A_21 = arith.muli %scan3A_19, %mul3A_20 : i32
      %add3A_22 = arith.constant 0 : i32
      %add3A_23 = arith.addi %mul3A_21, %add3A_22 : i32
      %dma_wait3A = arith.constant 0 : i32
      %dma_wait3A_24 = tpu.memref_slice %arg5[%add3A_23, %dma_wait3A] : memref<32x128xi32, #tpu.memory_space<vmem>> -> memref<1x128xi32, #tpu.memory_space<vmem>>
      %dma_wait3A_25 = tpu.memref_squeeze %dma_wait3A_24 : memref<1x128xi32, #tpu.memory_space<vmem>> -> memref<128xi32, #tpu.memory_space<vmem>>
      %dma_wait3A_26 = arith.constant 0 : i32
      %dma_wait3A_27 = arith.constant 0 : i32
      %dma_wait3A_28 = tpu.memref_slice %arg2[%dma_wait3A_26, %dma_wait3A_27] : memref<10240x128xf32, #tpu.memory_space<hbm>> -> memref<10240x128xf32, #tpu.memory_space<hbm>>
      tpu.wait_indirect_dma semaphore(%arg8 : memref<!tpu.dma_semaphore, #tpu.memory_space<semaphore_mem>>) src(%dma_wait3A_28 : memref<10240x128xf32, #tpu.memory_space<hbm>>) dst(%arg6 : memref<128x128xf32, #tpu.memory_space<vmem>>)
      %add3A_29 = arith.constant 0 : i32
      %add3A_30 = arith.addi %mul3A_21, %add3A_29 : i32
      %jit3A = arith.constant 16 : i32
      %div3A = arith.divsi %add3A_30, %jit3A : i32
      %sign3A = arith.constant 0 : i32
      %sign3A_31 = arith.cmpi sgt, %add3A_30, %sign3A : i32
      %sign3A_32 = arith.extui %sign3A_31 : i1 to i32
      %sign3A_33 = arith.constant 0 : i32
      %sign3A_34 = arith.cmpi slt, %add3A_30, %sign3A_33 : i32
      %sign3A_35 = arith.extui %sign3A_34 : i1 to i32
      %sign3A_36 = arith.subi %sign3A_32, %sign3A_35 : i32
      %sign3A_37 = arith.constant 0 : i32
      %sign3A_38 = arith.cmpi sgt, %jit3A, %sign3A_37 : i32
      %sign3A_39 = arith.extui %sign3A_38 : i1 to i32
      %sign3A_40 = arith.constant 0 : i32
      %sign3A_41 = arith.cmpi slt, %jit3A, %sign3A_40 : i32
      %sign3A_42 = arith.extui %sign3A_41 : i1 to i32
      %sign3A_43 = arith.subi %sign3A_39, %sign3A_42 : i32
      %ne3A = arith.cmpi ne, %sign3A_36, %sign3A_43 : i32
      %rem3A = arith.remsi %add3A_30, %jit3A : i32
      %ne3A_44 = arith.constant 0 : i32
      %ne3A_45 = arith.cmpi ne, %rem3A, %ne3A_44 : i32
      %and3A = arith.andi %ne3A, %ne3A_45 : i1
      %sub3A = arith.constant 1 : i32
      %sub3A_46 = arith.subi %div3A, %sub3A : i32
      %select_n3A = arith.select %and3A, %sub3A_46, %div3A : i32
      %mul3A_47 = arith.constant 65536 : i32
      %mul3A_48 = arith.muli %select_n3A, %mul3A_47 : i32
      %mul3A_49 = arith.constant 2048 : i32
      %mul3A_50 = arith.muli %add3A, %mul3A_49 : i32
      %add3A_51 = arith.addi %mul3A_48, %mul3A_50 : i32
      %mul3A_52 = arith.constant 16 : i32
      %mul3A_53 = arith.muli %select_n3A, %mul3A_52 : i32
      %sub3A_54 = arith.subi %add3A_30, %mul3A_53 : i32
      %mul3A_55 = arith.constant 128 : i32
      %mul3A_56 = arith.muli %sub3A_54, %mul3A_55 : i32
      %add3A_57 = arith.addi %add3A_51, %mul3A_56 : i32
      %dma_start3A_58 = arith.constant 0 : i32
      %dma_start3A_59 = tpu.memref_slice %arg4[%add3A_57, %dma_start3A_58] : memref<131072x128xf32, #tpu.memory_space<hbm>> -> memref<128x128xf32, #tpu.memory_space<hbm>>
      %dma_start3A_60 = arith.constant 0 : i32
      %dma_start3A_61 = tpu.memref_slice %arg4[%add3A_57, %dma_start3A_60] : memref<131072x128xf32, #tpu.memory_space<hbm>> -> memref<128x128xf32, #tpu.memory_space<hbm>>
      tpu.enqueue_dma source(%arg6 : memref<128x128xf32, #tpu.memory_space<vmem>>) target(%dma_start3A_61 : memref<128x128xf32, #tpu.memory_space<hbm>>) target_semaphore(%arg10 : memref<!tpu.dma_semaphore, #tpu.memory_space<semaphore_mem>>)
      %add3A_62 = arith.constant 1 : i32
      %add3A_63 = arith.addi %mul3A_21, %add3A_62 : i32
      %dma_wait3A_64 = arith.constant 0 : i32
      %dma_wait3A_65 = tpu.memref_slice %arg5[%add3A_63, %dma_wait3A_64] : memref<32x128xi32, #tpu.memory_space<vmem>> -> memref<1x128xi32, #tpu.memory_space<vmem>>
      %dma_wait3A_66 = tpu.memref_squeeze %dma_wait3A_65 : memref<1x128xi32, #tpu.memory_space<vmem>> -> memref<128xi32, #tpu.memory_space<vmem>>
      %dma_wait3A_67 = arith.constant 0 : i32
      %dma_wait3A_68 = arith.constant 0 : i32
      %dma_wait3A_69 = tpu.memref_slice %arg2[%dma_wait3A_67, %dma_wait3A_68] : memref<10240x128xf32, #tpu.memory_space<hbm>> -> memref<10240x128xf32, #tpu.memory_space<hbm>>
      tpu.wait_indirect_dma semaphore(%arg9 : memref<!tpu.dma_semaphore, #tpu.memory_space<semaphore_mem>>) src(%dma_wait3A_69 : memref<10240x128xf32, #tpu.memory_space<hbm>>) dst(%arg7 : memref<128x128xf32, #tpu.memory_space<vmem>>)
      %add3A_70 = arith.constant 1 : i32
      %add3A_71 = arith.addi %mul3A_21, %add3A_70 : i32
      %jit3A_72 = arith.constant 16 : i32
      %div3A_73 = arith.divsi %add3A_71, %jit3A_72 : i32
      %sign3A_74 = arith.constant 0 : i32
      %sign3A_75 = arith.cmpi sgt, %add3A_71, %sign3A_74 : i32
      %sign3A_76 = arith.extui %sign3A_75 : i1 to i32
      %sign3A_77 = arith.constant 0 : i32
      %sign3A_78 = arith.cmpi slt, %add3A_71, %sign3A_77 : i32
      %sign3A_79 = arith.extui %sign3A_78 : i1 to i32
      %sign3A_80 = arith.subi %sign3A_76, %sign3A_79 : i32
      %sign3A_81 = arith.constant 0 : i32
      %sign3A_82 = arith.cmpi sgt, %jit3A_72, %sign3A_81 : i32
      %sign3A_83 = arith.extui %sign3A_82 : i1 to i32
      %sign3A_84 = arith.constant 0 : i32
      %sign3A_85 = arith.cmpi slt, %jit3A_72, %sign3A_84 : i32
      %sign3A_86 = arith.extui %sign3A_85 : i1 to i32
      %sign3A_87 = arith.subi %sign3A_83, %sign3A_86 : i32
      %ne3A_88 = arith.cmpi ne, %sign3A_80, %sign3A_87 : i32
      %rem3A_89 = arith.remsi %add3A_71, %jit3A_72 : i32
      %ne3A_90 = arith.constant 0 : i32
      %ne3A_91 = arith.cmpi ne, %rem3A_89, %ne3A_90 : i32
      %and3A_92 = arith.andi %ne3A_88, %ne3A_91 : i1
      %sub3A_93 = arith.constant 1 : i32
      %sub3A_94 = arith.subi %div3A_73, %sub3A_93 : i32
      %select_n3A_95 = arith.select %and3A_92, %sub3A_94, %div3A_73 : i32
      %mul3A_96 = arith.constant 65536 : i32
      %mul3A_97 = arith.muli %select_n3A_95, %mul3A_96 : i32
      %mul3A_98 = arith.constant 2048 : i32
      %mul3A_99 = arith.muli %add3A, %mul3A_98 : i32
      %add3A_100 = arith.addi %mul3A_97, %mul3A_99 : i32
      %mul3A_101 = arith.constant 16 : i32
      %mul3A_102 = arith.muli %select_n3A_95, %mul3A_101 : i32
      %sub3A_103 = arith.subi %add3A_71, %mul3A_102 : i32
      %mul3A_104 = arith.constant 128 : i32
      %mul3A_105 = arith.muli %sub3A_103, %mul3A_104 : i32
      %add3A_106 = arith.addi %add3A_100, %mul3A_105 : i32
      %dma_start3A_107 = arith.constant 0 : i32
      %dma_start3A_108 = tpu.memref_slice %arg4[%add3A_106, %dma_start3A_107] : memref<131072x128xf32, #tpu.memory_space<hbm>> -> memref<128x128xf32, #tpu.memory_space<hbm>>
      %dma_start3A_109 = arith.constant 0 : i32
      %dma_start3A_110 = tpu.memref_slice %arg4[%add3A_106, %dma_start3A_109] : memref<131072x128xf32, #tpu.memory_space<hbm>> -> memref<128x128xf32, #tpu.memory_space<hbm>>
      tpu.enqueue_dma source(%arg7 : memref<128x128xf32, #tpu.memory_space<vmem>>) target(%dma_start3A_110 : memref<128x128xf32, #tpu.memory_space<hbm>>) target_semaphore(%arg11 : memref<!tpu.dma_semaphore, #tpu.memory_space<semaphore_mem>>)
      %add3A_111 = arith.constant 0 : i32
      %add3A_112 = arith.addi %mul3A_21, %add3A_111 : i32
      %jit3A_113 = arith.constant 16 : i32
      %div3A_114 = arith.divsi %add3A_112, %jit3A_113 : i32
      %sign3A_115 = arith.constant 0 : i32
      %sign3A_116 = arith.cmpi sgt, %add3A_112, %sign3A_115 : i32
      %sign3A_117 = arith.extui %sign3A_116 : i1 to i32
      %sign3A_118 = arith.constant 0 : i32
      %sign3A_119 = arith.cmpi slt, %add3A_112, %sign3A_118 : i32
      %sign3A_120 = arith.extui %sign3A_119 : i1 to i32
      %sign3A_121 = arith.subi %sign3A_117, %sign3A_120 : i32
      %sign3A_122 = arith.constant 0 : i32
      %sign3A_123 = arith.cmpi sgt, %jit3A_113, %sign3A_122 : i32
      %sign3A_124 = arith.extui %sign3A_123 : i1 to i32
      %sign3A_125 = arith.constant 0 : i32
      %sign3A_126 = arith.cmpi slt, %jit3A_113, %sign3A_125 : i32
      %sign3A_127 = arith.extui %sign3A_126 : i1 to i32
      %sign3A_128 = arith.subi %sign3A_124, %sign3A_127 : i32
      %ne3A_129 = arith.cmpi ne, %sign3A_121, %sign3A_128 : i32
      %rem3A_130 = arith.remsi %add3A_112, %jit3A_113 : i32
      %ne3A_131 = arith.constant 0 : i32
      %ne3A_132 = arith.cmpi ne, %rem3A_130, %ne3A_131 : i32
      %and3A_133 = arith.andi %ne3A_129, %ne3A_132 : i1
      %sub3A_134 = arith.constant 1 : i32
      %sub3A_135 = arith.subi %div3A_114, %sub3A_134 : i32
      %select_n3A_136 = arith.select %and3A_133, %sub3A_135, %div3A_114 : i32
      %mul3A_137 = arith.constant 65536 : i32
      %mul3A_138 = arith.muli %select_n3A_136, %mul3A_137 : i32
      %mul3A_139 = arith.constant 2048 : i32
      %mul3A_140 = arith.muli %add3A, %mul3A_139 : i32
      %add3A_141 = arith.addi %mul3A_138, %mul3A_140 : i32
      %mul3A_142 = arith.constant 16 : i32
      %mul3A_143 = arith.muli %select_n3A_136, %mul3A_142 : i32
      %sub3A_144 = arith.subi %add3A_112, %mul3A_143 : i32
      %mul3A_145 = arith.constant 128 : i32
      %mul3A_146 = arith.muli %sub3A_144, %mul3A_145 : i32
      %add3A_147 = arith.addi %add3A_141, %mul3A_146 : i32
      %dma_wait3A_148 = arith.constant 0 : i32
      %dma_wait3A_149 = tpu.memref_slice %arg4[%add3A_147, %dma_wait3A_148] : memref<131072x128xf32, #tpu.memory_space<hbm>> -> memref<128x128xf32, #tpu.memory_space<hbm>>
      %dma_wait3A_150 = arith.constant 0 : i32
      %dma_wait3A_151 = tpu.memref_slice %arg4[%add3A_147, %dma_wait3A_150] : memref<131072x128xf32, #tpu.memory_space<hbm>> -> memref<128x128xf32, #tpu.memory_space<hbm>>
      tpu.wait_dma2 semaphore(%arg10 : memref<!tpu.dma_semaphore, #tpu.memory_space<semaphore_mem>>) src(%arg6 : memref<128x128xf32, #tpu.memory_space<vmem>>) dst(%dma_wait3A_151 : memref<128x128xf32, #tpu.memory_space<hbm>>)
      %add3A_152 = arith.constant 2 : i32
      %add3A_153 = arith.addi %mul3A_21, %add3A_152 : i32
      %add3A_154 = arith.constant 0 : i32
      %add3A_155 = arith.addi %add3A_153, %add3A_154 : i32
      %lt3A = arith.constant 32 : i32
      %lt3A_156 = arith.cmpi slt, %add3A_155, %lt3A : i32
      %convert_element_type3A = arith.extui %lt3A_156 : i1 to i32
      %cond3A = arith.constant 0 : i32
      %cond3A_157 = arith.cmpi ne, %convert_element_type3A, %cond3A : i32
      scf.if %cond3A_157 {
        %dma_start3A_208 = arith.constant 0 : i32
        %dma_start3A_209 = tpu.memref_slice %arg5[%add3A_155, %dma_start3A_208] : memref<32x128xi32, #tpu.memory_space<vmem>> -> memref<1x128xi32, #tpu.memory_space<vmem>>
        %dma_start3A_210 = tpu.memref_squeeze %dma_start3A_209 : memref<1x128xi32, #tpu.memory_space<vmem>> -> memref<128xi32, #tpu.memory_space<vmem>>
        %dma_start3A_211 = arith.constant 0 : i32
        %dma_start3A_212 = arith.constant 0 : i32
        %dma_start3A_213 = tpu.memref_slice %arg2[%dma_start3A_211, %dma_start3A_212] : memref<10240x128xf32, #tpu.memory_space<hbm>> -> memref<10240x128xf32, #tpu.memory_space<hbm>>
        tpu.enqueue_indirect_dma source(%dma_start3A_213 : memref<10240x128xf32, #tpu.memory_space<hbm>>) target(%arg6 : memref<128x128xf32, #tpu.memory_space<vmem>>) offsets(%dma_start3A_210 : memref<128xi32, #tpu.memory_space<vmem>>) semaphore(%arg8 : memref<!tpu.dma_semaphore, #tpu.memory_space<semaphore_mem>>)
      } else {
      }
      %add3A_158 = arith.constant 1 : i32
      %add3A_159 = arith.addi %mul3A_21, %add3A_158 : i32
      %jit3A_160 = arith.constant 16 : i32
      %div3A_161 = arith.divsi %add3A_159, %jit3A_160 : i32
      %sign3A_162 = arith.constant 0 : i32
      %sign3A_163 = arith.cmpi sgt, %add3A_159, %sign3A_162 : i32
      %sign3A_164 = arith.extui %sign3A_163 : i1 to i32
      %sign3A_165 = arith.constant 0 : i32
      %sign3A_166 = arith.cmpi slt, %add3A_159, %sign3A_165 : i32
      %sign3A_167 = arith.extui %sign3A_166 : i1 to i32
      %sign3A_168 = arith.subi %sign3A_164, %sign3A_167 : i32
      %sign3A_169 = arith.constant 0 : i32
      %sign3A_170 = arith.cmpi sgt, %jit3A_160, %sign3A_169 : i32
      %sign3A_171 = arith.extui %sign3A_170 : i1 to i32
      %sign3A_172 = arith.constant 0 : i32
      %sign3A_173 = arith.cmpi slt, %jit3A_160, %sign3A_172 : i32
      %sign3A_174 = arith.extui %sign3A_173 : i1 to i32
      %sign3A_175 = arith.subi %sign3A_171, %sign3A_174 : i32
      %ne3A_176 = arith.cmpi ne, %sign3A_168, %sign3A_175 : i32
      %rem3A_177 = arith.remsi %add3A_159, %jit3A_160 : i32
      %ne3A_178 = arith.constant 0 : i32
      %ne3A_179 = arith.cmpi ne, %rem3A_177, %ne3A_178 : i32
      %and3A_180 = arith.andi %ne3A_176, %ne3A_179 : i1
      %sub3A_181 = arith.constant 1 : i32
      %sub3A_182 = arith.subi %div3A_161, %sub3A_181 : i32
      %select_n3A_183 = arith.select %and3A_180, %sub3A_182, %div3A_161 : i32
      %mul3A_184 = arith.constant 65536 : i32
      %mul3A_185 = arith.muli %select_n3A_183, %mul3A_184 : i32
      %mul3A_186 = arith.constant 2048 : i32
      %mul3A_187 = arith.muli %add3A, %mul3A_186 : i32
      %add3A_188 = arith.addi %mul3A_185, %mul3A_187 : i32
      %mul3A_189 = arith.constant 16 : i32
      %mul3A_190 = arith.muli %select_n3A_183, %mul3A_189 : i32
      %sub3A_191 = arith.subi %add3A_159, %mul3A_190 : i32
      %mul3A_192 = arith.constant 128 : i32
      %mul3A_193 = arith.muli %sub3A_191, %mul3A_192 : i32
      %add3A_194 = arith.addi %add3A_188, %mul3A_193 : i32
      %dma_wait3A_195 = arith.constant 0 : i32
      %dma_wait3A_196 = tpu.memref_slice %arg4[%add3A_194, %dma_wait3A_195] : memref<131072x128xf32, #tpu.memory_space<hbm>> -> memref<128x128xf32, #tpu.memory_space<hbm>>
      %dma_wait3A_197 = arith.constant 0 : i32
      %dma_wait3A_198 = tpu.memref_slice %arg4[%add3A_194, %dma_wait3A_197] : memref<131072x128xf32, #tpu.memory_space<hbm>> -> memref<128x128xf32, #tpu.memory_space<hbm>>
      tpu.wait_dma2 semaphore(%arg11 : memref<!tpu.dma_semaphore, #tpu.memory_space<semaphore_mem>>) src(%arg7 : memref<128x128xf32, #tpu.memory_space<vmem>>) dst(%dma_wait3A_198 : memref<128x128xf32, #tpu.memory_space<hbm>>)
      %add3A_199 = arith.constant 2 : i32
      %add3A_200 = arith.addi %mul3A_21, %add3A_199 : i32
      %add3A_201 = arith.constant 1 : i32
      %add3A_202 = arith.addi %add3A_200, %add3A_201 : i32
      %lt3A_203 = arith.constant 32 : i32
      %lt3A_204 = arith.cmpi slt, %add3A_202, %lt3A_203 : i32
      %convert_element_type3A_205 = arith.extui %lt3A_204 : i1 to i32
      %cond3A_206 = arith.constant 0 : i32
      %cond3A_207 = arith.cmpi ne, %convert_element_type3A_205, %cond3A_206 : i32
      scf.if %cond3A_207 {
        %dma_start3A_208 = arith.constant 0 : i32
        %dma_start3A_209 = tpu.memref_slice %arg5[%add3A_202, %dma_start3A_208] : memref<32x128xi32, #tpu.memory_space<vmem>> -> memref<1x128xi32, #tpu.memory_space<vmem>>
        %dma_start3A_210 = tpu.memref_squeeze %dma_start3A_209 : memref<1x128xi32, #tpu.memory_space<vmem>> -> memref<128xi32, #tpu.memory_space<vmem>>
        %dma_start3A_211 = arith.constant 0 : i32
        %dma_start3A_212 = arith.constant 0 : i32
        %dma_start3A_213 = tpu.memref_slice %arg2[%dma_start3A_211, %dma_start3A_212] : memref<10240x128xf32, #tpu.memory_space<hbm>> -> memref<10240x128xf32, #tpu.memory_space<hbm>>
        tpu.enqueue_indirect_dma source(%dma_start3A_213 : memref<10240x128xf32, #tpu.memory_space<hbm>>) target(%arg7 : memref<128x128xf32, #tpu.memory_space<vmem>>) offsets(%dma_start3A_210 : memref<128xi32, #tpu.memory_space<vmem>>) semaphore(%arg9 : memref<!tpu.dma_semaphore, #tpu.memory_space<semaphore_mem>>)
      } else {
      }
    }
    %scan3A_18 = arith.constant 16 : i32
    return
  }
}

#map = affine_map<(d0, d1) -> (0, 0)>
#map1 = affine_map<(d0, d1) -> (0, 0, 0)>
module attributes {stable_mosaic.version = 14 : i64} {
  func.func @_conv_sc(%arg0: i32, %arg1: i32, %arg2: memref<10240x128xf32, #tpu.memory_space<hbm>>, %arg3: memref<32x80x128xi32, #tpu.memory_space<hbm>>, %arg4: memref<32x80x128xi32, #tpu.memory_space<hbm>>, %arg5: memref<20480x128xf32, #tpu.memory_space<hbm>>, %arg6: memref<80x128xi32, #tpu.memory_space<vmem>>, %arg7: memref<10240x128xf32, #tpu.memory_space<vmem_shared>>, %arg8: memref<128xi32, #tpu.memory_space<vmem>>, %arg9: memref<128xi32, #tpu.memory_space<vmem>>, %arg10: memref<128x128xf32, #tpu.memory_space<vmem>>, %arg11: memref<128x128xf32, #tpu.memory_space<vmem>>, %arg12: memref<!tpu.dma_semaphore, #tpu.memory_space<semaphore_mem>>, %arg13: memref<!tpu.dma_semaphore, #tpu.memory_space<semaphore_mem>>, %arg14: memref<!tpu.dma_semaphore, #tpu.memory_space<semaphore_mem>>, %arg15: memref<!tpu.dma_semaphore, #tpu.memory_space<semaphore_mem>>, %arg16: memref<!tpu.dma_semaphore, #tpu.memory_space<semaphore_mem>>, %arg17: memref<!tpu.dma_semaphore, #tpu.memory_space<semaphore_mem>>) attributes {dimension_semantics = [#tpu.dimension_semantics<core_parallel>, #tpu.dimension_semantics<subcore_parallel>], iteration_bounds = array<i64: 2, 16>, scalar_prefetch = 0 : i64, scratch_operands = 12 : i64, tpu.core_type = #tpu.core_type<sc_vector_subcore>, window_params = [{transform_indices = #map}, {transform_indices = #map1}, {transform_indices = #map1}, {transform_indices = #map}]} {
    %mul3A = arith.constant 16 : i32
    %mul3A_0 = arith.muli %arg0, %mul3A : i32
    %add3A = arith.addi %mul3A_0, %arg1 : i32
    %mul3A_1 = arith.constant 640 : i32
    %mul3A_2 = arith.muli %arg1, %mul3A_1 : i32
    %dma_start3A = arith.constant 0 : i32
    %dma_start3A_3 = arith.constant 0 : i32
    %dma_start3A_4 = tpu.memref_slice %arg3[%add3A, %dma_start3A, %dma_start3A_3] : memref<32x80x128xi32, #tpu.memory_space<hbm>> -> memref<1x1x128xi32, #tpu.memory_space<hbm>>
    %dma_start3A_5 = tpu.memref_squeeze %dma_start3A_4 : memref<1x1x128xi32, #tpu.memory_space<hbm>> -> memref<128xi32, #tpu.memory_space<hbm>>
    %dma_start3A_6 = arith.constant 0 : i32
    %dma_start3A_7 = tpu.memref_slice %arg3[%add3A, %dma_start3A, %dma_start3A_6] : memref<32x80x128xi32, #tpu.memory_space<hbm>> -> memref<1x1x128xi32, #tpu.memory_space<hbm>>
    %dma_start3A_8 = tpu.memref_squeeze %dma_start3A_7 : memref<1x1x128xi32, #tpu.memory_space<hbm>> -> memref<128xi32, #tpu.memory_space<hbm>>
    tpu.enqueue_dma source(%dma_start3A_8 : memref<128xi32, #tpu.memory_space<hbm>>) target(%arg8 : memref<128xi32, #tpu.memory_space<vmem>>) target_semaphore(%arg12 : memref<!tpu.dma_semaphore, #tpu.memory_space<semaphore_mem>>)
    %dma_start3A_9 = arith.constant 1 : i32
    %dma_start3A_10 = arith.constant 0 : i32
    %dma_start3A_11 = tpu.memref_slice %arg3[%add3A, %dma_start3A_9, %dma_start3A_10] : memref<32x80x128xi32, #tpu.memory_space<hbm>> -> memref<1x1x128xi32, #tpu.memory_space<hbm>>
    %dma_start3A_12 = tpu.memref_squeeze %dma_start3A_11 : memref<1x1x128xi32, #tpu.memory_space<hbm>> -> memref<128xi32, #tpu.memory_space<hbm>>
    %dma_start3A_13 = arith.constant 0 : i32
    %dma_start3A_14 = tpu.memref_slice %arg3[%add3A, %dma_start3A_9, %dma_start3A_13] : memref<32x80x128xi32, #tpu.memory_space<hbm>> -> memref<1x1x128xi32, #tpu.memory_space<hbm>>
    %dma_start3A_15 = tpu.memref_squeeze %dma_start3A_14 : memref<1x1x128xi32, #tpu.memory_space<hbm>> -> memref<128xi32, #tpu.memory_space<hbm>>
    tpu.enqueue_dma source(%dma_start3A_15 : memref<128xi32, #tpu.memory_space<hbm>>) target(%arg9 : memref<128xi32, #tpu.memory_space<vmem>>) target_semaphore(%arg13 : memref<!tpu.dma_semaphore, #tpu.memory_space<semaphore_mem>>)
    "tpu.region"() ({
      %run_scoped3A = tpu.sem_alloc : memref<!tpu.dma_semaphore, #tpu.memory_space<semaphore_mem>>
      %dma_start3A_50 = arith.constant 0 : i32
      %dma_start3A_51 = arith.constant 0 : i32
      %dma_start3A_52 = tpu.memref_slice %arg4[%add3A, %dma_start3A_50, %dma_start3A_51] : memref<32x80x128xi32, #tpu.memory_space<hbm>> -> memref<1x80x128xi32, #tpu.memory_space<hbm>>
      %dma_start3A_53 = tpu.memref_squeeze %dma_start3A_52 : memref<1x80x128xi32, #tpu.memory_space<hbm>> -> memref<80x128xi32, #tpu.memory_space<hbm>>
      %dma_start3A_54 = arith.constant 0 : i32
      %dma_start3A_55 = arith.constant 0 : i32
      %dma_start3A_56 = tpu.memref_slice %arg4[%add3A, %dma_start3A_54, %dma_start3A_55] : memref<32x80x128xi32, #tpu.memory_space<hbm>> -> memref<1x80x128xi32, #tpu.memory_space<hbm>>
      %dma_start3A_57 = tpu.memref_squeeze %dma_start3A_56 : memref<1x80x128xi32, #tpu.memory_space<hbm>> -> memref<80x128xi32, #tpu.memory_space<hbm>>
      tpu.enqueue_dma source(%dma_start3A_57 : memref<80x128xi32, #tpu.memory_space<hbm>>) target(%arg6 : memref<80x128xi32, #tpu.memory_space<vmem>>) target_semaphore(%run_scoped3A : memref<!tpu.dma_semaphore, #tpu.memory_space<semaphore_mem>>)
      %dma_wait3A_58 = arith.constant 0 : i32
      %dma_wait3A_59 = arith.constant 0 : i32
      %dma_wait3A_60 = tpu.memref_slice %arg4[%add3A, %dma_wait3A_58, %dma_wait3A_59] : memref<32x80x128xi32, #tpu.memory_space<hbm>> -> memref<1x80x128xi32, #tpu.memory_space<hbm>>
      %dma_wait3A_61 = tpu.memref_squeeze %dma_wait3A_60 : memref<1x80x128xi32, #tpu.memory_space<hbm>> -> memref<80x128xi32, #tpu.memory_space<hbm>>
      %dma_wait3A_62 = arith.constant 0 : i32
      %dma_wait3A_63 = arith.constant 0 : i32
      %dma_wait3A_64 = tpu.memref_slice %arg4[%add3A, %dma_wait3A_62, %dma_wait3A_63] : memref<32x80x128xi32, #tpu.memory_space<hbm>> -> memref<1x80x128xi32, #tpu.memory_space<hbm>>
      %dma_wait3A_65 = tpu.memref_squeeze %dma_wait3A_64 : memref<1x80x128xi32, #tpu.memory_space<hbm>> -> memref<80x128xi32, #tpu.memory_space<hbm>>
      tpu.wait_dma2 semaphore(%run_scoped3A : memref<!tpu.dma_semaphore, #tpu.memory_space<semaphore_mem>>) src(%dma_wait3A_65 : memref<80x128xi32, #tpu.memory_space<hbm>>) dst(%arg6 : memref<80x128xi32, #tpu.memory_space<vmem>>)
      tpu.yield
    }) : () -> ()
    %scan3A = arith.constant 0 : i32
    %scan3A_16 = arith.constant 0 : i32
    %scan3A_17 = arith.constant 5 : i32
    %scan3A_18 = arith.addi %scan3A_16, %scan3A_17 : i32
    %scan3A_19 = arith.constant 1 : i32
    scf.for %scan3A_50 = %scan3A_16 to %scan3A_18 step %scan3A_19  : i32 {
      %mul3A_51 = arith.constant 128 : i32
      %mul3A_52 = arith.muli %scan3A_50, %mul3A_51 : i32
      %add3A_53 = arith.addi %mul3A_2, %mul3A_52 : i32
      "tpu.region"() ({
        %run_scoped3A = tpu.sem_alloc : memref<!tpu.dma_semaphore, #tpu.memory_space<semaphore_mem>>
        %dma_start3A_57 = arith.constant 0 : i32
        %dma_start3A_58 = tpu.memref_slice %arg2[%add3A_53, %dma_start3A_57] : memref<10240x128xf32, #tpu.memory_space<hbm>> -> memref<128x128xf32, #tpu.memory_space<hbm>>
        %dma_start3A_59 = arith.constant 0 : i32
        %dma_start3A_60 = tpu.memref_slice %arg2[%add3A_53, %dma_start3A_59] : memref<10240x128xf32, #tpu.memory_space<hbm>> -> memref<128x128xf32, #tpu.memory_space<hbm>>
        tpu.enqueue_dma source(%dma_start3A_60 : memref<128x128xf32, #tpu.memory_space<hbm>>) target(%arg10 : memref<128x128xf32, #tpu.memory_space<vmem>>) target_semaphore(%run_scoped3A : memref<!tpu.dma_semaphore, #tpu.memory_space<semaphore_mem>>)
        %dma_wait3A_61 = arith.constant 0 : i32
        %dma_wait3A_62 = tpu.memref_slice %arg2[%add3A_53, %dma_wait3A_61] : memref<10240x128xf32, #tpu.memory_space<hbm>> -> memref<128x128xf32, #tpu.memory_space<hbm>>
        %dma_wait3A_63 = arith.constant 0 : i32
        %dma_wait3A_64 = tpu.memref_slice %arg2[%add3A_53, %dma_wait3A_63] : memref<10240x128xf32, #tpu.memory_space<hbm>> -> memref<128x128xf32, #tpu.memory_space<hbm>>
        tpu.wait_dma2 semaphore(%run_scoped3A : memref<!tpu.dma_semaphore, #tpu.memory_space<semaphore_mem>>) src(%dma_wait3A_64 : memref<128x128xf32, #tpu.memory_space<hbm>>) dst(%arg10 : memref<128x128xf32, #tpu.memory_space<vmem>>)
        tpu.yield
      }) : () -> ()
      %mul3A_54 = arith.constant 128 : i32
      %mul3A_55 = arith.muli %scan3A_50, %mul3A_54 : i32
      %add3A_56 = arith.addi %mul3A_2, %mul3A_55 : i32
      "tpu.region"() ({
        %run_scoped3A = tpu.sem_alloc : memref<!tpu.dma_semaphore, #tpu.memory_space<semaphore_mem>>
        %dma_start3A_57 = arith.constant 0 : i32
        %dma_start3A_58 = tpu.memref_slice %arg7[%add3A_56, %dma_start3A_57] : memref<10240x128xf32, #tpu.memory_space<vmem_shared>> -> memref<128x128xf32, #tpu.memory_space<vmem_shared>>
        %dma_start3A_59 = arith.constant 0 : i32
        %dma_start3A_60 = tpu.memref_slice %arg7[%add3A_56, %dma_start3A_59] : memref<10240x128xf32, #tpu.memory_space<vmem_shared>> -> memref<128x128xf32, #tpu.memory_space<vmem_shared>>
        tpu.enqueue_dma source(%arg10 : memref<128x128xf32, #tpu.memory_space<vmem>>) target(%dma_start3A_60 : memref<128x128xf32, #tpu.memory_space<vmem_shared>>) target_semaphore(%run_scoped3A : memref<!tpu.dma_semaphore, #tpu.memory_space<semaphore_mem>>)
        %dma_wait3A_61 = arith.constant 0 : i32
        %dma_wait3A_62 = tpu.memref_slice %arg7[%add3A_56, %dma_wait3A_61] : memref<10240x128xf32, #tpu.memory_space<vmem_shared>> -> memref<128x128xf32, #tpu.memory_space<vmem_shared>>
        %dma_wait3A_63 = arith.constant 0 : i32
        %dma_wait3A_64 = tpu.memref_slice %arg7[%add3A_56, %dma_wait3A_63] : memref<10240x128xf32, #tpu.memory_space<vmem_shared>> -> memref<128x128xf32, #tpu.memory_space<vmem_shared>>
        tpu.wait_dma2 semaphore(%run_scoped3A : memref<!tpu.dma_semaphore, #tpu.memory_space<semaphore_mem>>) src(%arg10 : memref<128x128xf32, #tpu.memory_space<vmem>>) dst(%dma_wait3A_64 : memref<128x128xf32, #tpu.memory_space<vmem_shared>>)
        tpu.yield
      }) : () -> ()
    }
    %scan3A_20 = arith.constant 5 : i32
    %barrier3A = arith.constant 0 : index
    tpu.barrier barrier_id(%barrier3A)
    %dma_wait3A = arith.constant 0 : i32
    %dma_wait3A_21 = arith.constant 0 : i32
    %dma_wait3A_22 = tpu.memref_slice %arg3[%add3A, %dma_wait3A, %dma_wait3A_21] : memref<32x80x128xi32, #tpu.memory_space<hbm>> -> memref<1x1x128xi32, #tpu.memory_space<hbm>>
    %dma_wait3A_23 = tpu.memref_squeeze %dma_wait3A_22 : memref<1x1x128xi32, #tpu.memory_space<hbm>> -> memref<128xi32, #tpu.memory_space<hbm>>
    %dma_wait3A_24 = arith.constant 0 : i32
    %dma_wait3A_25 = tpu.memref_slice %arg3[%add3A, %dma_wait3A, %dma_wait3A_24] : memref<32x80x128xi32, #tpu.memory_space<hbm>> -> memref<1x1x128xi32, #tpu.memory_space<hbm>>
    %dma_wait3A_26 = tpu.memref_squeeze %dma_wait3A_25 : memref<1x1x128xi32, #tpu.memory_space<hbm>> -> memref<128xi32, #tpu.memory_space<hbm>>
    tpu.wait_dma2 semaphore(%arg12 : memref<!tpu.dma_semaphore, #tpu.memory_space<semaphore_mem>>) src(%dma_wait3A_26 : memref<128xi32, #tpu.memory_space<hbm>>) dst(%arg8 : memref<128xi32, #tpu.memory_space<vmem>>)
    %dma_start3A_27 = arith.constant 0 : i32
    %dma_start3A_28 = arith.constant 0 : i32
    %dma_start3A_29 = tpu.memref_slice %arg2[%dma_start3A_27, %dma_start3A_28] : memref<10240x128xf32, #tpu.memory_space<hbm>> -> memref<10240x128xf32, #tpu.memory_space<hbm>>
    tpu.enqueue_indirect_dma source(%dma_start3A_29 : memref<10240x128xf32, #tpu.memory_space<hbm>>) target(%arg10 : memref<128x128xf32, #tpu.memory_space<vmem>>) offsets(%arg8 : memref<128xi32, #tpu.memory_space<vmem>>) semaphore(%arg14 : memref<!tpu.dma_semaphore, #tpu.memory_space<semaphore_mem>>)
    %scan3A_30 = arith.constant 0 : i32
    %scan3A_31 = arith.constant 0 : i32
    %scan3A_32 = arith.constant 40 : i32
    %scan3A_33 = arith.addi %scan3A_31, %scan3A_32 : i32
    %scan3A_34 = arith.constant 1 : i32
    scf.for %scan3A_50 = %scan3A_31 to %scan3A_33 step %scan3A_34  : i32 {
      %mul3A_51 = arith.constant 2 : i32
      %mul3A_52 = arith.muli %scan3A_50, %mul3A_51 : i32
      %dma_wait3A_53 = arith.constant 0 : i32
      %dma_wait3A_54 = arith.constant 0 : i32
      %dma_wait3A_55 = tpu.memref_slice %arg2[%dma_wait3A_53, %dma_wait3A_54] : memref<10240x128xf32, #tpu.memory_space<hbm>> -> memref<10240x128xf32, #tpu.memory_space<hbm>>
      tpu.wait_indirect_dma semaphore(%arg14 : memref<!tpu.dma_semaphore, #tpu.memory_space<semaphore_mem>>) src(%dma_wait3A_55 : memref<10240x128xf32, #tpu.memory_space<hbm>>) dst(%arg10 : memref<128x128xf32, #tpu.memory_space<vmem>>)
      %dma_start3A_56 = arith.constant 0 : i32
      %dma_start3A_57 = tpu.memref_slice %arg6[%mul3A_52, %dma_start3A_56] : memref<80x128xi32, #tpu.memory_space<vmem>> -> memref<1x128xi32, #tpu.memory_space<vmem>>
      %dma_start3A_58 = tpu.memref_squeeze %dma_start3A_57 : memref<1x128xi32, #tpu.memory_space<vmem>> -> memref<128xi32, #tpu.memory_space<vmem>>
      %dma_start3A_59 = arith.constant 0 : i32
      %dma_start3A_60 = arith.constant 0 : i32
      %dma_start3A_61 = tpu.memref_slice %arg7[%dma_start3A_59, %dma_start3A_60] : memref<10240x128xf32, #tpu.memory_space<vmem_shared>> -> memref<10240x128xf32, #tpu.memory_space<vmem_shared>>
      tpu.enqueue_indirect_dma source(%arg10 : memref<128x128xf32, #tpu.memory_space<vmem>>) target(%dma_start3A_61 : memref<10240x128xf32, #tpu.memory_space<vmem_shared>>) offsets(%dma_start3A_58 : memref<128xi32, #tpu.memory_space<vmem>>) semaphore(%arg16 : memref<!tpu.dma_semaphore, #tpu.memory_space<semaphore_mem>>) {add = true}
      %ge3A = arith.constant 1 : i32
      %ge3A_62 = arith.cmpi sge, %mul3A_52, %ge3A : i32
      %convert_element_type3A = arith.extui %ge3A_62 : i1 to i32
      %cond3A = arith.constant 0 : i32
      %cond3A_63 = arith.cmpi ne, %convert_element_type3A, %cond3A : i32
      scf.if %cond3A_63 {
        %sub3A = arith.constant 1 : i32
        %sub3A_107 = arith.subi %mul3A_52, %sub3A : i32
        %dma_wait3A_108 = arith.constant 0 : i32
        %dma_wait3A_109 = tpu.memref_slice %arg6[%sub3A_107, %dma_wait3A_108] : memref<80x128xi32, #tpu.memory_space<vmem>> -> memref<1x128xi32, #tpu.memory_space<vmem>>
        %dma_wait3A_110 = tpu.memref_squeeze %dma_wait3A_109 : memref<1x128xi32, #tpu.memory_space<vmem>> -> memref<128xi32, #tpu.memory_space<vmem>>
        %dma_wait3A_111 = arith.constant 0 : i32
        %dma_wait3A_112 = arith.constant 0 : i32
        %dma_wait3A_113 = tpu.memref_slice %arg7[%dma_wait3A_111, %dma_wait3A_112] : memref<10240x128xf32, #tpu.memory_space<vmem_shared>> -> memref<10240x128xf32, #tpu.memory_space<vmem_shared>>
        tpu.wait_indirect_dma semaphore(%arg17 : memref<!tpu.dma_semaphore, #tpu.memory_space<semaphore_mem>>) src(%arg11 : memref<128x128xf32, #tpu.memory_space<vmem>>) dst(%dma_wait3A_113 : memref<10240x128xf32, #tpu.memory_space<vmem_shared>>)
      } else {
      }
      %add3A_64 = arith.constant 1 : i32
      %add3A_65 = arith.addi %mul3A_52, %add3A_64 : i32
      %lt3A = arith.constant 80 : i32
      %lt3A_66 = arith.cmpi slt, %add3A_65, %lt3A : i32
      %convert_element_type3A_67 = arith.extui %lt3A_66 : i1 to i32
      %cond3A_68 = arith.constant 0 : i32
      %cond3A_69 = arith.cmpi ne, %convert_element_type3A_67, %cond3A_68 : i32
      scf.if %cond3A_69 {
        %add3A_107 = arith.constant 1 : i32
        %add3A_108 = arith.addi %mul3A_52, %add3A_107 : i32
        %dma_wait3A_109 = arith.constant 0 : i32
        %dma_wait3A_110 = tpu.memref_slice %arg3[%add3A, %add3A_108, %dma_wait3A_109] : memref<32x80x128xi32, #tpu.memory_space<hbm>> -> memref<1x1x128xi32, #tpu.memory_space<hbm>>
        %dma_wait3A_111 = tpu.memref_squeeze %dma_wait3A_110 : memref<1x1x128xi32, #tpu.memory_space<hbm>> -> memref<128xi32, #tpu.memory_space<hbm>>
        %dma_wait3A_112 = arith.constant 0 : i32
        %dma_wait3A_113 = tpu.memref_slice %arg3[%add3A, %add3A_108, %dma_wait3A_112] : memref<32x80x128xi32, #tpu.memory_space<hbm>> -> memref<1x1x128xi32, #tpu.memory_space<hbm>>
        %dma_wait3A_114 = tpu.memref_squeeze %dma_wait3A_113 : memref<1x1x128xi32, #tpu.memory_space<hbm>> -> memref<128xi32, #tpu.memory_space<hbm>>
        tpu.wait_dma2 semaphore(%arg13 : memref<!tpu.dma_semaphore, #tpu.memory_space<semaphore_mem>>) src(%dma_wait3A_114 : memref<128xi32, #tpu.memory_space<hbm>>) dst(%arg9 : memref<128xi32, #tpu.memory_space<vmem>>)
        %add3A_115 = arith.constant 1 : i32
        %add3A_116 = arith.addi %mul3A_52, %add3A_115 : i32
        %dma_start3A_117 = arith.constant 0 : i32
        %dma_start3A_118 = arith.constant 0 : i32
        %dma_start3A_119 = tpu.memref_slice %arg2[%dma_start3A_117, %dma_start3A_118] : memref<10240x128xf32, #tpu.memory_space<hbm>> -> memref<10240x128xf32, #tpu.memory_space<hbm>>
        tpu.enqueue_indirect_dma source(%dma_start3A_119 : memref<10240x128xf32, #tpu.memory_space<hbm>>) target(%arg11 : memref<128x128xf32, #tpu.memory_space<vmem>>) offsets(%arg9 : memref<128xi32, #tpu.memory_space<vmem>>) semaphore(%arg15 : memref<!tpu.dma_semaphore, #tpu.memory_space<semaphore_mem>>)
      } else {
      }
      %add3A_70 = arith.constant 2 : i32
      %add3A_71 = arith.addi %mul3A_52, %add3A_70 : i32
      %lt3A_72 = arith.constant 80 : i32
      %lt3A_73 = arith.cmpi slt, %add3A_71, %lt3A_72 : i32
      %convert_element_type3A_74 = arith.extui %lt3A_73 : i1 to i32
      %cond3A_75 = arith.constant 0 : i32
      %cond3A_76 = arith.cmpi ne, %convert_element_type3A_74, %cond3A_75 : i32
      scf.if %cond3A_76 {
        %add3A_107 = arith.constant 2 : i32
        %add3A_108 = arith.addi %mul3A_52, %add3A_107 : i32
        %dma_start3A_109 = arith.constant 0 : i32
        %dma_start3A_110 = tpu.memref_slice %arg3[%add3A, %add3A_108, %dma_start3A_109] : memref<32x80x128xi32, #tpu.memory_space<hbm>> -> memref<1x1x128xi32, #tpu.memory_space<hbm>>
        %dma_start3A_111 = tpu.memref_squeeze %dma_start3A_110 : memref<1x1x128xi32, #tpu.memory_space<hbm>> -> memref<128xi32, #tpu.memory_space<hbm>>
        %dma_start3A_112 = arith.constant 0 : i32
        %dma_start3A_113 = tpu.memref_slice %arg3[%add3A, %add3A_108, %dma_start3A_112] : memref<32x80x128xi32, #tpu.memory_space<hbm>> -> memref<1x1x128xi32, #tpu.memory_space<hbm>>
        %dma_start3A_114 = tpu.memref_squeeze %dma_start3A_113 : memref<1x1x128xi32, #tpu.memory_space<hbm>> -> memref<128xi32, #tpu.memory_space<hbm>>
        tpu.enqueue_dma source(%dma_start3A_114 : memref<128xi32, #tpu.memory_space<hbm>>) target(%arg8 : memref<128xi32, #tpu.memory_space<vmem>>) target_semaphore(%arg12 : memref<!tpu.dma_semaphore, #tpu.memory_space<semaphore_mem>>)
      } else {
      }
      %add3A_77 = arith.constant 1 : i32
      %add3A_78 = arith.addi %mul3A_52, %add3A_77 : i32
      %dma_wait3A_79 = arith.constant 0 : i32
      %dma_wait3A_80 = arith.constant 0 : i32
      %dma_wait3A_81 = tpu.memref_slice %arg2[%dma_wait3A_79, %dma_wait3A_80] : memref<10240x128xf32, #tpu.memory_space<hbm>> -> memref<10240x128xf32, #tpu.memory_space<hbm>>
      tpu.wait_indirect_dma semaphore(%arg15 : memref<!tpu.dma_semaphore, #tpu.memory_space<semaphore_mem>>) src(%dma_wait3A_81 : memref<10240x128xf32, #tpu.memory_space<hbm>>) dst(%arg11 : memref<128x128xf32, #tpu.memory_space<vmem>>)
      %dma_start3A_82 = arith.constant 0 : i32
      %dma_start3A_83 = tpu.memref_slice %arg6[%add3A_78, %dma_start3A_82] : memref<80x128xi32, #tpu.memory_space<vmem>> -> memref<1x128xi32, #tpu.memory_space<vmem>>
      %dma_start3A_84 = tpu.memref_squeeze %dma_start3A_83 : memref<1x128xi32, #tpu.memory_space<vmem>> -> memref<128xi32, #tpu.memory_space<vmem>>
      %dma_start3A_85 = arith.constant 0 : i32
      %dma_start3A_86 = arith.constant 0 : i32
      %dma_start3A_87 = tpu.memref_slice %arg7[%dma_start3A_85, %dma_start3A_86] : memref<10240x128xf32, #tpu.memory_space<vmem_shared>> -> memref<10240x128xf32, #tpu.memory_space<vmem_shared>>
      tpu.enqueue_indirect_dma source(%arg11 : memref<128x128xf32, #tpu.memory_space<vmem>>) target(%dma_start3A_87 : memref<10240x128xf32, #tpu.memory_space<vmem_shared>>) offsets(%dma_start3A_84 : memref<128xi32, #tpu.memory_space<vmem>>) semaphore(%arg17 : memref<!tpu.dma_semaphore, #tpu.memory_space<semaphore_mem>>) {add = true}
      %ge3A_88 = arith.constant 1 : i32
      %ge3A_89 = arith.cmpi sge, %add3A_78, %ge3A_88 : i32
      %convert_element_type3A_90 = arith.extui %ge3A_89 : i1 to i32
      %cond3A_91 = arith.constant 0 : i32
      %cond3A_92 = arith.cmpi ne, %convert_element_type3A_90, %cond3A_91 : i32
      scf.if %cond3A_92 {
        %sub3A = arith.constant 1 : i32
        %sub3A_107 = arith.subi %add3A_78, %sub3A : i32
        %dma_wait3A_108 = arith.constant 0 : i32
        %dma_wait3A_109 = tpu.memref_slice %arg6[%sub3A_107, %dma_wait3A_108] : memref<80x128xi32, #tpu.memory_space<vmem>> -> memref<1x128xi32, #tpu.memory_space<vmem>>
        %dma_wait3A_110 = tpu.memref_squeeze %dma_wait3A_109 : memref<1x128xi32, #tpu.memory_space<vmem>> -> memref<128xi32, #tpu.memory_space<vmem>>
        %dma_wait3A_111 = arith.constant 0 : i32
        %dma_wait3A_112 = arith.constant 0 : i32
        %dma_wait3A_113 = tpu.memref_slice %arg7[%dma_wait3A_111, %dma_wait3A_112] : memref<10240x128xf32, #tpu.memory_space<vmem_shared>> -> memref<10240x128xf32, #tpu.memory_space<vmem_shared>>
        tpu.wait_indirect_dma semaphore(%arg16 : memref<!tpu.dma_semaphore, #tpu.memory_space<semaphore_mem>>) src(%arg10 : memref<128x128xf32, #tpu.memory_space<vmem>>) dst(%dma_wait3A_113 : memref<10240x128xf32, #tpu.memory_space<vmem_shared>>)
      } else {
      }
      %add3A_93 = arith.constant 1 : i32
      %add3A_94 = arith.addi %add3A_78, %add3A_93 : i32
      %lt3A_95 = arith.constant 80 : i32
      %lt3A_96 = arith.cmpi slt, %add3A_94, %lt3A_95 : i32
      %convert_element_type3A_97 = arith.extui %lt3A_96 : i1 to i32
      %cond3A_98 = arith.constant 0 : i32
      %cond3A_99 = arith.cmpi ne, %convert_element_type3A_97, %cond3A_98 : i32
      scf.if %cond3A_99 {
        %add3A_107 = arith.constant 1 : i32
        %add3A_108 = arith.addi %add3A_78, %add3A_107 : i32
        %dma_wait3A_109 = arith.constant 0 : i32
        %dma_wait3A_110 = tpu.memref_slice %arg3[%add3A, %add3A_108, %dma_wait3A_109] : memref<32x80x128xi32, #tpu.memory_space<hbm>> -> memref<1x1x128xi32, #tpu.memory_space<hbm>>
        %dma_wait3A_111 = tpu.memref_squeeze %dma_wait3A_110 : memref<1x1x128xi32, #tpu.memory_space<hbm>> -> memref<128xi32, #tpu.memory_space<hbm>>
        %dma_wait3A_112 = arith.constant 0 : i32
        %dma_wait3A_113 = tpu.memref_slice %arg3[%add3A, %add3A_108, %dma_wait3A_112] : memref<32x80x128xi32, #tpu.memory_space<hbm>> -> memref<1x1x128xi32, #tpu.memory_space<hbm>>
        %dma_wait3A_114 = tpu.memref_squeeze %dma_wait3A_113 : memref<1x1x128xi32, #tpu.memory_space<hbm>> -> memref<128xi32, #tpu.memory_space<hbm>>
        tpu.wait_dma2 semaphore(%arg12 : memref<!tpu.dma_semaphore, #tpu.memory_space<semaphore_mem>>) src(%dma_wait3A_114 : memref<128xi32, #tpu.memory_space<hbm>>) dst(%arg8 : memref<128xi32, #tpu.memory_space<vmem>>)
        %add3A_115 = arith.constant 1 : i32
        %add3A_116 = arith.addi %add3A_78, %add3A_115 : i32
        %dma_start3A_117 = arith.constant 0 : i32
        %dma_start3A_118 = arith.constant 0 : i32
        %dma_start3A_119 = tpu.memref_slice %arg2[%dma_start3A_117, %dma_start3A_118] : memref<10240x128xf32, #tpu.memory_space<hbm>> -> memref<10240x128xf32, #tpu.memory_space<hbm>>
        tpu.enqueue_indirect_dma source(%dma_start3A_119 : memref<10240x128xf32, #tpu.memory_space<hbm>>) target(%arg10 : memref<128x128xf32, #tpu.memory_space<vmem>>) offsets(%arg8 : memref<128xi32, #tpu.memory_space<vmem>>) semaphore(%arg14 : memref<!tpu.dma_semaphore, #tpu.memory_space<semaphore_mem>>)
      } else {
      }
      %add3A_100 = arith.constant 2 : i32
      %add3A_101 = arith.addi %add3A_78, %add3A_100 : i32
      %lt3A_102 = arith.constant 80 : i32
      %lt3A_103 = arith.cmpi slt, %add3A_101, %lt3A_102 : i32
      %convert_element_type3A_104 = arith.extui %lt3A_103 : i1 to i32
      %cond3A_105 = arith.constant 0 : i32
      %cond3A_106 = arith.cmpi ne, %convert_element_type3A_104, %cond3A_105 : i32
      scf.if %cond3A_106 {
        %add3A_107 = arith.constant 2 : i32
        %add3A_108 = arith.addi %add3A_78, %add3A_107 : i32
        %dma_start3A_109 = arith.constant 0 : i32
        %dma_start3A_110 = tpu.memref_slice %arg3[%add3A, %add3A_108, %dma_start3A_109] : memref<32x80x128xi32, #tpu.memory_space<hbm>> -> memref<1x1x128xi32, #tpu.memory_space<hbm>>
        %dma_start3A_111 = tpu.memref_squeeze %dma_start3A_110 : memref<1x1x128xi32, #tpu.memory_space<hbm>> -> memref<128xi32, #tpu.memory_space<hbm>>
        %dma_start3A_112 = arith.constant 0 : i32
        %dma_start3A_113 = tpu.memref_slice %arg3[%add3A, %add3A_108, %dma_start3A_112] : memref<32x80x128xi32, #tpu.memory_space<hbm>> -> memref<1x1x128xi32, #tpu.memory_space<hbm>>
        %dma_start3A_114 = tpu.memref_squeeze %dma_start3A_113 : memref<1x1x128xi32, #tpu.memory_space<hbm>> -> memref<128xi32, #tpu.memory_space<hbm>>
        tpu.enqueue_dma source(%dma_start3A_114 : memref<128xi32, #tpu.memory_space<hbm>>) target(%arg9 : memref<128xi32, #tpu.memory_space<vmem>>) target_semaphore(%arg13 : memref<!tpu.dma_semaphore, #tpu.memory_space<semaphore_mem>>)
      } else {
      }
    }
    %scan3A_35 = arith.constant 40 : i32
    %dma_wait3A_36 = arith.constant 79 : i32
    %dma_wait3A_37 = arith.constant 0 : i32
    %dma_wait3A_38 = tpu.memref_slice %arg6[%dma_wait3A_36, %dma_wait3A_37] : memref<80x128xi32, #tpu.memory_space<vmem>> -> memref<1x128xi32, #tpu.memory_space<vmem>>
    %dma_wait3A_39 = tpu.memref_squeeze %dma_wait3A_38 : memref<1x128xi32, #tpu.memory_space<vmem>> -> memref<128xi32, #tpu.memory_space<vmem>>
    %dma_wait3A_40 = arith.constant 0 : i32
    %dma_wait3A_41 = arith.constant 0 : i32
    %dma_wait3A_42 = tpu.memref_slice %arg7[%dma_wait3A_40, %dma_wait3A_41] : memref<10240x128xf32, #tpu.memory_space<vmem_shared>> -> memref<10240x128xf32, #tpu.memory_space<vmem_shared>>
    tpu.wait_indirect_dma semaphore(%arg17 : memref<!tpu.dma_semaphore, #tpu.memory_space<semaphore_mem>>) src(%arg11 : memref<128x128xf32, #tpu.memory_space<vmem>>) dst(%dma_wait3A_42 : memref<10240x128xf32, #tpu.memory_space<vmem_shared>>)
    %barrier3A_43 = arith.constant 0 : index
    tpu.barrier barrier_id(%barrier3A_43)
    %scan3A_44 = arith.constant 0 : i32
    %scan3A_45 = arith.constant 0 : i32
    %scan3A_46 = arith.constant 5 : i32
    %scan3A_47 = arith.addi %scan3A_45, %scan3A_46 : i32
    %scan3A_48 = arith.constant 1 : i32
    scf.for %scan3A_50 = %scan3A_45 to %scan3A_47 step %scan3A_48  : i32 {
      %mul3A_51 = arith.constant 128 : i32
      %mul3A_52 = arith.muli %scan3A_50, %mul3A_51 : i32
      %add3A_53 = arith.addi %mul3A_2, %mul3A_52 : i32
      "tpu.region"() ({
        %run_scoped3A = tpu.sem_alloc : memref<!tpu.dma_semaphore, #tpu.memory_space<semaphore_mem>>
        %dma_start3A_60 = arith.constant 0 : i32
        %dma_start3A_61 = tpu.memref_slice %arg7[%add3A_53, %dma_start3A_60] : memref<10240x128xf32, #tpu.memory_space<vmem_shared>> -> memref<128x128xf32, #tpu.memory_space<vmem_shared>>
        %dma_start3A_62 = arith.constant 0 : i32
        %dma_start3A_63 = tpu.memref_slice %arg7[%add3A_53, %dma_start3A_62] : memref<10240x128xf32, #tpu.memory_space<vmem_shared>> -> memref<128x128xf32, #tpu.memory_space<vmem_shared>>
        tpu.enqueue_dma source(%dma_start3A_63 : memref<128x128xf32, #tpu.memory_space<vmem_shared>>) target(%arg10 : memref<128x128xf32, #tpu.memory_space<vmem>>) target_semaphore(%run_scoped3A : memref<!tpu.dma_semaphore, #tpu.memory_space<semaphore_mem>>)
        %dma_wait3A_64 = arith.constant 0 : i32
        %dma_wait3A_65 = tpu.memref_slice %arg7[%add3A_53, %dma_wait3A_64] : memref<10240x128xf32, #tpu.memory_space<vmem_shared>> -> memref<128x128xf32, #tpu.memory_space<vmem_shared>>
        %dma_wait3A_66 = arith.constant 0 : i32
        %dma_wait3A_67 = tpu.memref_slice %arg7[%add3A_53, %dma_wait3A_66] : memref<10240x128xf32, #tpu.memory_space<vmem_shared>> -> memref<128x128xf32, #tpu.memory_space<vmem_shared>>
        tpu.wait_dma2 semaphore(%run_scoped3A : memref<!tpu.dma_semaphore, #tpu.memory_space<semaphore_mem>>) src(%dma_wait3A_67 : memref<128x128xf32, #tpu.memory_space<vmem_shared>>) dst(%arg10 : memref<128x128xf32, #tpu.memory_space<vmem>>)
        tpu.yield
      }) : () -> ()
      %mul3A_54 = arith.constant 10240 : i32
      %mul3A_55 = arith.muli %arg0, %mul3A_54 : i32
      %add3A_56 = arith.addi %mul3A_55, %mul3A_2 : i32
      %mul3A_57 = arith.constant 128 : i32
      %mul3A_58 = arith.muli %scan3A_50, %mul3A_57 : i32
      %add3A_59 = arith.addi %add3A_56, %mul3A_58 : i32
      "tpu.region"() ({
        %run_scoped3A = tpu.sem_alloc : memref<!tpu.dma_semaphore, #tpu.memory_space<semaphore_mem>>
        %dma_start3A_60 = arith.constant 0 : i32
        %dma_start3A_61 = tpu.memref_slice %arg5[%add3A_59, %dma_start3A_60] : memref<20480x128xf32, #tpu.memory_space<hbm>> -> memref<128x128xf32, #tpu.memory_space<hbm>>
        %dma_start3A_62 = arith.constant 0 : i32
        %dma_start3A_63 = tpu.memref_slice %arg5[%add3A_59, %dma_start3A_62] : memref<20480x128xf32, #tpu.memory_space<hbm>> -> memref<128x128xf32, #tpu.memory_space<hbm>>
        tpu.enqueue_dma source(%arg10 : memref<128x128xf32, #tpu.memory_space<vmem>>) target(%dma_start3A_63 : memref<128x128xf32, #tpu.memory_space<hbm>>) target_semaphore(%run_scoped3A : memref<!tpu.dma_semaphore, #tpu.memory_space<semaphore_mem>>)
        %dma_wait3A_64 = arith.constant 0 : i32
        %dma_wait3A_65 = tpu.memref_slice %arg5[%add3A_59, %dma_wait3A_64] : memref<20480x128xf32, #tpu.memory_space<hbm>> -> memref<128x128xf32, #tpu.memory_space<hbm>>
        %dma_wait3A_66 = arith.constant 0 : i32
        %dma_wait3A_67 = tpu.memref_slice %arg5[%add3A_59, %dma_wait3A_66] : memref<20480x128xf32, #tpu.memory_space<hbm>> -> memref<128x128xf32, #tpu.memory_space<hbm>>
        tpu.wait_dma2 semaphore(%run_scoped3A : memref<!tpu.dma_semaphore, #tpu.memory_space<semaphore_mem>>) src(%arg10 : memref<128x128xf32, #tpu.memory_space<vmem>>) dst(%dma_wait3A_67 : memref<128x128xf32, #tpu.memory_space<hbm>>)
        tpu.yield
      }) : () -> ()
    }
    %scan3A_49 = arith.constant 5 : i32
    return
  }
}

#map = affine_map<(d0, d1) -> (0, 0, 0)>
#map1 = affine_map<(d0, d1) -> (0, 0)>
module attributes {stable_mosaic.version = 14 : i64} {
  func.func @_deg_sc(%arg0: i32, %arg1: i32, %arg2: memref<32x160x64xi32, #tpu.memory_space<hbm>>, %arg3: memref<64x128xf32, #tpu.memory_space<hbm>>, %arg4: memref<640x128xf32, #tpu.memory_space<hbm>>, %arg5: memref<20480x128xf32, #tpu.memory_space<hbm>>, %arg6: memref<160x64xi32, #tpu.memory_space<vmem>>, %arg7: memref<64x128xf32, #tpu.memory_space<vmem>>, %arg8: memref<10240x128xf32, #tpu.memory_space<vmem_shared>>, %arg9: memref<!tpu.dma_semaphore, #tpu.memory_space<semaphore_mem>>) attributes {dimension_semantics = [#tpu.dimension_semantics<core_parallel>, #tpu.dimension_semantics<subcore_parallel>], iteration_bounds = array<i64: 2, 16>, scalar_prefetch = 0 : i64, scratch_operands = 4 : i64, tpu.core_type = #tpu.core_type<sc_vector_subcore>, window_params = [{transform_indices = #map}, {transform_indices = #map1}, {transform_indices = #map1}, {transform_indices = #map1}]} {
    %mul3A = arith.constant 16 : i32
    %mul3A_0 = arith.muli %arg0, %mul3A : i32
    %add3A = arith.addi %mul3A_0, %arg1 : i32
    %mul3A_1 = arith.constant 640 : i32
    %mul3A_2 = arith.muli %arg1, %mul3A_1 : i32
    "tpu.region"() ({
      %run_scoped3A = tpu.sem_alloc : memref<!tpu.dma_semaphore, #tpu.memory_space<semaphore_mem>>
      %dma_start3A = arith.constant 0 : i32
      %dma_start3A_67 = tpu.memref_slice %arg8[%mul3A_2, %dma_start3A] : memref<10240x128xf32, #tpu.memory_space<vmem_shared>> -> memref<640x128xf32, #tpu.memory_space<vmem_shared>>
      tpu.enqueue_dma source(%arg4 : memref<640x128xf32, #tpu.memory_space<hbm>>) target(%dma_start3A_67 : memref<640x128xf32, #tpu.memory_space<vmem_shared>>) target_semaphore(%run_scoped3A : memref<!tpu.dma_semaphore, #tpu.memory_space<semaphore_mem>>)
      %dma_wait3A_68 = arith.constant 0 : i32
      %dma_wait3A_69 = tpu.memref_slice %arg8[%mul3A_2, %dma_wait3A_68] : memref<10240x128xf32, #tpu.memory_space<vmem_shared>> -> memref<640x128xf32, #tpu.memory_space<vmem_shared>>
      tpu.wait_dma2 semaphore(%run_scoped3A : memref<!tpu.dma_semaphore, #tpu.memory_space<semaphore_mem>>) src(%arg4 : memref<640x128xf32, #tpu.memory_space<hbm>>) dst(%dma_wait3A_69 : memref<640x128xf32, #tpu.memory_space<vmem_shared>>)
      tpu.yield
    }) : () -> ()
    "tpu.region"() ({
      %run_scoped3A = tpu.sem_alloc : memref<!tpu.dma_semaphore, #tpu.memory_space<semaphore_mem>>
      tpu.enqueue_dma source(%arg3 : memref<64x128xf32, #tpu.memory_space<hbm>>) target(%arg7 : memref<64x128xf32, #tpu.memory_space<vmem>>) target_semaphore(%run_scoped3A : memref<!tpu.dma_semaphore, #tpu.memory_space<semaphore_mem>>)
      tpu.wait_dma2 semaphore(%run_scoped3A : memref<!tpu.dma_semaphore, #tpu.memory_space<semaphore_mem>>) src(%arg3 : memref<64x128xf32, #tpu.memory_space<hbm>>) dst(%arg7 : memref<64x128xf32, #tpu.memory_space<vmem>>)
      tpu.yield
    }) : () -> ()
    "tpu.region"() ({
      %run_scoped3A = tpu.sem_alloc : memref<!tpu.dma_semaphore, #tpu.memory_space<semaphore_mem>>
      %dma_start3A = arith.constant 0 : i32
      %dma_start3A_67 = arith.constant 0 : i32
      %dma_start3A_68 = tpu.memref_slice %arg2[%add3A, %dma_start3A, %dma_start3A_67] : memref<32x160x64xi32, #tpu.memory_space<hbm>> -> memref<1x160x64xi32, #tpu.memory_space<hbm>>
      %dma_start3A_69 = tpu.memref_squeeze %dma_start3A_68 : memref<1x160x64xi32, #tpu.memory_space<hbm>> -> memref<160x64xi32, #tpu.memory_space<hbm>>
      %dma_start3A_70 = arith.constant 0 : i32
      %dma_start3A_71 = arith.constant 0 : i32
      %dma_start3A_72 = tpu.memref_slice %arg2[%add3A, %dma_start3A_70, %dma_start3A_71] : memref<32x160x64xi32, #tpu.memory_space<hbm>> -> memref<1x160x64xi32, #tpu.memory_space<hbm>>
      %dma_start3A_73 = tpu.memref_squeeze %dma_start3A_72 : memref<1x160x64xi32, #tpu.memory_space<hbm>> -> memref<160x64xi32, #tpu.memory_space<hbm>>
      tpu.enqueue_dma source(%dma_start3A_73 : memref<160x64xi32, #tpu.memory_space<hbm>>) target(%arg6 : memref<160x64xi32, #tpu.memory_space<vmem>>) target_semaphore(%run_scoped3A : memref<!tpu.dma_semaphore, #tpu.memory_space<semaphore_mem>>)
      %dma_wait3A_74 = arith.constant 0 : i32
      %dma_wait3A_75 = arith.constant 0 : i32
      %dma_wait3A_76 = tpu.memref_slice %arg2[%add3A, %dma_wait3A_74, %dma_wait3A_75] : memref<32x160x64xi32, #tpu.memory_space<hbm>> -> memref<1x160x64xi32, #tpu.memory_space<hbm>>
      %dma_wait3A_77 = tpu.memref_squeeze %dma_wait3A_76 : memref<1x160x64xi32, #tpu.memory_space<hbm>> -> memref<160x64xi32, #tpu.memory_space<hbm>>
      %dma_wait3A_78 = arith.constant 0 : i32
      %dma_wait3A_79 = arith.constant 0 : i32
      %dma_wait3A_80 = tpu.memref_slice %arg2[%add3A, %dma_wait3A_78, %dma_wait3A_79] : memref<32x160x64xi32, #tpu.memory_space<hbm>> -> memref<1x160x64xi32, #tpu.memory_space<hbm>>
      %dma_wait3A_81 = tpu.memref_squeeze %dma_wait3A_80 : memref<1x160x64xi32, #tpu.memory_space<hbm>> -> memref<160x64xi32, #tpu.memory_space<hbm>>
      tpu.wait_dma2 semaphore(%run_scoped3A : memref<!tpu.dma_semaphore, #tpu.memory_space<semaphore_mem>>) src(%dma_wait3A_81 : memref<160x64xi32, #tpu.memory_space<hbm>>) dst(%arg6 : memref<160x64xi32, #tpu.memory_space<vmem>>)
      tpu.yield
    }) : () -> ()
    %barrier3A = arith.constant 0 : index
    tpu.barrier barrier_id(%barrier3A)
    %scan3A = arith.constant 0 : i32
    %scan3A_3 = arith.constant 0 : i32
    %scan3A_4 = arith.constant 160 : i32
    %scan3A_5 = arith.addi %scan3A_3, %scan3A_4 : i32
    %scan3A_6 = arith.constant 1 : i32
    scf.for %scan3A_67 = %scan3A_3 to %scan3A_5 step %scan3A_6  : i32 {
      %dma_start3A = arith.constant 0 : i32
      %dma_start3A_68 = tpu.memref_slice %arg6[%scan3A_67, %dma_start3A] : memref<160x64xi32, #tpu.memory_space<vmem>> -> memref<1x64xi32, #tpu.memory_space<vmem>>
      %dma_start3A_69 = tpu.memref_squeeze %dma_start3A_68 : memref<1x64xi32, #tpu.memory_space<vmem>> -> memref<64xi32, #tpu.memory_space<vmem>>
      %dma_start3A_70 = arith.constant 0 : i32
      %dma_start3A_71 = arith.constant 0 : i32
      %dma_start3A_72 = tpu.memref_slice %arg8[%dma_start3A_70, %dma_start3A_71] : memref<10240x128xf32, #tpu.memory_space<vmem_shared>> -> memref<10240x128xf32, #tpu.memory_space<vmem_shared>>
      tpu.enqueue_indirect_dma source(%arg7 : memref<64x128xf32, #tpu.memory_space<vmem>>) target(%dma_start3A_72 : memref<10240x128xf32, #tpu.memory_space<vmem_shared>>) offsets(%dma_start3A_69 : memref<64xi32, #tpu.memory_space<vmem>>) semaphore(%arg9 : memref<!tpu.dma_semaphore, #tpu.memory_space<semaphore_mem>>) {add = true}
      %ge3A = arith.constant 8 : i32
      %ge3A_73 = arith.cmpi sge, %scan3A_67, %ge3A : i32
      %convert_element_type3A = arith.extui %ge3A_73 : i1 to i32
      %cond3A = arith.constant 0 : i32
      %cond3A_74 = arith.cmpi ne, %convert_element_type3A, %cond3A : i32
      scf.if %cond3A_74 {
        %sub3A = arith.constant 8 : i32
        %sub3A_75 = arith.subi %scan3A_67, %sub3A : i32
        %dma_wait3A_76 = arith.constant 0 : i32
        %dma_wait3A_77 = tpu.memref_slice %arg6[%sub3A_75, %dma_wait3A_76] : memref<160x64xi32, #tpu.memory_space<vmem>> -> memref<1x64xi32, #tpu.memory_space<vmem>>
        %dma_wait3A_78 = tpu.memref_squeeze %dma_wait3A_77 : memref<1x64xi32, #tpu.memory_space<vmem>> -> memref<64xi32, #tpu.memory_space<vmem>>
        %dma_wait3A_79 = arith.constant 0 : i32
        %dma_wait3A_80 = arith.constant 0 : i32
        %dma_wait3A_81 = tpu.memref_slice %arg8[%dma_wait3A_79, %dma_wait3A_80] : memref<10240x128xf32, #tpu.memory_space<vmem_shared>> -> memref<10240x128xf32, #tpu.memory_space<vmem_shared>>
        tpu.wait_indirect_dma semaphore(%arg9 : memref<!tpu.dma_semaphore, #tpu.memory_space<semaphore_mem>>) src(%arg7 : memref<64x128xf32, #tpu.memory_space<vmem>>) dst(%dma_wait3A_81 : memref<10240x128xf32, #tpu.memory_space<vmem_shared>>)
      } else {
      }
    }
    %scan3A_7 = arith.constant 160 : i32
    %dma_wait3A = arith.constant 152 : i32
    %dma_wait3A_8 = arith.constant 0 : i32
    %dma_wait3A_9 = tpu.memref_slice %arg6[%dma_wait3A, %dma_wait3A_8] : memref<160x64xi32, #tpu.memory_space<vmem>> -> memref<1x64xi32, #tpu.memory_space<vmem>>
    %dma_wait3A_10 = tpu.memref_squeeze %dma_wait3A_9 : memref<1x64xi32, #tpu.memory_space<vmem>> -> memref<64xi32, #tpu.memory_space<vmem>>
    %dma_wait3A_11 = arith.constant 0 : i32
    %dma_wait3A_12 = arith.constant 0 : i32
    %dma_wait3A_13 = tpu.memref_slice %arg8[%dma_wait3A_11, %dma_wait3A_12] : memref<10240x128xf32, #tpu.memory_space<vmem_shared>> -> memref<10240x128xf32, #tpu.memory_space<vmem_shared>>
    tpu.wait_indirect_dma semaphore(%arg9 : memref<!tpu.dma_semaphore, #tpu.memory_space<semaphore_mem>>) src(%arg7 : memref<64x128xf32, #tpu.memory_space<vmem>>) dst(%dma_wait3A_13 : memref<10240x128xf32, #tpu.memory_space<vmem_shared>>)
    %dma_wait3A_14 = arith.constant 153 : i32
    %dma_wait3A_15 = arith.constant 0 : i32
    %dma_wait3A_16 = tpu.memref_slice %arg6[%dma_wait3A_14, %dma_wait3A_15] : memref<160x64xi32, #tpu.memory_space<vmem>> -> memref<1x64xi32, #tpu.memory_space<vmem>>
    %dma_wait3A_17 = tpu.memref_squeeze %dma_wait3A_16 : memref<1x64xi32, #tpu.memory_space<vmem>> -> memref<64xi32, #tpu.memory_space<vmem>>
    %dma_wait3A_18 = arith.constant 0 : i32
    %dma_wait3A_19 = arith.constant 0 : i32
    %dma_wait3A_20 = tpu.memref_slice %arg8[%dma_wait3A_18, %dma_wait3A_19] : memref<10240x128xf32, #tpu.memory_space<vmem_shared>> -> memref<10240x128xf32, #tpu.memory_space<vmem_shared>>
    tpu.wait_indirect_dma semaphore(%arg9 : memref<!tpu.dma_semaphore, #tpu.memory_space<semaphore_mem>>) src(%arg7 : memref<64x128xf32, #tpu.memory_space<vmem>>) dst(%dma_wait3A_20 : memref<10240x128xf32, #tpu.memory_space<vmem_shared>>)
    %dma_wait3A_21 = arith.constant 154 : i32
    %dma_wait3A_22 = arith.constant 0 : i32
    %dma_wait3A_23 = tpu.memref_slice %arg6[%dma_wait3A_21, %dma_wait3A_22] : memref<160x64xi32, #tpu.memory_space<vmem>> -> memref<1x64xi32, #tpu.memory_space<vmem>>
    %dma_wait3A_24 = tpu.memref_squeeze %dma_wait3A_23 : memref<1x64xi32, #tpu.memory_space<vmem>> -> memref<64xi32, #tpu.memory_space<vmem>>
    %dma_wait3A_25 = arith.constant 0 : i32
    %dma_wait3A_26 = arith.constant 0 : i32
    %dma_wait3A_27 = tpu.memref_slice %arg8[%dma_wait3A_25, %dma_wait3A_26] : memref<10240x128xf32, #tpu.memory_space<vmem_shared>> -> memref<10240x128xf32, #tpu.memory_space<vmem_shared>>
    tpu.wait_indirect_dma semaphore(%arg9 : memref<!tpu.dma_semaphore, #tpu.memory_space<semaphore_mem>>) src(%arg7 : memref<64x128xf32, #tpu.memory_space<vmem>>) dst(%dma_wait3A_27 : memref<10240x128xf32, #tpu.memory_space<vmem_shared>>)
    %dma_wait3A_28 = arith.constant 155 : i32
    %dma_wait3A_29 = arith.constant 0 : i32
    %dma_wait3A_30 = tpu.memref_slice %arg6[%dma_wait3A_28, %dma_wait3A_29] : memref<160x64xi32, #tpu.memory_space<vmem>> -> memref<1x64xi32, #tpu.memory_space<vmem>>
    %dma_wait3A_31 = tpu.memref_squeeze %dma_wait3A_30 : memref<1x64xi32, #tpu.memory_space<vmem>> -> memref<64xi32, #tpu.memory_space<vmem>>
    %dma_wait3A_32 = arith.constant 0 : i32
    %dma_wait3A_33 = arith.constant 0 : i32
    %dma_wait3A_34 = tpu.memref_slice %arg8[%dma_wait3A_32, %dma_wait3A_33] : memref<10240x128xf32, #tpu.memory_space<vmem_shared>> -> memref<10240x128xf32, #tpu.memory_space<vmem_shared>>
    tpu.wait_indirect_dma semaphore(%arg9 : memref<!tpu.dma_semaphore, #tpu.memory_space<semaphore_mem>>) src(%arg7 : memref<64x128xf32, #tpu.memory_space<vmem>>) dst(%dma_wait3A_34 : memref<10240x128xf32, #tpu.memory_space<vmem_shared>>)
    %dma_wait3A_35 = arith.constant 156 : i32
    %dma_wait3A_36 = arith.constant 0 : i32
    %dma_wait3A_37 = tpu.memref_slice %arg6[%dma_wait3A_35, %dma_wait3A_36] : memref<160x64xi32, #tpu.memory_space<vmem>> -> memref<1x64xi32, #tpu.memory_space<vmem>>
    %dma_wait3A_38 = tpu.memref_squeeze %dma_wait3A_37 : memref<1x64xi32, #tpu.memory_space<vmem>> -> memref<64xi32, #tpu.memory_space<vmem>>
    %dma_wait3A_39 = arith.constant 0 : i32
    %dma_wait3A_40 = arith.constant 0 : i32
    %dma_wait3A_41 = tpu.memref_slice %arg8[%dma_wait3A_39, %dma_wait3A_40] : memref<10240x128xf32, #tpu.memory_space<vmem_shared>> -> memref<10240x128xf32, #tpu.memory_space<vmem_shared>>
    tpu.wait_indirect_dma semaphore(%arg9 : memref<!tpu.dma_semaphore, #tpu.memory_space<semaphore_mem>>) src(%arg7 : memref<64x128xf32, #tpu.memory_space<vmem>>) dst(%dma_wait3A_41 : memref<10240x128xf32, #tpu.memory_space<vmem_shared>>)
    %dma_wait3A_42 = arith.constant 157 : i32
    %dma_wait3A_43 = arith.constant 0 : i32
    %dma_wait3A_44 = tpu.memref_slice %arg6[%dma_wait3A_42, %dma_wait3A_43] : memref<160x64xi32, #tpu.memory_space<vmem>> -> memref<1x64xi32, #tpu.memory_space<vmem>>
    %dma_wait3A_45 = tpu.memref_squeeze %dma_wait3A_44 : memref<1x64xi32, #tpu.memory_space<vmem>> -> memref<64xi32, #tpu.memory_space<vmem>>
    %dma_wait3A_46 = arith.constant 0 : i32
    %dma_wait3A_47 = arith.constant 0 : i32
    %dma_wait3A_48 = tpu.memref_slice %arg8[%dma_wait3A_46, %dma_wait3A_47] : memref<10240x128xf32, #tpu.memory_space<vmem_shared>> -> memref<10240x128xf32, #tpu.memory_space<vmem_shared>>
    tpu.wait_indirect_dma semaphore(%arg9 : memref<!tpu.dma_semaphore, #tpu.memory_space<semaphore_mem>>) src(%arg7 : memref<64x128xf32, #tpu.memory_space<vmem>>) dst(%dma_wait3A_48 : memref<10240x128xf32, #tpu.memory_space<vmem_shared>>)
    %dma_wait3A_49 = arith.constant 158 : i32
    %dma_wait3A_50 = arith.constant 0 : i32
    %dma_wait3A_51 = tpu.memref_slice %arg6[%dma_wait3A_49, %dma_wait3A_50] : memref<160x64xi32, #tpu.memory_space<vmem>> -> memref<1x64xi32, #tpu.memory_space<vmem>>
    %dma_wait3A_52 = tpu.memref_squeeze %dma_wait3A_51 : memref<1x64xi32, #tpu.memory_space<vmem>> -> memref<64xi32, #tpu.memory_space<vmem>>
    %dma_wait3A_53 = arith.constant 0 : i32
    %dma_wait3A_54 = arith.constant 0 : i32
    %dma_wait3A_55 = tpu.memref_slice %arg8[%dma_wait3A_53, %dma_wait3A_54] : memref<10240x128xf32, #tpu.memory_space<vmem_shared>> -> memref<10240x128xf32, #tpu.memory_space<vmem_shared>>
    tpu.wait_indirect_dma semaphore(%arg9 : memref<!tpu.dma_semaphore, #tpu.memory_space<semaphore_mem>>) src(%arg7 : memref<64x128xf32, #tpu.memory_space<vmem>>) dst(%dma_wait3A_55 : memref<10240x128xf32, #tpu.memory_space<vmem_shared>>)
    %dma_wait3A_56 = arith.constant 159 : i32
    %dma_wait3A_57 = arith.constant 0 : i32
    %dma_wait3A_58 = tpu.memref_slice %arg6[%dma_wait3A_56, %dma_wait3A_57] : memref<160x64xi32, #tpu.memory_space<vmem>> -> memref<1x64xi32, #tpu.memory_space<vmem>>
    %dma_wait3A_59 = tpu.memref_squeeze %dma_wait3A_58 : memref<1x64xi32, #tpu.memory_space<vmem>> -> memref<64xi32, #tpu.memory_space<vmem>>
    %dma_wait3A_60 = arith.constant 0 : i32
    %dma_wait3A_61 = arith.constant 0 : i32
    %dma_wait3A_62 = tpu.memref_slice %arg8[%dma_wait3A_60, %dma_wait3A_61] : memref<10240x128xf32, #tpu.memory_space<vmem_shared>> -> memref<10240x128xf32, #tpu.memory_space<vmem_shared>>
    tpu.wait_indirect_dma semaphore(%arg9 : memref<!tpu.dma_semaphore, #tpu.memory_space<semaphore_mem>>) src(%arg7 : memref<64x128xf32, #tpu.memory_space<vmem>>) dst(%dma_wait3A_62 : memref<10240x128xf32, #tpu.memory_space<vmem_shared>>)
    %barrier3A_63 = arith.constant 0 : index
    tpu.barrier barrier_id(%barrier3A_63)
    %mul3A_64 = arith.constant 10240 : i32
    %mul3A_65 = arith.muli %arg0, %mul3A_64 : i32
    %add3A_66 = arith.addi %mul3A_65, %mul3A_2 : i32
    "tpu.region"() ({
      %run_scoped3A = tpu.sem_alloc : memref<!tpu.dma_semaphore, #tpu.memory_space<semaphore_mem>>
      %dma_start3A = arith.constant 0 : i32
      %dma_start3A_67 = tpu.memref_slice %arg5[%add3A_66, %dma_start3A] : memref<20480x128xf32, #tpu.memory_space<hbm>> -> memref<640x128xf32, #tpu.memory_space<hbm>>
      %dma_start3A_68 = arith.constant 0 : i32
      %dma_start3A_69 = tpu.memref_slice %arg8[%mul3A_2, %dma_start3A_68] : memref<10240x128xf32, #tpu.memory_space<vmem_shared>> -> memref<640x128xf32, #tpu.memory_space<vmem_shared>>
      tpu.enqueue_dma source(%dma_start3A_69 : memref<640x128xf32, #tpu.memory_space<vmem_shared>>) target(%dma_start3A_67 : memref<640x128xf32, #tpu.memory_space<hbm>>) target_semaphore(%run_scoped3A : memref<!tpu.dma_semaphore, #tpu.memory_space<semaphore_mem>>)
      %dma_wait3A_70 = arith.constant 0 : i32
      %dma_wait3A_71 = tpu.memref_slice %arg5[%add3A_66, %dma_wait3A_70] : memref<20480x128xf32, #tpu.memory_space<hbm>> -> memref<640x128xf32, #tpu.memory_space<hbm>>
      %dma_wait3A_72 = arith.constant 0 : i32
      %dma_wait3A_73 = tpu.memref_slice %arg8[%mul3A_2, %dma_wait3A_72] : memref<10240x128xf32, #tpu.memory_space<vmem_shared>> -> memref<640x128xf32, #tpu.memory_space<vmem_shared>>
      tpu.wait_dma2 semaphore(%run_scoped3A : memref<!tpu.dma_semaphore, #tpu.memory_space<semaphore_mem>>) src(%dma_wait3A_73 : memref<640x128xf32, #tpu.memory_space<vmem_shared>>) dst(%dma_wait3A_71 : memref<640x128xf32, #tpu.memory_space<hbm>>)
      tpu.yield
    }) : () -> ()
    return
  }
}

#map = affine_map<(d0, d1) -> (0, 0)>
#map1 = affine_map<(d0, d1) -> (0, 0, 0)>
module attributes {stable_mosaic.version = 14 : i64} {
  func.func @_conv_sc(%arg0: i32, %arg1: i32, %arg2: memref<10240x128xf32, #tpu.memory_space<hbm>>, %arg3: memref<32x80x128xi32, #tpu.memory_space<hbm>>, %arg4: memref<32x80x128xi32, #tpu.memory_space<hbm>>, %arg5: memref<20480x128xf32, #tpu.memory_space<hbm>>, %arg6: memref<80x128xi32, #tpu.memory_space<vmem>>, %arg7: memref<10240x128xf32, #tpu.memory_space<vmem_shared>>, %arg8: memref<128xi32, #tpu.memory_space<vmem>>, %arg9: memref<128xi32, #tpu.memory_space<vmem>>, %arg10: memref<128x128xf32, #tpu.memory_space<vmem>>, %arg11: memref<128x128xf32, #tpu.memory_space<vmem>>, %arg12: memref<!tpu.dma_semaphore, #tpu.memory_space<semaphore_mem>>, %arg13: memref<!tpu.dma_semaphore, #tpu.memory_space<semaphore_mem>>, %arg14: memref<!tpu.dma_semaphore, #tpu.memory_space<semaphore_mem>>, %arg15: memref<!tpu.dma_semaphore, #tpu.memory_space<semaphore_mem>>, %arg16: memref<!tpu.dma_semaphore, #tpu.memory_space<semaphore_mem>>, %arg17: memref<!tpu.dma_semaphore, #tpu.memory_space<semaphore_mem>>) attributes {dimension_semantics = [#tpu.dimension_semantics<core_parallel>, #tpu.dimension_semantics<subcore_parallel>], iteration_bounds = array<i64: 2, 16>, scalar_prefetch = 0 : i64, scratch_operands = 12 : i64, tpu.core_type = #tpu.core_type<sc_vector_subcore>, window_params = [{transform_indices = #map}, {transform_indices = #map1}, {transform_indices = #map1}, {transform_indices = #map}]} {
    %mul3A = arith.constant 16 : i32
    %mul3A_0 = arith.muli %arg0, %mul3A : i32
    %add3A = arith.addi %mul3A_0, %arg1 : i32
    %mul3A_1 = arith.constant 640 : i32
    %mul3A_2 = arith.muli %arg1, %mul3A_1 : i32
    %dma_start3A = arith.constant 0 : i32
    %dma_start3A_3 = arith.constant 0 : i32
    %dma_start3A_4 = tpu.memref_slice %arg3[%add3A, %dma_start3A, %dma_start3A_3] : memref<32x80x128xi32, #tpu.memory_space<hbm>> -> memref<1x1x128xi32, #tpu.memory_space<hbm>>
    %dma_start3A_5 = tpu.memref_squeeze %dma_start3A_4 : memref<1x1x128xi32, #tpu.memory_space<hbm>> -> memref<128xi32, #tpu.memory_space<hbm>>
    %dma_start3A_6 = arith.constant 0 : i32
    %dma_start3A_7 = tpu.memref_slice %arg3[%add3A, %dma_start3A, %dma_start3A_6] : memref<32x80x128xi32, #tpu.memory_space<hbm>> -> memref<1x1x128xi32, #tpu.memory_space<hbm>>
    %dma_start3A_8 = tpu.memref_squeeze %dma_start3A_7 : memref<1x1x128xi32, #tpu.memory_space<hbm>> -> memref<128xi32, #tpu.memory_space<hbm>>
    tpu.enqueue_dma source(%dma_start3A_8 : memref<128xi32, #tpu.memory_space<hbm>>) target(%arg8 : memref<128xi32, #tpu.memory_space<vmem>>) target_semaphore(%arg12 : memref<!tpu.dma_semaphore, #tpu.memory_space<semaphore_mem>>)
    %dma_start3A_9 = arith.constant 1 : i32
    %dma_start3A_10 = arith.constant 0 : i32
    %dma_start3A_11 = tpu.memref_slice %arg3[%add3A, %dma_start3A_9, %dma_start3A_10] : memref<32x80x128xi32, #tpu.memory_space<hbm>> -> memref<1x1x128xi32, #tpu.memory_space<hbm>>
    %dma_start3A_12 = tpu.memref_squeeze %dma_start3A_11 : memref<1x1x128xi32, #tpu.memory_space<hbm>> -> memref<128xi32, #tpu.memory_space<hbm>>
    %dma_start3A_13 = arith.constant 0 : i32
    %dma_start3A_14 = tpu.memref_slice %arg3[%add3A, %dma_start3A_9, %dma_start3A_13] : memref<32x80x128xi32, #tpu.memory_space<hbm>> -> memref<1x1x128xi32, #tpu.memory_space<hbm>>
    %dma_start3A_15 = tpu.memref_squeeze %dma_start3A_14 : memref<1x1x128xi32, #tpu.memory_space<hbm>> -> memref<128xi32, #tpu.memory_space<hbm>>
    tpu.enqueue_dma source(%dma_start3A_15 : memref<128xi32, #tpu.memory_space<hbm>>) target(%arg9 : memref<128xi32, #tpu.memory_space<vmem>>) target_semaphore(%arg13 : memref<!tpu.dma_semaphore, #tpu.memory_space<semaphore_mem>>)
    "tpu.region"() ({
      %run_scoped3A = tpu.sem_alloc : memref<!tpu.dma_semaphore, #tpu.memory_space<semaphore_mem>>
      %dma_start3A_50 = arith.constant 0 : i32
      %dma_start3A_51 = arith.constant 0 : i32
      %dma_start3A_52 = tpu.memref_slice %arg4[%add3A, %dma_start3A_50, %dma_start3A_51] : memref<32x80x128xi32, #tpu.memory_space<hbm>> -> memref<1x80x128xi32, #tpu.memory_space<hbm>>
      %dma_start3A_53 = tpu.memref_squeeze %dma_start3A_52 : memref<1x80x128xi32, #tpu.memory_space<hbm>> -> memref<80x128xi32, #tpu.memory_space<hbm>>
      %dma_start3A_54 = arith.constant 0 : i32
      %dma_start3A_55 = arith.constant 0 : i32
      %dma_start3A_56 = tpu.memref_slice %arg4[%add3A, %dma_start3A_54, %dma_start3A_55] : memref<32x80x128xi32, #tpu.memory_space<hbm>> -> memref<1x80x128xi32, #tpu.memory_space<hbm>>
      %dma_start3A_57 = tpu.memref_squeeze %dma_start3A_56 : memref<1x80x128xi32, #tpu.memory_space<hbm>> -> memref<80x128xi32, #tpu.memory_space<hbm>>
      tpu.enqueue_dma source(%dma_start3A_57 : memref<80x128xi32, #tpu.memory_space<hbm>>) target(%arg6 : memref<80x128xi32, #tpu.memory_space<vmem>>) target_semaphore(%run_scoped3A : memref<!tpu.dma_semaphore, #tpu.memory_space<semaphore_mem>>)
      %dma_wait3A_58 = arith.constant 0 : i32
      %dma_wait3A_59 = arith.constant 0 : i32
      %dma_wait3A_60 = tpu.memref_slice %arg4[%add3A, %dma_wait3A_58, %dma_wait3A_59] : memref<32x80x128xi32, #tpu.memory_space<hbm>> -> memref<1x80x128xi32, #tpu.memory_space<hbm>>
      %dma_wait3A_61 = tpu.memref_squeeze %dma_wait3A_60 : memref<1x80x128xi32, #tpu.memory_space<hbm>> -> memref<80x128xi32, #tpu.memory_space<hbm>>
      %dma_wait3A_62 = arith.constant 0 : i32
      %dma_wait3A_63 = arith.constant 0 : i32
      %dma_wait3A_64 = tpu.memref_slice %arg4[%add3A, %dma_wait3A_62, %dma_wait3A_63] : memref<32x80x128xi32, #tpu.memory_space<hbm>> -> memref<1x80x128xi32, #tpu.memory_space<hbm>>
      %dma_wait3A_65 = tpu.memref_squeeze %dma_wait3A_64 : memref<1x80x128xi32, #tpu.memory_space<hbm>> -> memref<80x128xi32, #tpu.memory_space<hbm>>
      tpu.wait_dma2 semaphore(%run_scoped3A : memref<!tpu.dma_semaphore, #tpu.memory_space<semaphore_mem>>) src(%dma_wait3A_65 : memref<80x128xi32, #tpu.memory_space<hbm>>) dst(%arg6 : memref<80x128xi32, #tpu.memory_space<vmem>>)
      tpu.yield
    }) : () -> ()
    %scan3A = arith.constant 0 : i32
    %scan3A_16 = arith.constant 0 : i32
    %scan3A_17 = arith.constant 5 : i32
    %scan3A_18 = arith.addi %scan3A_16, %scan3A_17 : i32
    %scan3A_19 = arith.constant 1 : i32
    scf.for %scan3A_50 = %scan3A_16 to %scan3A_18 step %scan3A_19  : i32 {
      %mul3A_51 = arith.constant 128 : i32
      %mul3A_52 = arith.muli %scan3A_50, %mul3A_51 : i32
      %add3A_53 = arith.addi %mul3A_2, %mul3A_52 : i32
      "tpu.region"() ({
        %run_scoped3A = tpu.sem_alloc : memref<!tpu.dma_semaphore, #tpu.memory_space<semaphore_mem>>
        %dma_start3A_57 = arith.constant 0 : i32
        %dma_start3A_58 = tpu.memref_slice %arg2[%add3A_53, %dma_start3A_57] : memref<10240x128xf32, #tpu.memory_space<hbm>> -> memref<128x128xf32, #tpu.memory_space<hbm>>
        %dma_start3A_59 = arith.constant 0 : i32
        %dma_start3A_60 = tpu.memref_slice %arg2[%add3A_53, %dma_start3A_59] : memref<10240x128xf32, #tpu.memory_space<hbm>> -> memref<128x128xf32, #tpu.memory_space<hbm>>
        tpu.enqueue_dma source(%dma_start3A_60 : memref<128x128xf32, #tpu.memory_space<hbm>>) target(%arg10 : memref<128x128xf32, #tpu.memory_space<vmem>>) target_semaphore(%run_scoped3A : memref<!tpu.dma_semaphore, #tpu.memory_space<semaphore_mem>>)
        %dma_wait3A_61 = arith.constant 0 : i32
        %dma_wait3A_62 = tpu.memref_slice %arg2[%add3A_53, %dma_wait3A_61] : memref<10240x128xf32, #tpu.memory_space<hbm>> -> memref<128x128xf32, #tpu.memory_space<hbm>>
        %dma_wait3A_63 = arith.constant 0 : i32
        %dma_wait3A_64 = tpu.memref_slice %arg2[%add3A_53, %dma_wait3A_63] : memref<10240x128xf32, #tpu.memory_space<hbm>> -> memref<128x128xf32, #tpu.memory_space<hbm>>
        tpu.wait_dma2 semaphore(%run_scoped3A : memref<!tpu.dma_semaphore, #tpu.memory_space<semaphore_mem>>) src(%dma_wait3A_64 : memref<128x128xf32, #tpu.memory_space<hbm>>) dst(%arg10 : memref<128x128xf32, #tpu.memory_space<vmem>>)
        tpu.yield
      }) : () -> ()
      %mul3A_54 = arith.constant 128 : i32
      %mul3A_55 = arith.muli %scan3A_50, %mul3A_54 : i32
      %add3A_56 = arith.addi %mul3A_2, %mul3A_55 : i32
      "tpu.region"() ({
        %run_scoped3A = tpu.sem_alloc : memref<!tpu.dma_semaphore, #tpu.memory_space<semaphore_mem>>
        %dma_start3A_57 = arith.constant 0 : i32
        %dma_start3A_58 = tpu.memref_slice %arg7[%add3A_56, %dma_start3A_57] : memref<10240x128xf32, #tpu.memory_space<vmem_shared>> -> memref<128x128xf32, #tpu.memory_space<vmem_shared>>
        %dma_start3A_59 = arith.constant 0 : i32
        %dma_start3A_60 = tpu.memref_slice %arg7[%add3A_56, %dma_start3A_59] : memref<10240x128xf32, #tpu.memory_space<vmem_shared>> -> memref<128x128xf32, #tpu.memory_space<vmem_shared>>
        tpu.enqueue_dma source(%arg10 : memref<128x128xf32, #tpu.memory_space<vmem>>) target(%dma_start3A_60 : memref<128x128xf32, #tpu.memory_space<vmem_shared>>) target_semaphore(%run_scoped3A : memref<!tpu.dma_semaphore, #tpu.memory_space<semaphore_mem>>)
        %dma_wait3A_61 = arith.constant 0 : i32
        %dma_wait3A_62 = tpu.memref_slice %arg7[%add3A_56, %dma_wait3A_61] : memref<10240x128xf32, #tpu.memory_space<vmem_shared>> -> memref<128x128xf32, #tpu.memory_space<vmem_shared>>
        %dma_wait3A_63 = arith.constant 0 : i32
        %dma_wait3A_64 = tpu.memref_slice %arg7[%add3A_56, %dma_wait3A_63] : memref<10240x128xf32, #tpu.memory_space<vmem_shared>> -> memref<128x128xf32, #tpu.memory_space<vmem_shared>>
        tpu.wait_dma2 semaphore(%run_scoped3A : memref<!tpu.dma_semaphore, #tpu.memory_space<semaphore_mem>>) src(%arg10 : memref<128x128xf32, #tpu.memory_space<vmem>>) dst(%dma_wait3A_64 : memref<128x128xf32, #tpu.memory_space<vmem_shared>>)
        tpu.yield
      }) : () -> ()
    }
    %scan3A_20 = arith.constant 5 : i32
    %barrier3A = arith.constant 0 : index
    tpu.barrier barrier_id(%barrier3A)
    %dma_wait3A = arith.constant 0 : i32
    %dma_wait3A_21 = arith.constant 0 : i32
    %dma_wait3A_22 = tpu.memref_slice %arg3[%add3A, %dma_wait3A, %dma_wait3A_21] : memref<32x80x128xi32, #tpu.memory_space<hbm>> -> memref<1x1x128xi32, #tpu.memory_space<hbm>>
    %dma_wait3A_23 = tpu.memref_squeeze %dma_wait3A_22 : memref<1x1x128xi32, #tpu.memory_space<hbm>> -> memref<128xi32, #tpu.memory_space<hbm>>
    %dma_wait3A_24 = arith.constant 0 : i32
    %dma_wait3A_25 = tpu.memref_slice %arg3[%add3A, %dma_wait3A, %dma_wait3A_24] : memref<32x80x128xi32, #tpu.memory_space<hbm>> -> memref<1x1x128xi32, #tpu.memory_space<hbm>>
    %dma_wait3A_26 = tpu.memref_squeeze %dma_wait3A_25 : memref<1x1x128xi32, #tpu.memory_space<hbm>> -> memref<128xi32, #tpu.memory_space<hbm>>
    tpu.wait_dma2 semaphore(%arg12 : memref<!tpu.dma_semaphore, #tpu.memory_space<semaphore_mem>>) src(%dma_wait3A_26 : memref<128xi32, #tpu.memory_space<hbm>>) dst(%arg8 : memref<128xi32, #tpu.memory_space<vmem>>)
    %dma_start3A_27 = arith.constant 0 : i32
    %dma_start3A_28 = arith.constant 0 : i32
    %dma_start3A_29 = tpu.memref_slice %arg2[%dma_start3A_27, %dma_start3A_28] : memref<10240x128xf32, #tpu.memory_space<hbm>> -> memref<10240x128xf32, #tpu.memory_space<hbm>>
    tpu.enqueue_indirect_dma source(%dma_start3A_29 : memref<10240x128xf32, #tpu.memory_space<hbm>>) target(%arg10 : memref<128x128xf32, #tpu.memory_space<vmem>>) offsets(%arg8 : memref<128xi32, #tpu.memory_space<vmem>>) semaphore(%arg14 : memref<!tpu.dma_semaphore, #tpu.memory_space<semaphore_mem>>)
    %scan3A_30 = arith.constant 0 : i32
    %scan3A_31 = arith.constant 0 : i32
    %scan3A_32 = arith.constant 40 : i32
    %scan3A_33 = arith.addi %scan3A_31, %scan3A_32 : i32
    %scan3A_34 = arith.constant 1 : i32
    scf.for %scan3A_50 = %scan3A_31 to %scan3A_33 step %scan3A_34  : i32 {
      %mul3A_51 = arith.constant 2 : i32
      %mul3A_52 = arith.muli %scan3A_50, %mul3A_51 : i32
      %dma_wait3A_53 = arith.constant 0 : i32
      %dma_wait3A_54 = arith.constant 0 : i32
      %dma_wait3A_55 = tpu.memref_slice %arg2[%dma_wait3A_53, %dma_wait3A_54] : memref<10240x128xf32, #tpu.memory_space<hbm>> -> memref<10240x128xf32, #tpu.memory_space<hbm>>
      tpu.wait_indirect_dma semaphore(%arg14 : memref<!tpu.dma_semaphore, #tpu.memory_space<semaphore_mem>>) src(%dma_wait3A_55 : memref<10240x128xf32, #tpu.memory_space<hbm>>) dst(%arg10 : memref<128x128xf32, #tpu.memory_space<vmem>>)
      %dma_start3A_56 = arith.constant 0 : i32
      %dma_start3A_57 = tpu.memref_slice %arg6[%mul3A_52, %dma_start3A_56] : memref<80x128xi32, #tpu.memory_space<vmem>> -> memref<1x128xi32, #tpu.memory_space<vmem>>
      %dma_start3A_58 = tpu.memref_squeeze %dma_start3A_57 : memref<1x128xi32, #tpu.memory_space<vmem>> -> memref<128xi32, #tpu.memory_space<vmem>>
      %dma_start3A_59 = arith.constant 0 : i32
      %dma_start3A_60 = arith.constant 0 : i32
      %dma_start3A_61 = tpu.memref_slice %arg7[%dma_start3A_59, %dma_start3A_60] : memref<10240x128xf32, #tpu.memory_space<vmem_shared>> -> memref<10240x128xf32, #tpu.memory_space<vmem_shared>>
      tpu.enqueue_indirect_dma source(%arg10 : memref<128x128xf32, #tpu.memory_space<vmem>>) target(%dma_start3A_61 : memref<10240x128xf32, #tpu.memory_space<vmem_shared>>) offsets(%dma_start3A_58 : memref<128xi32, #tpu.memory_space<vmem>>) semaphore(%arg16 : memref<!tpu.dma_semaphore, #tpu.memory_space<semaphore_mem>>) {add = true}
      %ge3A = arith.constant 1 : i32
      %ge3A_62 = arith.cmpi sge, %mul3A_52, %ge3A : i32
      %convert_element_type3A = arith.extui %ge3A_62 : i1 to i32
      %cond3A = arith.constant 0 : i32
      %cond3A_63 = arith.cmpi ne, %convert_element_type3A, %cond3A : i32
      scf.if %cond3A_63 {
        %sub3A = arith.constant 1 : i32
        %sub3A_107 = arith.subi %mul3A_52, %sub3A : i32
        %dma_wait3A_108 = arith.constant 0 : i32
        %dma_wait3A_109 = tpu.memref_slice %arg6[%sub3A_107, %dma_wait3A_108] : memref<80x128xi32, #tpu.memory_space<vmem>> -> memref<1x128xi32, #tpu.memory_space<vmem>>
        %dma_wait3A_110 = tpu.memref_squeeze %dma_wait3A_109 : memref<1x128xi32, #tpu.memory_space<vmem>> -> memref<128xi32, #tpu.memory_space<vmem>>
        %dma_wait3A_111 = arith.constant 0 : i32
        %dma_wait3A_112 = arith.constant 0 : i32
        %dma_wait3A_113 = tpu.memref_slice %arg7[%dma_wait3A_111, %dma_wait3A_112] : memref<10240x128xf32, #tpu.memory_space<vmem_shared>> -> memref<10240x128xf32, #tpu.memory_space<vmem_shared>>
        tpu.wait_indirect_dma semaphore(%arg17 : memref<!tpu.dma_semaphore, #tpu.memory_space<semaphore_mem>>) src(%arg11 : memref<128x128xf32, #tpu.memory_space<vmem>>) dst(%dma_wait3A_113 : memref<10240x128xf32, #tpu.memory_space<vmem_shared>>)
      } else {
      }
      %add3A_64 = arith.constant 1 : i32
      %add3A_65 = arith.addi %mul3A_52, %add3A_64 : i32
      %lt3A = arith.constant 80 : i32
      %lt3A_66 = arith.cmpi slt, %add3A_65, %lt3A : i32
      %convert_element_type3A_67 = arith.extui %lt3A_66 : i1 to i32
      %cond3A_68 = arith.constant 0 : i32
      %cond3A_69 = arith.cmpi ne, %convert_element_type3A_67, %cond3A_68 : i32
      scf.if %cond3A_69 {
        %add3A_107 = arith.constant 1 : i32
        %add3A_108 = arith.addi %mul3A_52, %add3A_107 : i32
        %dma_wait3A_109 = arith.constant 0 : i32
        %dma_wait3A_110 = tpu.memref_slice %arg3[%add3A, %add3A_108, %dma_wait3A_109] : memref<32x80x128xi32, #tpu.memory_space<hbm>> -> memref<1x1x128xi32, #tpu.memory_space<hbm>>
        %dma_wait3A_111 = tpu.memref_squeeze %dma_wait3A_110 : memref<1x1x128xi32, #tpu.memory_space<hbm>> -> memref<128xi32, #tpu.memory_space<hbm>>
        %dma_wait3A_112 = arith.constant 0 : i32
        %dma_wait3A_113 = tpu.memref_slice %arg3[%add3A, %add3A_108, %dma_wait3A_112] : memref<32x80x128xi32, #tpu.memory_space<hbm>> -> memref<1x1x128xi32, #tpu.memory_space<hbm>>
        %dma_wait3A_114 = tpu.memref_squeeze %dma_wait3A_113 : memref<1x1x128xi32, #tpu.memory_space<hbm>> -> memref<128xi32, #tpu.memory_space<hbm>>
        tpu.wait_dma2 semaphore(%arg13 : memref<!tpu.dma_semaphore, #tpu.memory_space<semaphore_mem>>) src(%dma_wait3A_114 : memref<128xi32, #tpu.memory_space<hbm>>) dst(%arg9 : memref<128xi32, #tpu.memory_space<vmem>>)
        %add3A_115 = arith.constant 1 : i32
        %add3A_116 = arith.addi %mul3A_52, %add3A_115 : i32
        %dma_start3A_117 = arith.constant 0 : i32
        %dma_start3A_118 = arith.constant 0 : i32
        %dma_start3A_119 = tpu.memref_slice %arg2[%dma_start3A_117, %dma_start3A_118] : memref<10240x128xf32, #tpu.memory_space<hbm>> -> memref<10240x128xf32, #tpu.memory_space<hbm>>
        tpu.enqueue_indirect_dma source(%dma_start3A_119 : memref<10240x128xf32, #tpu.memory_space<hbm>>) target(%arg11 : memref<128x128xf32, #tpu.memory_space<vmem>>) offsets(%arg9 : memref<128xi32, #tpu.memory_space<vmem>>) semaphore(%arg15 : memref<!tpu.dma_semaphore, #tpu.memory_space<semaphore_mem>>)
      } else {
      }
      %add3A_70 = arith.constant 2 : i32
      %add3A_71 = arith.addi %mul3A_52, %add3A_70 : i32
      %lt3A_72 = arith.constant 80 : i32
      %lt3A_73 = arith.cmpi slt, %add3A_71, %lt3A_72 : i32
      %convert_element_type3A_74 = arith.extui %lt3A_73 : i1 to i32
      %cond3A_75 = arith.constant 0 : i32
      %cond3A_76 = arith.cmpi ne, %convert_element_type3A_74, %cond3A_75 : i32
      scf.if %cond3A_76 {
        %add3A_107 = arith.constant 2 : i32
        %add3A_108 = arith.addi %mul3A_52, %add3A_107 : i32
        %dma_start3A_109 = arith.constant 0 : i32
        %dma_start3A_110 = tpu.memref_slice %arg3[%add3A, %add3A_108, %dma_start3A_109] : memref<32x80x128xi32, #tpu.memory_space<hbm>> -> memref<1x1x128xi32, #tpu.memory_space<hbm>>
        %dma_start3A_111 = tpu.memref_squeeze %dma_start3A_110 : memref<1x1x128xi32, #tpu.memory_space<hbm>> -> memref<128xi32, #tpu.memory_space<hbm>>
        %dma_start3A_112 = arith.constant 0 : i32
        %dma_start3A_113 = tpu.memref_slice %arg3[%add3A, %add3A_108, %dma_start3A_112] : memref<32x80x128xi32, #tpu.memory_space<hbm>> -> memref<1x1x128xi32, #tpu.memory_space<hbm>>
        %dma_start3A_114 = tpu.memref_squeeze %dma_start3A_113 : memref<1x1x128xi32, #tpu.memory_space<hbm>> -> memref<128xi32, #tpu.memory_space<hbm>>
        tpu.enqueue_dma source(%dma_start3A_114 : memref<128xi32, #tpu.memory_space<hbm>>) target(%arg8 : memref<128xi32, #tpu.memory_space<vmem>>) target_semaphore(%arg12 : memref<!tpu.dma_semaphore, #tpu.memory_space<semaphore_mem>>)
      } else {
      }
      %add3A_77 = arith.constant 1 : i32
      %add3A_78 = arith.addi %mul3A_52, %add3A_77 : i32
      %dma_wait3A_79 = arith.constant 0 : i32
      %dma_wait3A_80 = arith.constant 0 : i32
      %dma_wait3A_81 = tpu.memref_slice %arg2[%dma_wait3A_79, %dma_wait3A_80] : memref<10240x128xf32, #tpu.memory_space<hbm>> -> memref<10240x128xf32, #tpu.memory_space<hbm>>
      tpu.wait_indirect_dma semaphore(%arg15 : memref<!tpu.dma_semaphore, #tpu.memory_space<semaphore_mem>>) src(%dma_wait3A_81 : memref<10240x128xf32, #tpu.memory_space<hbm>>) dst(%arg11 : memref<128x128xf32, #tpu.memory_space<vmem>>)
      %dma_start3A_82 = arith.constant 0 : i32
      %dma_start3A_83 = tpu.memref_slice %arg6[%add3A_78, %dma_start3A_82] : memref<80x128xi32, #tpu.memory_space<vmem>> -> memref<1x128xi32, #tpu.memory_space<vmem>>
      %dma_start3A_84 = tpu.memref_squeeze %dma_start3A_83 : memref<1x128xi32, #tpu.memory_space<vmem>> -> memref<128xi32, #tpu.memory_space<vmem>>
      %dma_start3A_85 = arith.constant 0 : i32
      %dma_start3A_86 = arith.constant 0 : i32
      %dma_start3A_87 = tpu.memref_slice %arg7[%dma_start3A_85, %dma_start3A_86] : memref<10240x128xf32, #tpu.memory_space<vmem_shared>> -> memref<10240x128xf32, #tpu.memory_space<vmem_shared>>
      tpu.enqueue_indirect_dma source(%arg11 : memref<128x128xf32, #tpu.memory_space<vmem>>) target(%dma_start3A_87 : memref<10240x128xf32, #tpu.memory_space<vmem_shared>>) offsets(%dma_start3A_84 : memref<128xi32, #tpu.memory_space<vmem>>) semaphore(%arg17 : memref<!tpu.dma_semaphore, #tpu.memory_space<semaphore_mem>>) {add = true}
      %ge3A_88 = arith.constant 1 : i32
      %ge3A_89 = arith.cmpi sge, %add3A_78, %ge3A_88 : i32
      %convert_element_type3A_90 = arith.extui %ge3A_89 : i1 to i32
      %cond3A_91 = arith.constant 0 : i32
      %cond3A_92 = arith.cmpi ne, %convert_element_type3A_90, %cond3A_91 : i32
      scf.if %cond3A_92 {
        %sub3A = arith.constant 1 : i32
        %sub3A_107 = arith.subi %add3A_78, %sub3A : i32
        %dma_wait3A_108 = arith.constant 0 : i32
        %dma_wait3A_109 = tpu.memref_slice %arg6[%sub3A_107, %dma_wait3A_108] : memref<80x128xi32, #tpu.memory_space<vmem>> -> memref<1x128xi32, #tpu.memory_space<vmem>>
        %dma_wait3A_110 = tpu.memref_squeeze %dma_wait3A_109 : memref<1x128xi32, #tpu.memory_space<vmem>> -> memref<128xi32, #tpu.memory_space<vmem>>
        %dma_wait3A_111 = arith.constant 0 : i32
        %dma_wait3A_112 = arith.constant 0 : i32
        %dma_wait3A_113 = tpu.memref_slice %arg7[%dma_wait3A_111, %dma_wait3A_112] : memref<10240x128xf32, #tpu.memory_space<vmem_shared>> -> memref<10240x128xf32, #tpu.memory_space<vmem_shared>>
        tpu.wait_indirect_dma semaphore(%arg16 : memref<!tpu.dma_semaphore, #tpu.memory_space<semaphore_mem>>) src(%arg10 : memref<128x128xf32, #tpu.memory_space<vmem>>) dst(%dma_wait3A_113 : memref<10240x128xf32, #tpu.memory_space<vmem_shared>>)
      } else {
      }
      %add3A_93 = arith.constant 1 : i32
      %add3A_94 = arith.addi %add3A_78, %add3A_93 : i32
      %lt3A_95 = arith.constant 80 : i32
      %lt3A_96 = arith.cmpi slt, %add3A_94, %lt3A_95 : i32
      %convert_element_type3A_97 = arith.extui %lt3A_96 : i1 to i32
      %cond3A_98 = arith.constant 0 : i32
      %cond3A_99 = arith.cmpi ne, %convert_element_type3A_97, %cond3A_98 : i32
      scf.if %cond3A_99 {
        %add3A_107 = arith.constant 1 : i32
        %add3A_108 = arith.addi %add3A_78, %add3A_107 : i32
        %dma_wait3A_109 = arith.constant 0 : i32
        %dma_wait3A_110 = tpu.memref_slice %arg3[%add3A, %add3A_108, %dma_wait3A_109] : memref<32x80x128xi32, #tpu.memory_space<hbm>> -> memref<1x1x128xi32, #tpu.memory_space<hbm>>
        %dma_wait3A_111 = tpu.memref_squeeze %dma_wait3A_110 : memref<1x1x128xi32, #tpu.memory_space<hbm>> -> memref<128xi32, #tpu.memory_space<hbm>>
        %dma_wait3A_112 = arith.constant 0 : i32
        %dma_wait3A_113 = tpu.memref_slice %arg3[%add3A, %add3A_108, %dma_wait3A_112] : memref<32x80x128xi32, #tpu.memory_space<hbm>> -> memref<1x1x128xi32, #tpu.memory_space<hbm>>
        %dma_wait3A_114 = tpu.memref_squeeze %dma_wait3A_113 : memref<1x1x128xi32, #tpu.memory_space<hbm>> -> memref<128xi32, #tpu.memory_space<hbm>>
        tpu.wait_dma2 semaphore(%arg12 : memref<!tpu.dma_semaphore, #tpu.memory_space<semaphore_mem>>) src(%dma_wait3A_114 : memref<128xi32, #tpu.memory_space<hbm>>) dst(%arg8 : memref<128xi32, #tpu.memory_space<vmem>>)
        %add3A_115 = arith.constant 1 : i32
        %add3A_116 = arith.addi %add3A_78, %add3A_115 : i32
        %dma_start3A_117 = arith.constant 0 : i32
        %dma_start3A_118 = arith.constant 0 : i32
        %dma_start3A_119 = tpu.memref_slice %arg2[%dma_start3A_117, %dma_start3A_118] : memref<10240x128xf32, #tpu.memory_space<hbm>> -> memref<10240x128xf32, #tpu.memory_space<hbm>>
        tpu.enqueue_indirect_dma source(%dma_start3A_119 : memref<10240x128xf32, #tpu.memory_space<hbm>>) target(%arg10 : memref<128x128xf32, #tpu.memory_space<vmem>>) offsets(%arg8 : memref<128xi32, #tpu.memory_space<vmem>>) semaphore(%arg14 : memref<!tpu.dma_semaphore, #tpu.memory_space<semaphore_mem>>)
      } else {
      }
      %add3A_100 = arith.constant 2 : i32
      %add3A_101 = arith.addi %add3A_78, %add3A_100 : i32
      %lt3A_102 = arith.constant 80 : i32
      %lt3A_103 = arith.cmpi slt, %add3A_101, %lt3A_102 : i32
      %convert_element_type3A_104 = arith.extui %lt3A_103 : i1 to i32
      %cond3A_105 = arith.constant 0 : i32
      %cond3A_106 = arith.cmpi ne, %convert_element_type3A_104, %cond3A_105 : i32
      scf.if %cond3A_106 {
        %add3A_107 = arith.constant 2 : i32
        %add3A_108 = arith.addi %add3A_78, %add3A_107 : i32
        %dma_start3A_109 = arith.constant 0 : i32
        %dma_start3A_110 = tpu.memref_slice %arg3[%add3A, %add3A_108, %dma_start3A_109] : memref<32x80x128xi32, #tpu.memory_space<hbm>> -> memref<1x1x128xi32, #tpu.memory_space<hbm>>
        %dma_start3A_111 = tpu.memref_squeeze %dma_start3A_110 : memref<1x1x128xi32, #tpu.memory_space<hbm>> -> memref<128xi32, #tpu.memory_space<hbm>>
        %dma_start3A_112 = arith.constant 0 : i32
        %dma_start3A_113 = tpu.memref_slice %arg3[%add3A, %add3A_108, %dma_start3A_112] : memref<32x80x128xi32, #tpu.memory_space<hbm>> -> memref<1x1x128xi32, #tpu.memory_space<hbm>>
        %dma_start3A_114 = tpu.memref_squeeze %dma_start3A_113 : memref<1x1x128xi32, #tpu.memory_space<hbm>> -> memref<128xi32, #tpu.memory_space<hbm>>
        tpu.enqueue_dma source(%dma_start3A_114 : memref<128xi32, #tpu.memory_space<hbm>>) target(%arg9 : memref<128xi32, #tpu.memory_space<vmem>>) target_semaphore(%arg13 : memref<!tpu.dma_semaphore, #tpu.memory_space<semaphore_mem>>)
      } else {
      }
    }
    %scan3A_35 = arith.constant 40 : i32
    %dma_wait3A_36 = arith.constant 79 : i32
    %dma_wait3A_37 = arith.constant 0 : i32
    %dma_wait3A_38 = tpu.memref_slice %arg6[%dma_wait3A_36, %dma_wait3A_37] : memref<80x128xi32, #tpu.memory_space<vmem>> -> memref<1x128xi32, #tpu.memory_space<vmem>>
    %dma_wait3A_39 = tpu.memref_squeeze %dma_wait3A_38 : memref<1x128xi32, #tpu.memory_space<vmem>> -> memref<128xi32, #tpu.memory_space<vmem>>
    %dma_wait3A_40 = arith.constant 0 : i32
    %dma_wait3A_41 = arith.constant 0 : i32
    %dma_wait3A_42 = tpu.memref_slice %arg7[%dma_wait3A_40, %dma_wait3A_41] : memref<10240x128xf32, #tpu.memory_space<vmem_shared>> -> memref<10240x128xf32, #tpu.memory_space<vmem_shared>>
    tpu.wait_indirect_dma semaphore(%arg17 : memref<!tpu.dma_semaphore, #tpu.memory_space<semaphore_mem>>) src(%arg11 : memref<128x128xf32, #tpu.memory_space<vmem>>) dst(%dma_wait3A_42 : memref<10240x128xf32, #tpu.memory_space<vmem_shared>>)
    %barrier3A_43 = arith.constant 0 : index
    tpu.barrier barrier_id(%barrier3A_43)
    %scan3A_44 = arith.constant 0 : i32
    %scan3A_45 = arith.constant 0 : i32
    %scan3A_46 = arith.constant 5 : i32
    %scan3A_47 = arith.addi %scan3A_45, %scan3A_46 : i32
    %scan3A_48 = arith.constant 1 : i32
    scf.for %scan3A_50 = %scan3A_45 to %scan3A_47 step %scan3A_48  : i32 {
      %mul3A_51 = arith.constant 128 : i32
      %mul3A_52 = arith.muli %scan3A_50, %mul3A_51 : i32
      %add3A_53 = arith.addi %mul3A_2, %mul3A_52 : i32
      "tpu.region"() ({
        %run_scoped3A = tpu.sem_alloc : memref<!tpu.dma_semaphore, #tpu.memory_space<semaphore_mem>>
        %dma_start3A_60 = arith.constant 0 : i32
        %dma_start3A_61 = tpu.memref_slice %arg7[%add3A_53, %dma_start3A_60] : memref<10240x128xf32, #tpu.memory_space<vmem_shared>> -> memref<128x128xf32, #tpu.memory_space<vmem_shared>>
        %dma_start3A_62 = arith.constant 0 : i32
        %dma_start3A_63 = tpu.memref_slice %arg7[%add3A_53, %dma_start3A_62] : memref<10240x128xf32, #tpu.memory_space<vmem_shared>> -> memref<128x128xf32, #tpu.memory_space<vmem_shared>>
        tpu.enqueue_dma source(%dma_start3A_63 : memref<128x128xf32, #tpu.memory_space<vmem_shared>>) target(%arg10 : memref<128x128xf32, #tpu.memory_space<vmem>>) target_semaphore(%run_scoped3A : memref<!tpu.dma_semaphore, #tpu.memory_space<semaphore_mem>>)
        %dma_wait3A_64 = arith.constant 0 : i32
        %dma_wait3A_65 = tpu.memref_slice %arg7[%add3A_53, %dma_wait3A_64] : memref<10240x128xf32, #tpu.memory_space<vmem_shared>> -> memref<128x128xf32, #tpu.memory_space<vmem_shared>>
        %dma_wait3A_66 = arith.constant 0 : i32
        %dma_wait3A_67 = tpu.memref_slice %arg7[%add3A_53, %dma_wait3A_66] : memref<10240x128xf32, #tpu.memory_space<vmem_shared>> -> memref<128x128xf32, #tpu.memory_space<vmem_shared>>
        tpu.wait_dma2 semaphore(%run_scoped3A : memref<!tpu.dma_semaphore, #tpu.memory_space<semaphore_mem>>) src(%dma_wait3A_67 : memref<128x128xf32, #tpu.memory_space<vmem_shared>>) dst(%arg10 : memref<128x128xf32, #tpu.memory_space<vmem>>)
        tpu.yield
      }) : () -> ()
      %mul3A_54 = arith.constant 10240 : i32
      %mul3A_55 = arith.muli %arg0, %mul3A_54 : i32
      %add3A_56 = arith.addi %mul3A_55, %mul3A_2 : i32
      %mul3A_57 = arith.constant 128 : i32
      %mul3A_58 = arith.muli %scan3A_50, %mul3A_57 : i32
      %add3A_59 = arith.addi %add3A_56, %mul3A_58 : i32
      "tpu.region"() ({
        %run_scoped3A = tpu.sem_alloc : memref<!tpu.dma_semaphore, #tpu.memory_space<semaphore_mem>>
        %dma_start3A_60 = arith.constant 0 : i32
        %dma_start3A_61 = tpu.memref_slice %arg5[%add3A_59, %dma_start3A_60] : memref<20480x128xf32, #tpu.memory_space<hbm>> -> memref<128x128xf32, #tpu.memory_space<hbm>>
        %dma_start3A_62 = arith.constant 0 : i32
        %dma_start3A_63 = tpu.memref_slice %arg5[%add3A_59, %dma_start3A_62] : memref<20480x128xf32, #tpu.memory_space<hbm>> -> memref<128x128xf32, #tpu.memory_space<hbm>>
        tpu.enqueue_dma source(%arg10 : memref<128x128xf32, #tpu.memory_space<vmem>>) target(%dma_start3A_63 : memref<128x128xf32, #tpu.memory_space<hbm>>) target_semaphore(%run_scoped3A : memref<!tpu.dma_semaphore, #tpu.memory_space<semaphore_mem>>)
        %dma_wait3A_64 = arith.constant 0 : i32
        %dma_wait3A_65 = tpu.memref_slice %arg5[%add3A_59, %dma_wait3A_64] : memref<20480x128xf32, #tpu.memory_space<hbm>> -> memref<128x128xf32, #tpu.memory_space<hbm>>
        %dma_wait3A_66 = arith.constant 0 : i32
        %dma_wait3A_67 = tpu.memref_slice %arg5[%add3A_59, %dma_wait3A_66] : memref<20480x128xf32, #tpu.memory_space<hbm>> -> memref<128x128xf32, #tpu.memory_space<hbm>>
        tpu.wait_dma2 semaphore(%run_scoped3A : memref<!tpu.dma_semaphore, #tpu.memory_space<semaphore_mem>>) src(%arg10 : memref<128x128xf32, #tpu.memory_space<vmem>>) dst(%dma_wait3A_67 : memref<128x128xf32, #tpu.memory_space<hbm>>)
        tpu.yield
      }) : () -> ()
    }
    %scan3A_49 = arith.constant 5 : i32
    return
  }
}

module attributes {stable_mosaic.version = 14 : i64} {
  func.func @_prep_body(%arg0: i32, %arg1: memref<1024x128xf32, #tpu.memory_space<vmem>>, %arg2: memref<1024x128xf32, #tpu.memory_space<vmem>>, %arg3: memref<1024x128xf32, #tpu.memory_space<vmem>>, %arg4: memref<128x128xf32, #tpu.memory_space<vmem>>, %arg5: memref<1024x128xf32, #tpu.memory_space<vmem>>, %arg6: memref<1024x1xf32, #tpu.memory_space<vmem>>) attributes {dimension_semantics = [#tpu.dimension_semantics<arbitrary>], iteration_bounds = array<i64: 10>, scalar_prefetch = 0 : i64, scratch_operands = 0 : i64, tpu.core_type = #tpu.core_type<tc>, window_params = [{transform_indices = @transform_0, window_bounds = array<i64: 1024, 128>}, {transform_indices = @transform_1, window_bounds = array<i64: 1024, 128>}, {transform_indices = @transform_2, window_bounds = array<i64: 1024, 128>}, {pipeline_mode = #tpu.pipeline_mode<synchronous>, transform_indices = @transform_3, window_bounds = array<i64: 128, 128>}, {transform_indices = @transform_4, window_bounds = array<i64: 1024, 128>}, {transform_indices = @transform_5, window_bounds = array<i64: 1024, 1>}]} {
    %get3A = arith.constant 0 : index
    %get3A_0 = arith.constant 0 : index
    %get3A_1 = vector.load %arg1[%get3A, %get3A_0] : memref<1024x128xf32, #tpu.memory_space<vmem>>, vector<1024x1xf32>
    %get3A_2 = arith.constant 0 : index
    %get3A_3 = arith.constant 0 : index
    %get3A_4 = vector.load %arg2[%get3A_2, %get3A_3] : memref<1024x128xf32, #tpu.memory_space<vmem>>, vector<1024x1xf32>
    %add3A = arith.addf %get3A_1, %get3A_4 : vector<1024x1xf32>
    %add3A_5 = arith.constant 1.000000e+00 : f32
    %add3A_6 = vector.broadcast %add3A_5 : f32 to vector<1024x1xf32>
    %add3A_7 = arith.addf %add3A, %add3A_6 : vector<1024x1xf32>
    %rsqrt3A = math.rsqrt %add3A_7 : vector<1024x1xf32>
    %swap3A = arith.constant 0 : index
    %swap3A_8 = arith.constant 0 : index
    %swap3A_9 = vector.load %arg6[%swap3A, %swap3A_8] : memref<1024x1xf32, #tpu.memory_space<vmem>>, vector<1024x1xf32>
    tpu.vector_store %arg6[%swap3A, %swap3A_8], %rsqrt3A {strides = array<i32>} : memref<1024x1xf32, #tpu.memory_space<vmem>>, vector<1024x1xf32>,
    %get3A_10 = arith.constant 0 : index
    %get3A_11 = arith.constant 0 : index
    %get3A_12 = vector.load %arg3[%get3A_10, %get3A_11] : memref<1024x128xf32, #tpu.memory_space<vmem>>, vector<1024x128xf32>
    %mul3A = vector.broadcast %rsqrt3A : vector<1024x1xf32> to vector<1024x128xf32>
    %mul3A_13 = arith.mulf %get3A_12, %mul3A : vector<1024x128xf32>
    %get3A_14 = arith.constant 0 : index
    %get3A_15 = arith.constant 0 : index
    %get3A_16 = vector.load %arg4[%get3A_14, %get3A_15] : memref<128x128xf32, #tpu.memory_space<vmem>>, vector<128x128xf32>
    %dot_general3A = arith.constant dense<0.000000e+00> : vector<1024x128xf32>
    %dot_general3A_17 = tpu.matmul %mul3A_13, %get3A_16, %dot_general3A {dimension_numbers = #tpu.dot_dimension_numbers<[1], [0], [0], [1], [0, 0, 1, 1], [], []>, transpose_lhs_hint = false} : vector<1024x128xf32>, vector<128x128xf32>, vector<1024x128xf32> -> vector<1024x128xf32>
    %swap3A_18 = arith.constant 0 : index
    %swap3A_19 = arith.constant 0 : index
    %swap3A_20 = vector.load %arg5[%swap3A_18, %swap3A_19] : memref<1024x128xf32, #tpu.memory_space<vmem>>, vector<1024x128xf32>
    tpu.vector_store %arg5[%swap3A_18, %swap3A_19], %dot_general3A_17 {strides = array<i32>} : memref<1024x128xf32, #tpu.memory_space<vmem>>, vector<1024x128xf32>,
    return
  }
  func.func @transform_0(%arg0: i32) -> (i32, i32) {
    %c0_i32 = arith.constant 0 : i32
    %c0_i32_0 = arith.constant 0 : i32
    return %arg0, %c0_i32 : i32, i32
  }
  func.func @transform_1(%arg0: i32) -> (i32, i32) {
    %add3A = arith.constant 10 : i32
    %add3A_0 = arith.addi %arg0, %add3A : i32
    %c0_i32 = arith.constant 0 : i32
    %c0_i32_1 = arith.constant 0 : i32
    return %add3A_0, %c0_i32 : i32, i32
  }
  func.func @transform_2(%arg0: i32) -> (i32, i32) {
    %c0_i32 = arith.constant 0 : i32
    %c0_i32_0 = arith.constant 0 : i32
    return %arg0, %c0_i32 : i32, i32
  }
  func.func @transform_3(%arg0: i32) -> (i32, i32) {
    %c0_i32 = arith.constant 0 : i32
    %c0_i32_0 = arith.constant 0 : i32
    %c0_i32_1 = arith.constant 0 : i32
    return %c0_i32, %c0_i32_0 : i32, i32
  }
  func.func @transform_4(%arg0: i32) -> (i32, i32) {
    %c0_i32 = arith.constant 0 : i32
    %c0_i32_0 = arith.constant 0 : i32
    return %arg0, %c0_i32 : i32, i32
  }
  func.func @transform_5(%arg0: i32) -> (i32, i32) {
    %c0_i32 = arith.constant 0 : i32
    %c0_i32_0 = arith.constant 0 : i32
    return %arg0, %c0_i32 : i32, i32
  }
}

module attributes {stable_mosaic.version = 14 : i64} {
  func.func @_mid_body(%arg0: i32, %arg1: memref<1024x128xf32, #tpu.memory_space<vmem>>, %arg2: memref<1024x128xf32, #tpu.memory_space<vmem>>, %arg3: memref<1024x128xf32, #tpu.memory_space<vmem>>, %arg4: memref<1024x1xf32, #tpu.memory_space<vmem>>, %arg5: memref<1x128xf32, #tpu.memory_space<vmem>>, %arg6: memref<128x128xf32, #tpu.memory_space<vmem>>, %arg7: memref<1024x128xf32, #tpu.memory_space<vmem>>) attributes {dimension_semantics = [#tpu.dimension_semantics<arbitrary>], iteration_bounds = array<i64: 10>, scalar_prefetch = 0 : i64, scratch_operands = 0 : i64, tpu.core_type = #tpu.core_type<tc>, window_params = [{transform_indices = @transform_0, window_bounds = array<i64: 1024, 128>}, {transform_indices = @transform_1, window_bounds = array<i64: 1024, 128>}, {transform_indices = @transform_2, window_bounds = array<i64: 1024, 128>}, {transform_indices = @transform_3, window_bounds = array<i64: 1024, 1>}, {pipeline_mode = #tpu.pipeline_mode<synchronous>, transform_indices = @transform_4, window_bounds = array<i64: 1, 128>}, {pipeline_mode = #tpu.pipeline_mode<synchronous>, transform_indices = @transform_5, window_bounds = array<i64: 128, 128>}, {transform_indices = @transform_6, window_bounds = array<i64: 1024, 128>}]} {
    %get3A = arith.constant 0 : index
    %get3A_0 = arith.constant 0 : index
    %get3A_1 = vector.load %arg1[%get3A, %get3A_0] : memref<1024x128xf32, #tpu.memory_space<vmem>>, vector<1024x128xf32>
    %get3A_2 = arith.constant 0 : index
    %get3A_3 = arith.constant 0 : index
    %get3A_4 = vector.load %arg2[%get3A_2, %get3A_3] : memref<1024x128xf32, #tpu.memory_space<vmem>>, vector<1024x128xf32>
    %add3A = arith.addf %get3A_1, %get3A_4 : vector<1024x128xf32>
    %get3A_5 = arith.constant 0 : index
    %get3A_6 = arith.constant 0 : index
    %get3A_7 = vector.load %arg3[%get3A_5, %get3A_6] : memref<1024x128xf32, #tpu.memory_space<vmem>>, vector<1024x128xf32>
    %sub3A = arith.subf %add3A, %get3A_7 : vector<1024x128xf32>
    %get3A_8 = arith.constant 0 : index
    %get3A_9 = arith.constant 0 : index
    %get3A_10 = vector.load %arg4[%get3A_8, %get3A_9] : memref<1024x1xf32, #tpu.memory_space<vmem>>, vector<1024x1xf32>
    %mul3A = vector.broadcast %get3A_10 : vector<1024x1xf32> to vector<1024x128xf32>
    %mul3A_11 = arith.mulf %mul3A, %sub3A : vector<1024x128xf32>
    %get3A_12 = arith.constant 0 : index
    %get3A_13 = arith.constant 0 : index
    %get3A_14 = vector.load %arg5[%get3A_12, %get3A_13] : memref<1x128xf32, #tpu.memory_space<vmem>>, vector<1x128xf32>
    %add3A_15 = vector.broadcast %get3A_14 : vector<1x128xf32> to vector<1024x128xf32>
    %add3A_16 = arith.addf %mul3A_11, %add3A_15 : vector<1024x128xf32>
    %max3A = arith.constant 0.000000e+00 : f32
    %max3A_17 = vector.broadcast %max3A : f32 to vector<1024x128xf32>
    %max3A_18 = arith.maximumf %add3A_16, %max3A_17 : vector<1024x128xf32>
    %get3A_19 = arith.constant 0 : index
    %get3A_20 = arith.constant 0 : index
    %get3A_21 = vector.load %arg4[%get3A_19, %get3A_20] : memref<1024x1xf32, #tpu.memory_space<vmem>>, vector<1024x1xf32>
    %mul3A_22 = vector.broadcast %get3A_21 : vector<1024x1xf32> to vector<1024x128xf32>
    %mul3A_23 = arith.mulf %max3A_18, %mul3A_22 : vector<1024x128xf32>
    %get3A_24 = arith.constant 0 : index
    %get3A_25 = arith.constant 0 : index
    %get3A_26 = vector.load %arg6[%get3A_24, %get3A_25] : memref<128x128xf32, #tpu.memory_space<vmem>>, vector<128x128xf32>
    %dot_general3A = arith.constant dense<0.000000e+00> : vector<1024x128xf32>
    %dot_general3A_27 = tpu.matmul %mul3A_23, %get3A_26, %dot_general3A {dimension_numbers = #tpu.dot_dimension_numbers<[1], [0], [0], [1], [0, 0, 1, 1], [], []>, transpose_lhs_hint = false} : vector<1024x128xf32>, vector<128x128xf32>, vector<1024x128xf32> -> vector<1024x128xf32>
    %swap3A = arith.constant 0 : index
    %swap3A_28 = arith.constant 0 : index
    %swap3A_29 = vector.load %arg7[%swap3A, %swap3A_28] : memref<1024x128xf32, #tpu.memory_space<vmem>>, vector<1024x128xf32>
    tpu.vector_store %arg7[%swap3A, %swap3A_28], %dot_general3A_27 {strides = array<i32>} : memref<1024x128xf32, #tpu.memory_space<vmem>>, vector<1024x128xf32>,
    return
  }
  func.func @transform_0(%arg0: i32) -> (i32, i32) {
    %c0_i32 = arith.constant 0 : i32
    %c0_i32_0 = arith.constant 0 : i32
    return %arg0, %c0_i32 : i32, i32
  }
  func.func @transform_1(%arg0: i32) -> (i32, i32) {
    %add3A = arith.constant 10 : i32
    %add3A_0 = arith.addi %arg0, %add3A : i32
    %c0_i32 = arith.constant 0 : i32
    %c0_i32_1 = arith.constant 0 : i32
    return %add3A_0, %c0_i32 : i32, i32
  }
  func.func @transform_2(%arg0: i32) -> (i32, i32) {
    %c0_i32 = arith.constant 0 : i32
    %c0_i32_0 = arith.constant 0 : i32
    return %arg0, %c0_i32 : i32, i32
  }
  func.func @transform_3(%arg0: i32) -> (i32, i32) {
    %c0_i32 = arith.constant 0 : i32
    %c0_i32_0 = arith.constant 0 : i32
    return %arg0, %c0_i32 : i32, i32
  }
  func.func @transform_4(%arg0: i32) -> (i32, i32) {
    %c0_i32 = arith.constant 0 : i32
    %c0_i32_0 = arith.constant 0 : i32
    %c0_i32_1 = arith.constant 0 : i32
    return %c0_i32, %c0_i32_0 : i32, i32
  }
  func.func @transform_5(%arg0: i32) -> (i32, i32) {
    %c0_i32 = arith.constant 0 : i32
    %c0_i32_0 = arith.constant 0 : i32
    %c0_i32_1 = arith.constant 0 : i32
    return %c0_i32, %c0_i32_0 : i32, i32
  }
  func.func @transform_6(%arg0: i32) -> (i32, i32) {
    %c0_i32 = arith.constant 0 : i32
    %c0_i32_0 = arith.constant 0 : i32
    return %arg0, %c0_i32 : i32, i32
  }
}

module attributes {stable_mosaic.version = 14 : i64} {
  func.func @_final_body(%arg0: i32, %arg1: memref<1024x128xf32, #tpu.memory_space<vmem>>, %arg2: memref<1024x128xf32, #tpu.memory_space<vmem>>, %arg3: memref<1024x128xf32, #tpu.memory_space<vmem>>, %arg4: memref<1024x1xf32, #tpu.memory_space<vmem>>, %arg5: memref<1x128xf32, #tpu.memory_space<vmem>>, %arg6: memref<1024x128xf32, #tpu.memory_space<vmem>>) attributes {dimension_semantics = [#tpu.dimension_semantics<arbitrary>], iteration_bounds = array<i64: 10>, scalar_prefetch = 0 : i64, scratch_operands = 0 : i64, tpu.core_type = #tpu.core_type<tc>, window_params = [{transform_indices = @transform_0, window_bounds = array<i64: 1024, 128>}, {transform_indices = @transform_1, window_bounds = array<i64: 1024, 128>}, {transform_indices = @transform_2, window_bounds = array<i64: 1024, 128>}, {transform_indices = @transform_3, window_bounds = array<i64: 1024, 1>}, {pipeline_mode = #tpu.pipeline_mode<synchronous>, transform_indices = @transform_4, window_bounds = array<i64: 1, 128>}, {transform_indices = @transform_5, window_bounds = array<i64: 1024, 128>}]} {
    %get3A = arith.constant 0 : index
    %get3A_0 = arith.constant 0 : index
    %get3A_1 = vector.load %arg1[%get3A, %get3A_0] : memref<1024x128xf32, #tpu.memory_space<vmem>>, vector<1024x128xf32>
    %get3A_2 = arith.constant 0 : index
    %get3A_3 = arith.constant 0 : index
    %get3A_4 = vector.load %arg2[%get3A_2, %get3A_3] : memref<1024x128xf32, #tpu.memory_space<vmem>>, vector<1024x128xf32>
    %add3A = arith.addf %get3A_1, %get3A_4 : vector<1024x128xf32>
    %get3A_5 = arith.constant 0 : index
    %get3A_6 = arith.constant 0 : index
    %get3A_7 = vector.load %arg3[%get3A_5, %get3A_6] : memref<1024x128xf32, #tpu.memory_space<vmem>>, vector<1024x128xf32>
    %sub3A = arith.subf %add3A, %get3A_7 : vector<1024x128xf32>
    %get3A_8 = arith.constant 0 : index
    %get3A_9 = arith.constant 0 : index
    %get3A_10 = vector.load %arg4[%get3A_8, %get3A_9] : memref<1024x1xf32, #tpu.memory_space<vmem>>, vector<1024x1xf32>
    %mul3A = vector.broadcast %get3A_10 : vector<1024x1xf32> to vector<1024x128xf32>
    %mul3A_11 = arith.mulf %mul3A, %sub3A : vector<1024x128xf32>
    %get3A_12 = arith.constant 0 : index
    %get3A_13 = arith.constant 0 : index
    %get3A_14 = vector.load %arg5[%get3A_12, %get3A_13] : memref<1x128xf32, #tpu.memory_space<vmem>>, vector<1x128xf32>
    %add3A_15 = vector.broadcast %get3A_14 : vector<1x128xf32> to vector<1024x128xf32>
    %add3A_16 = arith.addf %mul3A_11, %add3A_15 : vector<1024x128xf32>
    %swap3A = arith.constant 0 : index
    %swap3A_17 = arith.constant 0 : index
    %swap3A_18 = vector.load %arg6[%swap3A, %swap3A_17] : memref<1024x128xf32, #tpu.memory_space<vmem>>, vector<1024x128xf32>
    tpu.vector_store %arg6[%swap3A, %swap3A_17], %add3A_16 {strides = array<i32>} : memref<1024x128xf32, #tpu.memory_space<vmem>>, vector<1024x128xf32>,
    return
  }
  func.func @transform_0(%arg0: i32) -> (i32, i32) {
    %c0_i32 = arith.constant 0 : i32
    %c0_i32_0 = arith.constant 0 : i32
    return %arg0, %c0_i32 : i32, i32
  }
  func.func @transform_1(%arg0: i32) -> (i32, i32) {
    %add3A = arith.constant 10 : i32
    %add3A_0 = arith.addi %arg0, %add3A : i32
    %c0_i32 = arith.constant 0 : i32
    %c0_i32_1 = arith.constant 0 : i32
    return %add3A_0, %c0_i32 : i32, i32
  }
  func.func @transform_2(%arg0: i32) -> (i32, i32) {
    %c0_i32 = arith.constant 0 : i32
    %c0_i32_0 = arith.constant 0 : i32
    return %arg0, %c0_i32 : i32, i32
  }
  func.func @transform_3(%arg0: i32) -> (i32, i32) {
    %c0_i32 = arith.constant 0 : i32
    %c0_i32_0 = arith.constant 0 : i32
    return %arg0, %c0_i32 : i32, i32
  }
  func.func @transform_4(%arg0: i32) -> (i32, i32) {
    %c0_i32 = arith.constant 0 : i32
    %c0_i32_0 = arith.constant 0 : i32
    %c0_i32_1 = arith.constant 0 : i32
    return %c0_i32, %c0_i32_0 : i32, i32
  }
  func.func @transform_5(%arg0: i32) -> (i32, i32) {
    %c0_i32 = arith.constant 0 : i32
    %c0_i32_0 = arith.constant 0 : i32
    return %arg0, %c0_i32 : i32, i32
  }
}

module attributes {stable_mosaic.version = 14 : i64} {
  func.func @_pred_body(%arg0: i32, %arg1: memref<2048x128xf32, #tpu.memory_space<vmem>>, %arg2: memref<2048x128xf32, #tpu.memory_space<vmem>>, %arg3: memref<128x128xf32, #tpu.memory_space<vmem>>, %arg4: memref<1x128xf32, #tpu.memory_space<vmem>>, %arg5: memref<128x1xf32, #tpu.memory_space<vmem>>, %arg6: memref<1x1xf32, #tpu.memory_space<vmem>>, %arg7: memref<2048x1xf32, #tpu.memory_space<vmem>>) attributes {dimension_semantics = [#tpu.dimension_semantics<arbitrary>], iteration_bounds = array<i64: 32>, scalar_prefetch = 0 : i64, scratch_operands = 0 : i64, tpu.core_type = #tpu.core_type<tc>, window_params = [{transform_indices = @transform_0, window_bounds = array<i64: 2048, 128>}, {transform_indices = @transform_1, window_bounds = array<i64: 2048, 128>}, {pipeline_mode = #tpu.pipeline_mode<synchronous>, transform_indices = @transform_2, window_bounds = array<i64: 128, 128>}, {pipeline_mode = #tpu.pipeline_mode<synchronous>, transform_indices = @transform_3, window_bounds = array<i64: 1, 128>}, {pipeline_mode = #tpu.pipeline_mode<synchronous>, transform_indices = @transform_4, window_bounds = array<i64: 128, 1>}, {pipeline_mode = #tpu.pipeline_mode<synchronous>, transform_indices = @transform_5, window_bounds = array<i64: 1, 1>}, {transform_indices = @transform_6, window_bounds = array<i64: 2048, 1>}]} {
    %get3A = arith.constant 0 : index
    %get3A_0 = arith.constant 0 : index
    %get3A_1 = vector.load %arg1[%get3A, %get3A_0] : memref<2048x128xf32, #tpu.memory_space<vmem>>, vector<2048x128xf32>
    %get3A_2 = arith.constant 0 : index
    %get3A_3 = arith.constant 0 : index
    %get3A_4 = vector.load %arg2[%get3A_2, %get3A_3] : memref<2048x128xf32, #tpu.memory_space<vmem>>, vector<2048x128xf32>
    %mul3A = arith.mulf %get3A_1, %get3A_4 : vector<2048x128xf32>
    %get3A_5 = arith.constant 0 : index
    %get3A_6 = arith.constant 0 : index
    %get3A_7 = vector.load %arg3[%get3A_5, %get3A_6] : memref<128x128xf32, #tpu.memory_space<vmem>>, vector<128x128xf32>
    %dot_general3A = arith.constant dense<0.000000e+00> : vector<2048x128xf32>
    %dot_general3A_8 = tpu.matmul %mul3A, %get3A_7, %dot_general3A {dimension_numbers = #tpu.dot_dimension_numbers<[1], [0], [0], [1], [0, 0, 1, 1], [], []>, transpose_lhs_hint = false} : vector<2048x128xf32>, vector<128x128xf32>, vector<2048x128xf32> -> vector<2048x128xf32>
    %get3A_9 = arith.constant 0 : index
    %get3A_10 = arith.constant 0 : index
    %get3A_11 = vector.load %arg4[%get3A_9, %get3A_10] : memref<1x128xf32, #tpu.memory_space<vmem>>, vector<1x128xf32>
    %add3A = vector.broadcast %get3A_11 : vector<1x128xf32> to vector<2048x128xf32>
    %add3A_12 = arith.addf %dot_general3A_8, %add3A : vector<2048x128xf32>
    %max3A = arith.constant 0.000000e+00 : f32
    %max3A_13 = vector.broadcast %max3A : f32 to vector<2048x128xf32>
    %max3A_14 = arith.maximumf %add3A_12, %max3A_13 : vector<2048x128xf32>
    %get3A_15 = arith.constant 0 : index
    %get3A_16 = arith.constant 0 : index
    %get3A_17 = vector.load %arg5[%get3A_15, %get3A_16] : memref<128x1xf32, #tpu.memory_space<vmem>>, vector<128x1xf32>
    %dot_general3A_18 = arith.constant dense<0.000000e+00> : vector<2048x1xf32>
    %dot_general3A_19 = tpu.matmul %max3A_14, %get3A_17, %dot_general3A_18 {dimension_numbers = #tpu.dot_dimension_numbers<[1], [0], [0], [1], [0, 0, 1, 1], [], []>, transpose_lhs_hint = false} : vector<2048x128xf32>, vector<128x1xf32>, vector<2048x1xf32> -> vector<2048x1xf32>
    %get3A_20 = arith.constant 0 : index
    %get3A_21 = arith.constant 0 : index
    %get3A_22 = vector.load %arg6[%get3A_20, %get3A_21] : memref<1x1xf32, #tpu.memory_space<vmem>>, vector<1x1xf32>
    %add3A_23 = vector.broadcast %get3A_22 : vector<1x1xf32> to vector<2048x1xf32>
    %add3A_24 = arith.addf %dot_general3A_19, %add3A_23 : vector<2048x1xf32>
    %logistic3A = arith.negf %add3A_24 : vector<2048x1xf32>
    %logistic3A_25 = math.exp %logistic3A : vector<2048x1xf32>
    %logistic3A_26 = arith.constant 1.000000e+00 : f32
    %logistic3A_27 = vector.broadcast %logistic3A_26 : f32 to vector<2048x1xf32>
    %logistic3A_28 = arith.addf %logistic3A_27, %logistic3A_25 : vector<2048x1xf32>
    %logistic3A_29 = arith.divf %logistic3A_27, %logistic3A_28 : vector<2048x1xf32>
    %swap3A = arith.constant 0 : index
    %swap3A_30 = arith.constant 0 : index
    %swap3A_31 = vector.load %arg7[%swap3A, %swap3A_30] : memref<2048x1xf32, #tpu.memory_space<vmem>>, vector<2048x1xf32>
    tpu.vector_store %arg7[%swap3A, %swap3A_30], %logistic3A_29 {strides = array<i32>} : memref<2048x1xf32, #tpu.memory_space<vmem>>, vector<2048x1xf32>,
    return
  }
  func.func @transform_0(%arg0: i32) -> (i32, i32) {
    %c0_i32 = arith.constant 0 : i32
    %c0_i32_0 = arith.constant 0 : i32
    return %arg0, %c0_i32 : i32, i32
  }
  func.func @transform_1(%arg0: i32) -> (i32, i32) {
    %add3A = arith.constant 32 : i32
    %add3A_0 = arith.addi %arg0, %add3A : i32
    %c0_i32 = arith.constant 0 : i32
    %c0_i32_1 = arith.constant 0 : i32
    return %add3A_0, %c0_i32 : i32, i32
  }
  func.func @transform_2(%arg0: i32) -> (i32, i32) {
    %c0_i32 = arith.constant 0 : i32
    %c0_i32_0 = arith.constant 0 : i32
    %c0_i32_1 = arith.constant 0 : i32
    return %c0_i32, %c0_i32_0 : i32, i32
  }
  func.func @transform_3(%arg0: i32) -> (i32, i32) {
    %c0_i32 = arith.constant 0 : i32
    %c0_i32_0 = arith.constant 0 : i32
    %c0_i32_1 = arith.constant 0 : i32
    return %c0_i32, %c0_i32_0 : i32, i32
  }
  func.func @transform_4(%arg0: i32) -> (i32, i32) {
    %c0_i32 = arith.constant 0 : i32
    %c0_i32_0 = arith.constant 0 : i32
    %c0_i32_1 = arith.constant 0 : i32
    return %c0_i32, %c0_i32_0 : i32, i32
  }
  func.func @transform_5(%arg0: i32) -> (i32, i32) {
    %c0_i32 = arith.constant 0 : i32
    %c0_i32_0 = arith.constant 0 : i32
    %c0_i32_1 = arith.constant 0 : i32
    return %c0_i32, %c0_i32_0 : i32, i32
  }
  func.func @transform_6(%arg0: i32) -> (i32, i32) {
    %c0_i32 = arith.constant 0 : i32
    %c0_i32_0 = arith.constant 0 : i32
    return %arg0, %c0_i32 : i32, i32
  }
}

</mosaic_0001>

<sc_bundles>
// kernel: kernel.10.cloned.1.call-start
scs
__scs_entry_jumppad:
0x0: {  	(pc) =	sbr.rel $0x88, $3  }
0x1: {  	(tag) =	ssettag $0x0;
	lr =	simm.s32 $0x1  }
0x2: {  	[smem:$0x3F96] =	sst lr;
	_ =	strace $0xD0000000  }
0x3: {  	_ = 	snop  }
0x4: {  	_ = 	snop  }
0x5: {  	_ = 	snop  }
0x6: {  	_ = 	snop  }
0x7: {  	_ = 	snop  }
__scs_overlays_trampoline_lowered:
0x8: {  	[smem:$0x3FA5] =	sst s0  }
0x9: {  	[smem:$0x3FA6] =	sst s1  }
0xa: {  	[smem:$0x3FA7] =	sst s2  }
0xb: {  	[smem:$0x3FA8] =	sst s3  }
0xc: {  	[smem:$0x3FA9] =	sst s4  }
0xd: {  	[smem:$0x3FAA] =	sst s5  }
0xe: {  	[smem:$0x3FAB] =	sst s6  }
0xf: {  	[smem:$0x3FAC] =	sst s7  }
0x10: {  	[smem:$0x3FAD] =	sst s8  }
0x11: {  	[smem:$0x3FAE] =	sst s9;
	s0 =	simm.s32 @!p0 $0x0  }
0x12: {  	s1 =	sld [smem:$0x3F94];
	s0 =	simm.s32 @p0 $0x1  }
0x13: {  	[smem:$0x3FAF] =	sst s0;
	s0 =	simm.s32 @!p1 $0x0  }
0x14: {  	s2 =	sld [smem:$0x3F93];
	s0 =	simm.s32 @p1 $0x1  }
0x15: {  	[smem:$0x3FB0] =	sst s0;
	s0 =	simm.s32 @!p2 $0x0  }
0x16: {  	s3 =	sld [smem:$0x3FDB];
	s0 =	simm.s32 @p2 $0x1  }
0x17: {  	s4 =	simm.s32 $0x1BF5;
	[smem:$0x3FB2] =	sst s0  }
0x18: {  	s0 =	sld [smem:$0x3F95];
	_ =	swait.ge [sflag:s4], $0x0  }
0x19: {  	s7 =	sld [smem:$0x3F96]  }
0x1a: {  	s8 =	sadd.s32 $0xFFFFE003, lr  }
0x1b: {  	s9 =	sadd.s32 $0xFFFFFEF7, lr;
	s5 =	simm.s32 $0xFFFFFFFF;
	p2 =	slt.u32 s8, $0xFFFFF086  }
0x1c: {  	p1 =	slt.u32 s9, $0xF7A;
	s5 =	simm.s32 @!p2 $0x0  }
0x1d: {  	s5 =	simm.s32 @p1 $0x1;
	p0 =	seq.s32 s7, s2  }
0x1e: {  	s7 =	smul.u32 @!p0 $0xF7A, s2;
	p2 =	seq.s32 @!p0 s5, $0x0  }
0x1f: {  	s9 =	smul.u32 $0xF7A, s1;
	s8 =	simm.s32 @!p0 $0x1BF5;
	p2 =	por !p2, p0  }
0x20: {  	[sflag:s8] =	ssyncset.s32 @!p0 $0xFFFFF086;
	s6 =	sadd.s32 @!p0 s3, s7;
	s7 =	simm.s32 @!p0 $0x108  }
0x21: {  	s3 =	sadd.s32 s3, s9;
	s6 =	sadd.s32 @!p0 $0x88, s6;
	s7 =	simm.s32 @p2 $0x1082  }
0x22: {  	[simem:s7], [sflag:s8] =	dma.local @!p0 [hbm:s6], $0xF7A  }
0x23: {  	s9 =	sor.u32 $0xD0000000, s2;
	s6 =	simm.s32 $0x108;
	_ =	swait.ge @!p0 [sflag:s8], $0x0  }
0x24: {  	s3 =	sadd.s32 $0x88, s3;
	s6 =	simm.s32 @!p1 $0x1082;
	[sflag:s4] =	ssyncset.s32 $0xFFFFF086  }
0x25: {  	[simem:s6], [sflag:s4] =	dma.local [hbm:s3], $0xF7A  }
0x26: {  	[smem:$0x3F96] =	sst s1;
	(tag) =	ssettag s2;
	_ =	strace s9  }
0x27: {  	s1 =	sld [smem:$0x3FA6]  }
0x28: {  	s2 =	sld [smem:$0x3FA7]  }
0x29: {  	s4 =	sld [smem:$0x3FA9]  }
0x2a: {  	p0 =	seq.s32 s5, $0x0;
	s5 =	sld [smem:$0x3FAA]  }
0x2b: {  	s6 =	sld [smem:$0x3FAB]  }
0x2c: {  	s7 =	sld [smem:$0x3FAC]  }
0x2d: {  	s3 =	simm.s32 $0x108;
	s8 =	sld [smem:$0x3FAD]  }
0x2e: {  	s3 =	simm.s32 @!p0 $0x1082;
	s9 =	sld [smem:$0x3FAE]  }
0x2f: {  	lr =	sadd.s32 s0, s3;
	s0 =	sld [smem:$0x3FA5]  }
0x30: {  	s3 =	sld [smem:$0x3FA8]  }
0x31: {  	[smem:$0x3FB1] =	sst s10  }
0x32: {  	s10 =	sld [smem:$0x3FAF];
	_ =	sdelay $0x3  }
0x33: {  	p0 =	seq.s32 s10, $0x1;
	s10 =	sld [smem:$0x3FB1];
	_ =	sdelay $0x3  }
0x34: {  	[smem:$0x3FB1] =	sst s10  }
0x35: {  	s10 =	sld [smem:$0x3FB0];
	_ =	sdelay $0x3  }
0x36: {  	p1 =	seq.s32 s10, $0x1;
	s10 =	sld [smem:$0x3FB1];
	_ =	sdelay $0x3  }
0x37: {  	[smem:$0x3FB1] =	sst s10  }
0x38: {  	s10 =	sld [smem:$0x3FB2]  }
0x39: {  	_ = 	snop;
	(pc) =	sbr.ind lr, $3  }
0x3a: {  	_ = 	snop  }
0x3b: {  	_ = 	snop  }
0x3c: {  	p2 =	seq.s32 s10, $0x1;
	s10 =	sld [smem:$0x3FB1]  }
0x3d: {  	_ =	shalt  }
0x3e: {  	_ =	shalt  }
0x3f: {  	_ =	shalt  }
0x40: {  	_ =	shalt  }
0x41: {  	_ =	shalt  }
0x42: {  	_ =	shalt  }
0x43: {  	_ =	shalt  }
0x44: {  	_ =	shalt  }
0x45: {  	_ =	shalt  }
0x46: {  	_ =	shalt  }
0x47: {  	_ =	shalt  }
0x48: {  	_ =	shalt  }
0x49: {  	_ =	shalt  }
0x4a: {  	_ =	shalt  }
0x4b: {  	_ =	shalt  }
0x4c: {  	_ =	shalt  }
0x4d: {  	_ =	shalt  }
0x4e: {  	_ =	shalt  }
0x4f: {  	_ =	shalt  }
0x50: {  	_ =	shalt  }
0x51: {  	_ =	shalt  }
0x52: {  	_ =	shalt  }
0x53: {  	_ =	shalt  }
0x54: {  	_ =	shalt  }
0x55: {  	_ =	shalt  }
0x56: {  	_ =	shalt  }
0x57: {  	_ =	shalt  }
0x58: {  	_ =	shalt  }
0x59: {  	_ =	shalt  }
0x5a: {  	_ =	shalt  }
0x5b: {  	_ =	shalt  }
0x5c: {  	_ =	shalt  }
0x5d: {  	_ =	shalt  }
0x5e: {  	_ =	shalt  }
0x5f: {  	_ =	shalt  }
0x60: {  	_ =	shalt  }
0x61: {  	_ =	shalt  }
0x62: {  	_ =	shalt  }
0x63: {  	_ =	shalt  }
0x64: {  	_ =	shalt  }
0x65: {  	_ =	shalt  }
0x66: {  	_ =	shalt  }
0x67: {  	_ =	shalt  }
0x68: {  	_ =	shalt  }
0x69: {  	_ =	shalt  }
0x6a: {  	_ =	shalt  }
0x6b: {  	_ =	shalt  }
0x6c: {  	_ =	shalt  }
0x6d: {  	_ =	shalt  }
0x6e: {  	_ =	shalt  }
0x6f: {  	_ =	shalt  }
0x70: {  	_ =	shalt  }
0x71: {  	_ =	shalt  }
0x72: {  	_ =	shalt  }
0x73: {  	_ =	shalt  }
0x74: {  	_ =	shalt  }
0x75: {  	_ =	shalt  }
0x76: {  	_ =	shalt  }
0x77: {  	_ =	shalt  }
0x78: {  	_ =	shalt  }
0x79: {  	_ =	shalt  }
0x7a: {  	_ =	shalt  }
0x7b: {  	_ =	shalt  }
0x7c: {  	_ =	shalt  }
0x7d: {  	_ =	shalt  }
0x7e: {  	_ =	shalt  }
0x7f: {  	_ =	shalt  }
0x80: {  	_ =	shalt  }
0x81: {  	_ =	shalt  }
0x82: {  	_ =	shalt  }
0x83: {  	_ =	shalt  }
0x84: {  	_ =	shalt  }
0x85: {  	_ =	shalt  }
0x86: {  	_ =	shalt  }
0x87: {  	_ =	shalt  }
.Lfunc_end0:
.L_simem_size_0:
called_computation_lowered:
.L_overlay_start_0:
0x88: {  	s2 =	sld [smem:$0x3FD9]  }
0x89: {  	s3 =	sld [smem:$0x3FFE];
	_ =	sdelay $0x1  }
0x8a: {  	s1 =	srdreg.scid  }
0x8b: {  	s0 =	sand.u32 $0x1, s1  }
0x8c: {  	s17 =	sshll.u32 s0, $0xA;
	s2 =	sadd.s32 s3, s2  }
0x8d: {  	s2 =	sadd.s32 s2, s17  }
0x8e: {  	[smem:$0x3FBD] =	sst s2  }
0x8f: {  	_ = 	snop  }
0x90: {  	s2 =	sld [smem:$0x3FD0];
	(tm) =	ssettm $0x1  }
0x91: {  	s18 =	sld [smem:$0x3FFB];
	_ =	sdelay $0x3  }
0x92: {  	_ =	strace s18  }
0x93: {  	s3 =	sld [smem:$0x3FFC];
	_ =	sdelay $0x3  }
0x94: {  	_ =	strace s3  }
0x95: {  	s3 =	sld [smem:$0x3FFD];
	_ =	sdelay $0x3  }
0x96: {  	_ =	strace s3  }
0x97: {  	_ =	strace $0x8FFFFFFF  }
0x98: {  	s19 =	sld [smem:$0x3FDB];
	_ =	sdelay $0x1  }
0x99: {  	s4 =	simm.s32 $_scs_section_size  }
0x9a: {  	s5 =	simm.s32 $_size__tile_overlayer_lowered;
	s6 =	simm.s32 $_tile_overlayer_lowered  }
0x9b: {  	s22 =	simm.s32 $0x1BFF;
	s21 =	sshll.u32 s6, $0x1;
	s3 =	sadd.s32 s4, s19  }
0x9c: {  	s7 =	simm.s32 $0x0;
	s20 =	sshll.u32 s5, $0x1;
	s5 =	sadd.s32 s21, s3  }
0x9d: {  	[timem:s7], [sflag:s22] =	dma.local [hbm:s5], s20  }
0x9e: {  	_ =	swait.ge [sflag:s22], s20  }
0x9f: {  	s4 =	ssub.s32 $0x0, s20;
	[sflag:s22] =	ssyncset.done $0x0  }
0xa0: {  	[sflag:s22] =	ssyncadd.s32 s4;
	_ =	sdelay $0x1  }
0xa1: {  	s23 =	simm.s32 $0x1B8B  }
0xa2: {  	_ =	swait.ge [sflag:s23], $0x1  }
0xa3: {  	[sflag:s23] =	ssyncset.done $0x0  }
0xa4: {  	s25 =	simm.s32 $0x1B8E;
	s24 =	sld [smem:$0x3FFE];
	[sflag:s23] =	ssyncadd.s32 $0xFFFFFFFF  }
0xa5: {  	s26 =	simm.s32 $execute0_lowered;
	[smem:$0x3FD2] =	sst s25  }
0xa6: {  	s5 =	sshll.u32 s26, $0x1;
	_ =	strace $0x80000046;
	[dreg:$0x1] =	wrdreg $0xFFFFFFFF  }
0xa7: {  	s28 =	simm.s32 $_size_execute0_lowered;
	s3 =	sadd.s32 s3, s5;
	[dreg:$0x0] =	wrdreg $0x0  }
0xa8: {  	s5 =	sshll.u32 s28, $0x1;
	[dreg:$0x2] =	wrdreg s3  }
0xa9: {  	[dreg:$0x3] =	wrdreg s5  }
0xaa: {  	[dreg:$0x4] =	wrdreg $0xC0  }
0xab: {  	_ =	task [dreg:s7], $0x5FFFF  }
0xac: {  	[dreg:$0x1] =	wrdreg $0xFFFFFFFF  }
0xad: {  	[dreg:$0x0] =	wrdreg $0x60  }
0xae: {  	[dreg:$0x2] =	wrdreg s24  }
0xaf: {  	[dreg:$0x3] =	wrdreg s2  }
0xb0: {  	[dreg:$0x4] =	wrdreg $0x70000  }
0xb1: {  	[dreg:$0x5] =	wrdreg $0x9  }
0xb2: {  	_ =	task.clear_ibuf [dreg:s7], $0x6FFFF;
	_ =	strace $0x90000046  }
0xb3: {  	s29 =	simm.s32 $0x9;
	_ =	strace $0x80000048  }
0xb4: {  	_ =	swait.ge [sflag:s29], $0x1  }
0xb5: {  	[sflag:s29] =	ssyncadd.s32 $0xFFFFFFFF  }
0xb6: {  	_ =	strace $0x90000048  }
0xb7: {  	_ =	sfence  }
0xb8: {  	s30 =	sld [smem:$0x0];
	_ =	sdelay $0x2  }
0xb9: {  	s31 =	sshll.u32 s1, $0xD;
	s1 =	sshrl.u32 s1, $0x2  }
0xba: {  	s3 =	sand.u32 $0x4000, s31;
	s1 =	sadd.s32 s1, s30  }
0xbb: {  	s0 =	sor.u32 s3, s0;
	s1 =	sshll.u32 s1, $0x11  }
0xbc: {  	s0 =	sor.u32 s1, s0  }
0xbd: {  	s0 =	sadd.s32 $0x8F2B, s0  }
0xbe: {  	[sflag:s0] =	ssyncadd.remote.s32 $0x1  }
0xbf: {  	_ =	sfence.sel $0xFFFF  }
0xc0: {  	[dreg:$0x0] =	wrdreg $0xFFFFFFFF;
	(pc) =	sbr.abs _section_cstart, $3  }
0xc1: {  	[dreg:$0x1] =	wrdreg $0xFFFFFFFF  }
0xc2: {  	_ =	task.clear_ibuf [dreg:s7], $0x2FFFF;
	_ =	strace $0x9FFFFFFF  }
0xc3: {  	(tm) =	ssettm $0x7FFFFFFF  }
tec
execute0_lowered:
.L_overlay_start_1:
0x0: {  	(tag) =	ssettag $0x1  }
0x1: {  	s7 =	rddreg [dreg:$0x0]  }
0x2: {  	s0 =	srdreg.scid;
	s2 =	rddreg [dreg:$0x1]  }
0x3: {  	s3 =	rddreg [dreg:$0x2];
	s6 =	sand.u32 $0x1, s0;
	s0 =	stileid.u32  }
0x4: {  	s4 =	simm.s32 $0x0;
	s14 =	simm.s32 $0x1;
	s8 =	smul.u32 $0x2800, s0  }
0x5: {  	s15 =	simm.s32 $0x0;
	[smem:$0x7FF] =	sst s4;
	s9 =	smul.u32 $0x28000, s6  }
0x6: {  	s1 =	sshll.u32 s6, $0x4;
	s30 =	smul.u32 $0x50000, s0;
	s6 =	ssub.s32 $0x2, s6  }
0x7: {  	s11 =	sshll.u32 s0, $0x6;
	s1 =	sor.u32 s0, s1;
	s31 =	sshrl.u32 s6, $0x1  }
0x8: {  	s5 =	smul.u32 $0xA00, s1;
	s1 =	rddreg [dreg:$0x3];
	_ =	strace $0x80000047  }
0x9: {  	s8 =	sadd.s32 s8, s9;
	s9 =	sshrl.u32 s30, $0x2;
	s12 =	ssub.s32 s6, s31  }
0xa: {  	s6 =	sor.u32 $0x1C02, s11;
	s11 =	simm.s32 $0x2;
	s8 =	sadd.s32 s8, s7  }
0xb: {  	s13 =	sadd.s32 s9, s3;
	s9 =	smax.u32 s12, $0x1;
	s12 =	simm.s32 $0x5000  }
0xc: {  	s10 =	sadd.s32 s5, s7;
	s5 =	sadd.s32 $0x17000, s7;
	s8 =	sadd.s32 $0x19800, s8  }
0xd: {  	s7 =	sadd.s32 $0x3000, s10;
	s10 =	sshrl.u32 s13, $0x3;
	s13 =	simm.s32 $0x40  }
.LBB2_1:
0xe: {  	[spmem:s10], [sflag:s6] =	dma.local [hbm:s5], $0x2800  }
0xf: {  	_ =	swait.ge [sflag:s11], $0x2800  }
0x10: {  	[sflag:s11] =	ssyncset.done $0x0  }
0x11: {  	[sflag:s11] =	ssyncadd.s32 $0xFFFFD800  }
0x12: {  	[tilespmem:s12], [sflag:$0x2] =	stream.linear.gather [hbm4b:s2+s4], $0x2000, $0x38;
	[tilespmem:$0x1B000] =	vst v63  }
0x13: {  	_ =	swait.ge [sflag:s11], $0x2000  }
0x14: {  	[sflag:s11] =	ssyncset.done $0x0  }
0x15: {  	[sflag:s11] =	ssyncadd.s32 $0xFFFFE000  }
0x16: {  	[tilespmem:s4], [sflag:$0x2] =	stream.linear.gather [hbm4b:s7+s4], $0x5000, $0x38;
	[tilespmem:$0x1B000] =	vst v63  }
0x17: {  	_ =	swait.ge [sflag:s11], $0x5000  }
0x18: {  	[sflag:s11] =	ssyncset.done $0x0  }
0x19: {  	p0 =	por $0x1, $0x1;
	[sflag:s11] =	ssyncadd.s32 $0xFFFFB000  }
0x1a: {  	s18 =	simm.s32 @!p0 $0x1;
	[bflag:$0x0] =	sbarrier.arrive $0xFFFF  }
0x1b: {  	[spmem:s3] =	stream.indirect.scatter.add.f32 [tilespmem:s12], [sflag:$0x1], $0x80, s4, s13, $0xb8;
	[tilespmem:$0x1B000] =	vst v63  }
0x1c: {  	_ =	swait.ge @!p0 [sflag:s18], $0x2000  }
0x1d: {  	s16 =	simm.s32 $0x1;
	s17 =	simm.s32 $0x0;
	[sflag:s18] =	ssyncset.done @!p0 $0x0  }
.LBB2_2:
0x1e: {  	[sflag:s18] =	ssyncadd.s32 @!p0 $0xFFFFE000  }
0x1f: {  	s17 =	sadd.s32 $0x80, s17;
	s18 =	smov.u32 s16;
	s16 =	sadd.s32 $0x1, s16  }
0x20: {  	p1 =	sne.s32 s16, $0xA0  }
0x21: {  	[spmem:s3] =	stream.indirect.scatter.add.f32 [tilespmem:s12], [sflag:$0x1], $0x80, s17, s13, $0xb8;
	[tilespmem:$0x1B000] =	vst v63  }
.Ltmp0:
0x22: {  	_ = 	snop;
	(pc) =	sbr.rel @p1 .LBB2_2-.Ltmp0, $4  }
0x23: {  	p0 =	slt.u32 s18, $0x8  }
0x24: {  	s18 =	simm.s32 @!p0 $0x1  }
0x25: {  	_ =	swait.ge @!p0 [sflag:s18], $0x2000  }
0x26: {  	[sflag:s18] =	ssyncset.done @!p0 $0x0  }
0x27: {  	[sflag:s18] =	ssyncadd.s32 @!p0 $0xFFFFE000  }
0x28: {  	_ =	swait.ge [sflag:s14], $0x2000  }
0x29: {  	[sflag:s14] =	ssyncset.done $0x0  }
0x2a: {  	[sflag:s14] =	ssyncadd.s32 $0xFFFFE000  }
0x2b: {  	_ =	swait.ge [sflag:s14], $0x2000  }
0x2c: {  	[sflag:s14] =	ssyncset.done $0x0  }
0x2d: {  	[sflag:s14] =	ssyncadd.s32 $0xFFFFE000  }
0x2e: {  	_ =	swait.ge [sflag:s14], $0x2000  }
0x2f: {  	[sflag:s14] =	ssyncset.done $0x0  }
0x30: {  	[sflag:s14] =	ssyncadd.s32 $0xFFFFE000  }
0x31: {  	_ =	swait.ge [sflag:s14], $0x2000  }
0x32: {  	[sflag:s14] =	ssyncset.done $0x0  }
0x33: {  	[sflag:s14] =	ssyncadd.s32 $0xFFFFE000  }
0x34: {  	_ =	swait.ge [sflag:s14], $0x2000  }
0x35: {  	[sflag:s14] =	ssyncset.done $0x0  }
0x36: {  	[sflag:s14] =	ssyncadd.s32 $0xFFFFE000  }
0x37: {  	_ =	swait.ge [sflag:s14], $0x2000  }
0x38: {  	[sflag:s14] =	ssyncset.done $0x0  }
0x39: {  	[sflag:s14] =	ssyncadd.s32 $0xFFFFE000  }
0x3a: {  	_ =	swait.ge [sflag:s14], $0x2000  }
0x3b: {  	[sflag:s14] =	ssyncset.done $0x0  }
0x3c: {  	[sflag:s14] =	ssyncadd.s32 $0xFFFFE000  }
0x3d: {  	_ =	swait.ge [sflag:s14], $0x2000  }
0x3e: {  	s15 =	sadd.s32 $0x1, s15;
	[sflag:s14] =	ssyncset.done $0x0  }
0x3f: {  	p0 =	sne.s32 s15, s9;
	[sflag:s14] =	ssyncadd.s32 $0xFFFFE000  }
.Ltmp1:
0x40: {  	[bflag:$0x0] =	sbarrier.arrive $0xFFFF;
	(pc) =	sbr.rel @p0 .LBB2_1-.Ltmp1, $4  }
0x41: {  	[hbm:s8], [sflag:s6] =	dma.local [spmem:s10], $0x2800  }
0x42: {  	_ =	swait.ge [sflag:s11], $0x2800  }
0x43: {  	[sflag:s11] =	ssyncset.done $0x0  }
0x44: {  	[sflag:s11] =	ssyncadd.s32 $0xFFFFD800  }
0x45: {  	_ =	sfence.sel $0x180000  }
0x46: {  	[bflag:$0x0] =	sbarrier.arrive $0xFFFF  }
0x47: {  	p0 =	sne.s32 s0, $0x0;
	_ =	strace $0x90000047  }
0x48: {  	s0 =	sadd.s32 @!p0 $0x100000, s1;
	[bflag:$0x2] =	sbarrier.arrive $0xFFFF  }
0x49: {  	[sflag:s0] =	ssyncadd.tile.s32 @!p0 $0x1;
	_ =	shalt  }
.Lfunc_end2:
_tile_overlayer_lowered:
.L_overlay_start_2:
0x4a: {  	(tag) =	ssettag $0x2  }
0x4b: {  	s0 =	rddreg [dreg:$0x0];
	s2 =	stileid.u32  }
0x4c: {  	s1 =	rddreg [dreg:$0x1];
	p0 =	sne.s32 s2, $0x0  }
0x4d: {  	s3 =	rddreg [dreg:$0x2];
	[bflag:$0x3] =	sbarrier.arrive $0xFFFF;
	s2 =	simm.s32 @!p0 $0x1C02  }
0x4e: {  	[timem:s3], [sflag:s2] =	dma.local @!p0 [hbm:s0], s1  }
0x4f: {  	s0 =	simm.s32 @!p0 $0x2  }
0x50: {  	_ =	swait.ge @!p0 [sflag:s0], s1  }
0x51: {  	s1 =	ssub.s32 @!p0 $0x0, s1;
	[sflag:s0] =	ssyncset.done @!p0 $0x0  }
0x52: {  	[sflag:s0] =	ssyncadd.s32 @!p0 s1  }
0x53: {  	[bflag:$0x3] =	sbarrier.arrive $0xFFFF  }
0x54: {  	_ =	shalt  }

// kernel: kernel.13.cloned.1.call-start
scs
__scs_entry_jumppad:
0x0: {  	(pc) =	sbr.rel $0x88, $3  }
0x1: {  	(tag) =	ssettag $0x0;
	lr =	simm.s32 $0x1  }
0x2: {  	[smem:$0x3F96] =	sst lr;
	_ =	strace $0xD0000000  }
0x3: {  	_ = 	snop  }
0x4: {  	_ = 	snop  }
0x5: {  	_ = 	snop  }
0x6: {  	_ = 	snop  }
0x7: {  	_ = 	snop  }
__scs_overlays_trampoline_lowered:
0x8: {  	[smem:$0x3FA5] =	sst s0  }
0x9: {  	[smem:$0x3FA6] =	sst s1  }
0xa: {  	[smem:$0x3FA7] =	sst s2  }
0xb: {  	[smem:$0x3FA8] =	sst s3  }
0xc: {  	[smem:$0x3FA9] =	sst s4  }
0xd: {  	[smem:$0x3FAA] =	sst s5  }
0xe: {  	[smem:$0x3FAB] =	sst s6  }
0xf: {  	[smem:$0x3FAC] =	sst s7  }
0x10: {  	[smem:$0x3FAD] =	sst s8  }
0x11: {  	[smem:$0x3FAE] =	sst s9;
	s0 =	simm.s32 @!p0 $0x0  }
0x12: {  	s1 =	sld [smem:$0x3F94];
	s0 =	simm.s32 @p0 $0x1  }
0x13: {  	[smem:$0x3FAF] =	sst s0;
	s0 =	simm.s32 @!p1 $0x0  }
0x14: {  	s2 =	sld [smem:$0x3F93];
	s0 =	simm.s32 @p1 $0x1  }
0x15: {  	[smem:$0x3FB0] =	sst s0;
	s0 =	simm.s32 @!p2 $0x0  }
0x16: {  	s3 =	sld [smem:$0x3FDB];
	s0 =	simm.s32 @p2 $0x1  }
0x17: {  	s4 =	simm.s32 $0x1BF5;
	[smem:$0x3FB2] =	sst s0  }
0x18: {  	s0 =	sld [smem:$0x3F95];
	_ =	swait.ge [sflag:s4], $0x0  }
0x19: {  	s7 =	sld [smem:$0x3F96]  }
0x1a: {  	s8 =	sadd.s32 $0xFFFFE003, lr  }
0x1b: {  	s9 =	sadd.s32 $0xFFFFFEF7, lr;
	s5 =	simm.s32 $0xFFFFFFFF;
	p2 =	slt.u32 s8, $0xFFFFF086  }
0x1c: {  	p1 =	slt.u32 s9, $0xF7A;
	s5 =	simm.s32 @!p2 $0x0  }
0x1d: {  	s5 =	simm.s32 @p1 $0x1;
	p0 =	seq.s32 s7, s2  }
0x1e: {  	s7 =	smul.u32 @!p0 $0xF7A, s2;
	p2 =	seq.s32 @!p0 s5, $0x0  }
0x1f: {  	s9 =	smul.u32 $0xF7A, s1;
	s8 =	simm.s32 @!p0 $0x1BF5;
	p2 =	por !p2, p0  }
0x20: {  	[sflag:s8] =	ssyncset.s32 @!p0 $0xFFFFF086;
	s6 =	sadd.s32 @!p0 s3, s7;
	s7 =	simm.s32 @!p0 $0x108  }
0x21: {  	s3 =	sadd.s32 s3, s9;
	s6 =	sadd.s32 @!p0 $0x88, s6;
	s7 =	simm.s32 @p2 $0x1082  }
0x22: {  	[simem:s7], [sflag:s8] =	dma.local @!p0 [hbm:s6], $0xF7A  }
0x23: {  	s9 =	sor.u32 $0xD0000000, s2;
	s6 =	simm.s32 $0x108;
	_ =	swait.ge @!p0 [sflag:s8], $0x0  }
0x24: {  	s3 =	sadd.s32 $0x88, s3;
	s6 =	simm.s32 @!p1 $0x1082;
	[sflag:s4] =	ssyncset.s32 $0xFFFFF086  }
0x25: {  	[simem:s6], [sflag:s4] =	dma.local [hbm:s3], $0xF7A  }
0x26: {  	[smem:$0x3F96] =	sst s1;
	(tag) =	ssettag s2;
	_ =	strace s9  }
0x27: {  	s1 =	sld [smem:$0x3FA6]  }
0x28: {  	s2 =	sld [smem:$0x3FA7]  }
0x29: {  	s4 =	sld [smem:$0x3FA9]  }
0x2a: {  	p0 =	seq.s32 s5, $0x0;
	s5 =	sld [smem:$0x3FAA]  }
0x2b: {  	s6 =	sld [smem:$0x3FAB]  }
0x2c: {  	s7 =	sld [smem:$0x3FAC]  }
0x2d: {  	s3 =	simm.s32 $0x108;
	s8 =	sld [smem:$0x3FAD]  }
0x2e: {  	s3 =	simm.s32 @!p0 $0x1082;
	s9 =	sld [smem:$0x3FAE]  }
0x2f: {  	lr =	sadd.s32 s0, s3;
	s0 =	sld [smem:$0x3FA5]  }
0x30: {  	s3 =	sld [smem:$0x3FA8]  }
0x31: {  	[smem:$0x3FB1] =	sst s10  }
0x32: {  	s10 =	sld [smem:$0x3FAF];
	_ =	sdelay $0x3  }
0x33: {  	p0 =	seq.s32 s10, $0x1;
	s10 =	sld [smem:$0x3FB1];
	_ =	sdelay $0x3  }
0x34: {  	[smem:$0x3FB1] =	sst s10  }
0x35: {  	s10 =	sld [smem:$0x3FB0];
	_ =	sdelay $0x3  }
0x36: {  	p1 =	seq.s32 s10, $0x1;
	s10 =	sld [smem:$0x3FB1];
	_ =	sdelay $0x3  }
0x37: {  	[smem:$0x3FB1] =	sst s10  }
0x38: {  	s10 =	sld [smem:$0x3FB2]  }
0x39: {  	_ = 	snop;
	(pc) =	sbr.ind lr, $3  }
0x3a: {  	_ = 	snop  }
0x3b: {  	_ = 	snop  }
0x3c: {  	p2 =	seq.s32 s10, $0x1;
	s10 =	sld [smem:$0x3FB1]  }
0x3d: {  	_ =	shalt  }
0x3e: {  	_ =	shalt  }
0x3f: {  	_ =	shalt  }
0x40: {  	_ =	shalt  }
0x41: {  	_ =	shalt  }
0x42: {  	_ =	shalt  }
0x43: {  	_ =	shalt  }
0x44: {  	_ =	shalt  }
0x45: {  	_ =	shalt  }
0x46: {  	_ =	shalt  }
0x47: {  	_ =	shalt  }
0x48: {  	_ =	shalt  }
0x49: {  	_ =	shalt  }
0x4a: {  	_ =	shalt  }
0x4b: {  	_ =	shalt  }
0x4c: {  	_ =	shalt  }
0x4d: {  	_ =	shalt  }
0x4e: {  	_ =	shalt  }
0x4f: {  	_ =	shalt  }
0x50: {  	_ =	shalt  }
0x51: {  	_ =	shalt  }
0x52: {  	_ =	shalt  }
0x53: {  	_ =	shalt  }
0x54: {  	_ =	shalt  }
0x55: {  	_ =	shalt  }
0x56: {  	_ =	shalt  }
0x57: {  	_ =	shalt  }
0x58: {  	_ =	shalt  }
0x59: {  	_ =	shalt  }
0x5a: {  	_ =	shalt  }
0x5b: {  	_ =	shalt  }
0x5c: {  	_ =	shalt  }
0x5d: {  	_ =	shalt  }
0x5e: {  	_ =	shalt  }
0x5f: {  	_ =	shalt  }
0x60: {  	_ =	shalt  }
0x61: {  	_ =	shalt  }
0x62: {  	_ =	shalt  }
0x63: {  	_ =	shalt  }
0x64: {  	_ =	shalt  }
0x65: {  	_ =	shalt  }
0x66: {  	_ =	shalt  }
0x67: {  	_ =	shalt  }
0x68: {  	_ =	shalt  }
0x69: {  	_ =	shalt  }
0x6a: {  	_ =	shalt  }
0x6b: {  	_ =	shalt  }
0x6c: {  	_ =	shalt  }
0x6d: {  	_ =	shalt  }
0x6e: {  	_ =	shalt  }
0x6f: {  	_ =	shalt  }
0x70: {  	_ =	shalt  }
0x71: {  	_ =	shalt  }
0x72: {  	_ =	shalt  }
0x73: {  	_ =	shalt  }
0x74: {  	_ =	shalt  }
0x75: {  	_ =	shalt  }
0x76: {  	_ =	shalt  }
0x77: {  	_ =	shalt  }
0x78: {  	_ =	shalt  }
0x79: {  	_ =	shalt  }
0x7a: {  	_ =	shalt  }
0x7b: {  	_ =	shalt  }
0x7c: {  	_ =	shalt  }
0x7d: {  	_ =	shalt  }
0x7e: {  	_ =	shalt  }
0x7f: {  	_ =	shalt  }
0x80: {  	_ =	shalt  }
0x81: {  	_ =	shalt  }
0x82: {  	_ =	shalt  }
0x83: {  	_ =	shalt  }
0x84: {  	_ =	shalt  }
0x85: {  	_ =	shalt  }
0x86: {  	_ =	shalt  }
0x87: {  	_ =	shalt  }
.Lfunc_end0:
.L_simem_size_0:
called_computation.1_lowered:
.L_overlay_start_0:
0x88: {  	s2 =	sld [smem:$0x3FD9]  }
0x89: {  	s3 =	sld [smem:$0x3FFE];
	_ =	sdelay $0x1  }
0x8a: {  	s1 =	srdreg.scid  }
0x8b: {  	s0 =	sand.u32 $0x1, s1  }
0x8c: {  	s16 =	sshll.u32 s0, $0xA;
	s2 =	sadd.s32 s3, s2  }
0x8d: {  	s2 =	sadd.s32 s2, s16  }
0x8e: {  	[smem:$0x3FBD] =	sst s2  }
0x8f: {  	_ = 	snop  }
0x90: {  	(tm) =	ssettm $0x1  }
0x91: {  	s17 =	sld [smem:$0x3FFB];
	_ =	sdelay $0x3  }
0x92: {  	_ =	strace s17  }
0x93: {  	s2 =	sld [smem:$0x3FFC];
	_ =	sdelay $0x3  }
0x94: {  	_ =	strace s2  }
0x95: {  	s2 =	sld [smem:$0x3FFD];
	_ =	sdelay $0x3  }
0x96: {  	_ =	strace s2  }
0x97: {  	_ =	strace $0x8FFFFFFF  }
0x98: {  	s18 =	sld [smem:$0x3FDB];
	_ =	sdelay $0x1  }
0x99: {  	s19 =	simm.s32 $_scs_section_size  }
0x9a: {  	s4 =	simm.s32 $_size__tile_overlayer_lowered;
	s5 =	simm.s32 $_tile_overlayer_lowered  }
0x9b: {  	s22 =	simm.s32 $0x1BFF;
	s21 =	sshll.u32 s5, $0x1;
	s2 =	sadd.s32 s19, s18  }
0x9c: {  	s6 =	simm.s32 $0x0;
	s20 =	sshll.u32 s4, $0x1;
	s4 =	sadd.s32 s21, s2  }
0x9d: {  	[timem:s6], [sflag:s22] =	dma.local [hbm:s4], s20  }
0x9e: {  	_ =	swait.ge [sflag:s22], s20  }
0x9f: {  	s3 =	ssub.s32 $0x0, s20;
	[sflag:s22] =	ssyncset.done $0x0  }
0xa0: {  	[sflag:s22] =	ssyncadd.s32 s3;
	_ =	sdelay $0x1  }
0xa1: {  	s23 =	simm.s32 $0x1B8B  }
0xa2: {  	_ =	swait.ge [sflag:s23], $0x1  }
0xa3: {  	[sflag:s23] =	ssyncset.done $0x0  }
0xa4: {  	s25 =	simm.s32 $0x1B8E;
	s24 =	sld [smem:$0x3FFE];
	[sflag:s23] =	ssyncadd.s32 $0xFFFFFFFF  }
0xa5: {  	s26 =	simm.s32 $execute0_lowered;
	[smem:$0x3FD2] =	sst s25  }
0xa6: {  	s4 =	sshll.u32 s26, $0x1;
	_ =	strace $0x80000049;
	[dreg:$0x1] =	wrdreg $0xFFFFFFFF  }
0xa7: {  	s28 =	simm.s32 $_size_execute0_lowered;
	s2 =	sadd.s32 s2, s4;
	[dreg:$0x0] =	wrdreg $0x0  }
0xa8: {  	s4 =	sshll.u32 s28, $0x1;
	[dreg:$0x2] =	wrdreg s2  }
0xa9: {  	[dreg:$0x3] =	wrdreg s4  }
0xaa: {  	[dreg:$0x4] =	wrdreg $0xC0  }
0xab: {  	_ =	task [dreg:s6], $0x5FFFF  }
0xac: {  	[dreg:$0x1] =	wrdreg $0xFFFFFFFF  }
0xad: {  	[dreg:$0x0] =	wrdreg $0x60  }
0xae: {  	[dreg:$0x2] =	wrdreg s24  }
0xaf: {  	[dreg:$0x3] =	wrdreg $0x28000  }
0xb0: {  	[dreg:$0x4] =	wrdreg $0x9  }
0xb1: {  	_ =	task.clear_ibuf [dreg:s6], $0x5FFFF;
	_ =	strace $0x90000049  }
0xb2: {  	s29 =	simm.s32 $0x9;
	_ =	strace $0x8000004B  }
0xb3: {  	_ =	swait.ge [sflag:s29], $0x1  }
0xb4: {  	[sflag:s29] =	ssyncadd.s32 $0xFFFFFFFF  }
0xb5: {  	_ =	strace $0x9000004B  }
0xb6: {  	_ =	sfence  }
0xb7: {  	s30 =	sld [smem:$0x0];
	_ =	sdelay $0x2  }
0xb8: {  	s31 =	sshll.u32 s1, $0xD;
	s1 =	sshrl.u32 s1, $0x2  }
0xb9: {  	s3 =	sand.u32 $0x4000, s31;
	s1 =	sadd.s32 s1, s30  }
0xba: {  	s0 =	sor.u32 s3, s0;
	s1 =	sshll.u32 s1, $0x11  }
0xbb: {  	s0 =	sor.u32 s1, s0  }
0xbc: {  	s0 =	sadd.s32 $0x8F2B, s0  }
0xbd: {  	[sflag:s0] =	ssyncadd.remote.s32 $0x1  }
0xbe: {  	_ =	sfence.sel $0xFFFF  }
0xbf: {  	[dreg:$0x0] =	wrdreg $0xFFFFFFFF;
	(pc) =	sbr.abs _section_cstart, $3  }
0xc0: {  	[dreg:$0x1] =	wrdreg $0xFFFFFFFF  }
0xc1: {  	_ =	task.clear_ibuf [dreg:s6], $0x2FFFF;
	_ =	strace $0x9FFFFFFF  }
0xc2: {  	(tm) =	ssettm $0x7FFFFFFF  }
0xc3: {  	_ =	shalt  }
tec
execute0_lowered:
.L_overlay_start_1:
0x0: {  	(tag) =	ssettag $0x1  }
0x1: {  	s0 =	srdreg.scid  }
0x2: {  	s1 =	rddreg [dreg:$0x0];
	s13 =	stileid.u32  }
0x3: {  	s2 =	rddreg [dreg:$0x1];
	s29 =	simm.s32 $0x16800;
	s7 =	smul.u32 $0x280, s13  }
0x4: {  	s30 =	simm.s32 $0x16880;
	s31 =	simm.s32 $0x7;
	s12 =	smul.u32 $0x50000, s13  }
0x5: {  	s0 =	sand.u32 $0x1, s0;
	s5 =	sadd.s32 $0x3000, s1;
	s19 =	smul.u32 $0x2800, s13  }
0x6: {  	s6 =	sadd.s32 $0x69800, s1;
	s3 =	sshll.u32 s0, $0x4;
	s8 =	smul.u32 $0x2800, s0  }
0x7: {  	s0 =	ssub.s32 $0x2, s0;
	s4 =	sor.u32 s13, s3;
	s3 =	simm.s32 $0x0  }
0x8: {  	s11 =	sshrl.u32 s0, $0x1;
	s18 =	sshrl.u32 s12, $0x2;
	s20 =	sadd.s32 $0x80, s7  }
0x9: {  	s21 =	sadd.s32 s5, s19;
	s24 =	sadd.s32 $0x100, s7;
	s26 =	sadd.s32 $0x180, s7  }
0xa: {  	s4 =	smul.u32 $0x2800, s4;
	[smem:$0x7FF] =	sst s3;
	s8 =	sadd.s32 s8, s7  }
0xb: {  	s0 =	ssub.s32 s0, s11;
	s22 =	sshll.u32 s20, $0x4;
	s23 =	sshll.u32 s20, $0x7  }
0xc: {  	s25 =	sshll.u32 s24, $0x4;
	s12 =	sshll.u32 s24, $0x7;
	s13 =	sshll.u32 s26, $0x4  }
0xd: {  	_ =	strace $0x8000004A;
	s8 =	sshll.u32 s8, $0x4;
	s0 =	smax.u32 s0, $0x1  }
0xe: {  	[dreg:$0x6] =	wrdreg s21;
	s14 =	sadd.s32 s23, s2;
	s16 =	sadd.s32 s12, s2  }
0xf: {  	s15 =	sadd.s32 s5, s13;
	s12 =	simm.s32 $0x1A900;
	s13 =	simm.s32 $0x4  }
0x10: {  	s9 =	sshrl.u32 s4, $0x3;
	[dreg:$0x5] =	wrdreg s0;
	s0 =	sadd.s32 s5, s22  }
0x11: {  	[dreg:$0x9] =	wrdreg s15;
	s15 =	simm.s32 $0x5;
	s10 =	sadd.s32 s9, s1  }
0x12: {  	s11 =	sadd.s32 s6, s9;
	[dreg:$0x7] =	wrdreg s0;
	s0 =	sadd.s32 s5, s25  }
0x13: {  	s1 =	sadd.s32 s8, s1;
	s17 =	sadd.s32 $0x10, s11;
	[dreg:$0x8] =	wrdreg s0  }
0x14: {  	s8 =	simm.s32 $0x80;
	s10 =	sadd.s32 $0x73800, s10;
	[dreg:$0x3] =	wrdreg s17  }
0x15: {  	s9 =	simm.s32 $0x3;
	s21 =	sadd.s32 $0x7D800, s1;
	[dreg:$0x4] =	wrdreg s10  }
0x16: {  	s22 =	sadd.s32 $0x7E000, s1;
	s23 =	sadd.s32 $0x7E800, s1;
	[dreg:$0xb] =	wrdreg s21  }
0x17: {  	s24 =	sadd.s32 $0x7F000, s1;
	s25 =	sadd.s32 $0x7F800, s1;
	[dreg:$0xc] =	wrdreg s22  }
0x18: {  	s28 =	sadd.s32 $0x30, s11;
	s1 =	simm.s32 $0x16900;
	[dreg:$0xd] =	wrdreg s23  }
0x19: {  	s10 =	sadd.s32 s18, s2;
	s17 =	sadd.s32 $0x200, s7;
	[dreg:$0xe] =	wrdreg s24  }
0x1a: {  	s18 =	sshll.u32 s26, $0x7;
	[dreg:$0xf] =	wrdreg s25;
	s26 =	sadd.s32 $0x20, s11  }
0x1b: {  	s19 =	sshll.u32 s17, $0x4;
	s0 =	sshll.u32 s17, $0x7;
	s18 =	sadd.s32 s18, s2  }
0x1c: {  	[dreg:$0x10] =	wrdreg s26;
	s26 =	smov.u32 s11;
	s11 =	simm.s32 $0x2  }
0x1d: {  	s17 =	simm.s32 $0x6;
	s20 =	sadd.s32 s5, s19;
	s19 =	simm.s32 $0x0  }
0x1e: {  	[dreg:$0xa] =	wrdreg s20;
	s20 =	sadd.s32 s0, s2;
	s0 =	simm.s32 $0x1  }
.LBB2_1:
0x1f: {  	[tilespmem:s29], [sflag:$0x1] =	stream.linear.gather [hbm4b:s26+s3], $0x80, $0x38;
	[tilespmem:$0x1E900] =	vst v63  }
0x20: {  	s7 =	rddreg [dreg:$0x3]  }
0x21: {  	[tilespmem:s30], [sflag:$0x2] =	stream.linear.gather [hbm4b:s7+s3], $0x80, $0x38;
	[tilespmem:$0x1E900] =	vst v63  }
0x22: {  	s22 =	rddreg [dreg:$0x4]  }
0x23: {  	[tilespmem:s3], [sflag:$0x7] =	stream.linear.gather [hbm4b:s22+s3], $0x2800, $0x38;
	[tilespmem:$0x1E900] =	vst v63  }
0x24: {  	_ =	swait.ge [sflag:s31], $0x2800  }
0x25: {  	[sflag:s31] =	ssyncset.done $0x0  }
0x26: {  	s23 =	rddreg [dreg:$0x6];
	[sflag:s31] =	ssyncadd.s32 $0xFFFFD800  }
0x27: {  	[tilespmem:s1], [sflag:$0x7] =	stream.linear.gather [hbm4b:s23+s3], $0x4000, $0x38;
	[tilespmem:$0x1E900] =	vst v63  }
0x28: {  	_ =	swait.ge [sflag:s31], $0x4000  }
0x29: {  	[sflag:s31] =	ssyncset.done $0x0  }
0x2a: {  	[sflag:s31] =	ssyncadd.s32 $0xFFFFC000  }
0x2b: {  	[spmem:s10] =	stream.linear.scatter [tilespmem:s1], [sflag:$0x7], $0x4000, $0x38;
	[tilespmem:$0x1E900] =	vst v63  }
0x2c: {  	_ =	swait.ge [sflag:s31], $0x4000  }
0x2d: {  	[sflag:s31] =	ssyncset.done $0x0  }
0x2e: {  	s24 =	rddreg [dreg:$0x7];
	[sflag:s31] =	ssyncadd.s32 $0xFFFFC000  }
0x2f: {  	[tilespmem:s1], [sflag:$0x7] =	stream.linear.gather [hbm4b:s24+s3], $0x4000, $0x38;
	[tilespmem:$0x1E900] =	vst v63  }
0x30: {  	_ =	swait.ge [sflag:s31], $0x4000  }
0x31: {  	[sflag:s31] =	ssyncset.done $0x0  }
0x32: {  	[sflag:s31] =	ssyncadd.s32 $0xFFFFC000  }
0x33: {  	[spmem:s14] =	stream.linear.scatter [tilespmem:s1], [sflag:$0x7], $0x4000, $0x38;
	[tilespmem:$0x1E900] =	vst v63  }
0x34: {  	_ =	swait.ge [sflag:s31], $0x4000  }
0x35: {  	[sflag:s31] =	ssyncset.done $0x0  }
0x36: {  	s25 =	rddreg [dreg:$0x8];
	[sflag:s31] =	ssyncadd.s32 $0xFFFFC000  }
0x37: {  	[tilespmem:s1], [sflag:$0x7] =	stream.linear.gather [hbm4b:s25+s3], $0x4000, $0x38;
	[tilespmem:$0x1E900] =	vst v63  }
0x38: {  	_ =	swait.ge [sflag:s31], $0x4000  }
0x39: {  	[sflag:s31] =	ssyncset.done $0x0  }
0x3a: {  	[sflag:s31] =	ssyncadd.s32 $0xFFFFC000  }
0x3b: {  	[spmem:s16] =	stream.linear.scatter [tilespmem:s1], [sflag:$0x7], $0x4000, $0x38;
	[tilespmem:$0x1E900] =	vst v63  }
0x3c: {  	_ =	swait.ge [sflag:s31], $0x4000  }
0x3d: {  	[sflag:s31] =	ssyncset.done $0x0  }
0x3e: {  	s21 =	rddreg [dreg:$0x9];
	[sflag:s31] =	ssyncadd.s32 $0xFFFFC000  }
0x3f: {  	[tilespmem:s1], [sflag:$0x7] =	stream.linear.gather [hbm4b:s21+s3], $0x4000, $0x38;
	[tilespmem:$0x1E900] =	vst v63  }
0x40: {  	_ =	swait.ge [sflag:s31], $0x4000  }
0x41: {  	[sflag:s31] =	ssyncset.done $0x0  }
0x42: {  	[sflag:s31] =	ssyncadd.s32 $0xFFFFC000  }
0x43: {  	[spmem:s18] =	stream.linear.scatter [tilespmem:s1], [sflag:$0x7], $0x4000, $0x38;
	[tilespmem:$0x1E900] =	vst v63  }
0x44: {  	_ =	swait.ge [sflag:s31], $0x4000  }
0x45: {  	[sflag:s31] =	ssyncset.done $0x0  }
0x46: {  	s22 =	rddreg [dreg:$0xa];
	[sflag:s31] =	ssyncadd.s32 $0xFFFFC000  }
0x47: {  	[tilespmem:s1], [sflag:$0x7] =	stream.linear.gather [hbm4b:s22+s3], $0x4000, $0x38;
	[tilespmem:$0x1E900] =	vst v63  }
0x48: {  	_ =	swait.ge [sflag:s31], $0x4000  }
0x49: {  	[sflag:s31] =	ssyncset.done $0x0  }
0x4a: {  	[sflag:s31] =	ssyncadd.s32 $0xFFFFC000  }
0x4b: {  	[spmem:s20] =	stream.linear.scatter [tilespmem:s1], [sflag:$0x7], $0x4000, $0x38;
	[tilespmem:$0x1E900] =	vst v63  }
0x4c: {  	_ =	swait.ge [sflag:s31], $0x4000  }
0x4d: {  	[sflag:s31] =	ssyncset.done $0x0  }
0x4e: {  	[sflag:s31] =	ssyncadd.s32 $0xFFFFC000  }
0x4f: {  	[bflag:$0x0] =	sbarrier.arrive $0xFFFF  }
0x50: {  	_ =	swait.ge [sflag:s0], $0x80  }
0x51: {  	[sflag:s0] =	ssyncset.done $0x0  }
0x52: {  	[sflag:s0] =	ssyncadd.s32 $0xFFFFFF80  }
0x53: {  	[tilespmem:s1], [sflag:$0x3] =	stream.indirect.gather [hbm4b:s5+s8], $0x80, s29, s8, $0xb8;
	[tilespmem:$0x1E900] =	vst v63  }
0x54: {  	_ =	swait.ge [sflag:s9], $0x4000  }
0x55: {  	[sflag:s9] =	ssyncset.done $0x0  }
0x56: {  	[sflag:s9] =	ssyncadd.s32 $0xFFFFC000  }
0x57: {  	[spmem:s2] =	stream.indirect.scatter.add.f32 [tilespmem:s1], [sflag:$0x5], $0x80, s3, s8, $0xb8;
	[tilespmem:$0x1E900] =	vst v63  }
0x58: {  	_ =	swait.ge [sflag:s11], $0x80  }
0x59: {  	[sflag:s11] =	ssyncset.done $0x0  }
0x5a: {  	[sflag:s11] =	ssyncadd.s32 $0xFFFFFF80  }
0x5b: {  	[tilespmem:s12], [sflag:$0x4] =	stream.indirect.gather [hbm4b:s5+s8], $0x80, s30, s8, $0xb8;
	[tilespmem:$0x1E900] =	vst v63  }
0x5c: {  	s23 =	rddreg [dreg:$0x10]  }
0x5d: {  	[tilespmem:s29], [sflag:$0x1] =	stream.linear.gather [hbm4b:s23+s3], $0x80, $0x38;
	[tilespmem:$0x1E900] =	vst v63  }
0x5e: {  	_ =	swait.ge [sflag:s13], $0x4000  }
0x5f: {  	[sflag:s13] =	ssyncset.done $0x0  }
0x60: {  	[sflag:s13] =	ssyncadd.s32 $0xFFFFC000  }
0x61: {  	[spmem:s2] =	stream.indirect.scatter.add.f32 [tilespmem:s12], [sflag:$0x6], $0x80, s8, s8, $0xb8;
	[tilespmem:$0x1E900] =	vst v63  }
0x62: {  	_ =	swait.ge [sflag:s15], $0x4000  }
0x63: {  	[sflag:s15] =	ssyncset.done $0x0  }
0x64: {  	[sflag:s15] =	ssyncadd.s32 $0xFFFFC000  }
0x65: {  	_ =	swait.ge [sflag:s0], $0x80  }
0x66: {  	[sflag:s0] =	ssyncset.done $0x0  }
0x67: {  	[sflag:s0] =	ssyncadd.s32 $0xFFFFFF80  }
0x68: {  	[tilespmem:s1], [sflag:$0x3] =	stream.indirect.gather [hbm4b:s5+s8], $0x80, s29, s8, $0xb8;
	[tilespmem:$0x1E900] =	vst v63  }
0x69: {  	_ = 	snop  }
0x6a: {  	[tilespmem:s30], [sflag:$0x2] =	stream.linear.gather [hbm4b:s28+s3], $0x80, $0x38;
	[tilespmem:$0x1E900] =	vst v63  }
0x6b: {  	_ =	swait.ge [sflag:s9], $0x4000  }
0x6c: {  	[sflag:s9] =	ssyncset.done $0x0  }
0x6d: {  	s24 =	simm.s32 $0x100;
	[sflag:s9] =	ssyncadd.s32 $0xFFFFC000  }
0x6e: {  	[spmem:s2] =	stream.indirect.scatter.add.f32 [tilespmem:s1], [sflag:$0x5], $0x80, s24, s8, $0xb8;
	[tilespmem:$0x1E900] =	vst v63  }
0x6f: {  	_ =	swait.ge [sflag:s17], $0x4000  }
0x70: {  	s25 =	simm.s32 $0x200;
	[sflag:s17] =	ssyncset.done $0x0  }
0x71: {  	s21 =	sand.u32 $0x7C00, s25;
	[sflag:s17] =	ssyncadd.s32 $0xFFFFC000  }
0x72: {  	s7 =	sand.u32 $0x300, s25;
	s21 =	sadd.s32 s4, s21;
	_ =	swait.ge [sflag:s11], $0x80  }
0x73: {  	s7 =	sor.u32 s7, s21;
	[sflag:s11] =	ssyncset.done $0x0  }
0x74: {  	s7 =	sshrl.u32 s7, $0x3;
	[sflag:s11] =	ssyncadd.s32 $0xFFFFFF80  }
0x75: {  	[tilespmem:s12], [sflag:$0x4] =	stream.indirect.gather [hbm4b:s5+s8], $0x80, s30, s8, $0xb8;
	[tilespmem:$0x1E900] =	vst v63  }
0x76: {  	s7 =	sadd.s32 s6, s7  }
0x77: {  	[tilespmem:s29], [sflag:$0x1] =	stream.linear.gather [hbm4b:s7+s3], $0x80, $0x38;
	[tilespmem:$0x1E900] =	vst v63  }
0x78: {  	_ =	swait.ge [sflag:s13], $0x4000  }
0x79: {  	[sflag:s13] =	ssyncset.done $0x0  }
0x7a: {  	s21 =	simm.s32 $0x180;
	[sflag:s13] =	ssyncadd.s32 $0xFFFFC000  }
0x7b: {  	[spmem:s2] =	stream.indirect.scatter.add.f32 [tilespmem:s12], [sflag:$0x6], $0x80, s21, s8, $0xb8;
	[tilespmem:$0x1E900] =	vst v63  }
0x7c: {  	_ =	swait.ge [sflag:s15], $0x4000  }
0x7d: {  	s22 =	simm.s32 $0x280;
	[sflag:s15] =	ssyncset.done $0x0  }
0x7e: {  	s23 =	sand.u32 $0x7C00, s22;
	[sflag:s15] =	ssyncadd.s32 $0xFFFFC000  }
0x7f: {  	s7 =	sand.u32 $0x380, s22;
	s21 =	sadd.s32 s4, s23;
	_ =	swait.ge [sflag:s0], $0x80  }
0x80: {  	s7 =	sor.u32 s7, s21;
	[sflag:s0] =	ssyncset.done $0x0  }
0x81: {  	s7 =	sshrl.u32 s7, $0x3;
	[sflag:s0] =	ssyncadd.s32 $0xFFFFFF80  }
0x82: {  	[tilespmem:s1], [sflag:$0x3] =	stream.indirect.gather [hbm4b:s5+s8], $0x80, s29, s8, $0xb8;
	[tilespmem:$0x1E900] =	vst v63  }
0x83: {  	s7 =	sadd.s32 s6, s7  }
0x84: {  	[tilespmem:s30], [sflag:$0x2] =	stream.linear.gather [hbm4b:s7+s3], $0x80, $0x38;
	[tilespmem:$0x1E900] =	vst v63  }
0x85: {  	_ =	swait.ge [sflag:s9], $0x4000  }
0x86: {  	[sflag:s9] =	ssyncset.done $0x0  }
0x87: {  	s24 =	simm.s32 $0x200;
	[sflag:s9] =	ssyncadd.s32 $0xFFFFC000  }
0x88: {  	[spmem:s2] =	stream.indirect.scatter.add.f32 [tilespmem:s1], [sflag:$0x5], $0x80, s24, s8, $0xb8;
	[tilespmem:$0x1E900] =	vst v63  }
0x89: {  	s25 =	simm.s32 $0x300;
	_ =	swait.ge [sflag:s17], $0x4000  }
0x8a: {  	s22 =	simm.s32 $0x380;
	s23 =	simm.s32 $0x480;
	[sflag:s17] =	ssyncset.done $0x0  }
0x8b: {  	s21 =	simm.s32 $0x280;
	s24 =	sand.u32 $0x7C00, s25;
	[sflag:s17] =	ssyncadd.s32 $0xFFFFC000  }
0x8c: {  	s25 =	sand.u32 $0x300, s25;
	s24 =	sadd.s32 s4, s24;
	_ =	swait.ge [sflag:s11], $0x80  }
.LBB2_2:
0x8d: {  	s24 =	sor.u32 s25, s24  }
0x8e: {  	[sflag:s11] =	ssyncset.done $0x0;
	s25 =	smov.u32 s23;
	s7 =	sadd.s32 $0x100, s23  }
0x8f: {  	p0 =	sne.s32 s23, $0x2780;
	s23 =	sshrl.u32 s24, $0x3;
	[sflag:s11] =	ssyncadd.s32 $0xFFFFFF80  }
0x90: {  	[tilespmem:s12], [sflag:$0x4] =	stream.indirect.gather [hbm4b:s5+s8], $0x80, s30, s8, $0xb8;
	[tilespmem:$0x1E900] =	vst v63  }
0x91: {  	s23 =	sadd.s32 s6, s23  }
0x92: {  	[tilespmem:s29], [sflag:$0x1] =	stream.linear.gather [hbm4b:s23+s3], $0x80, $0x38;
	[tilespmem:$0x1E900] =	vst v63  }
0x93: {  	_ =	swait.ge [sflag:s13], $0x4000  }
0x94: {  	[sflag:s13] =	ssyncset.done $0x0  }
0x95: {  	[sflag:s13] =	ssyncadd.s32 $0xFFFFC000  }
0x96: {  	[spmem:s2] =	stream.indirect.scatter.add.f32 [tilespmem:s12], [sflag:$0x6], $0x80, s21, s8, $0xb8;
	[tilespmem:$0x1E900] =	vst v63  }
0x97: {  	_ =	swait.ge [sflag:s15], $0x4000  }
0x98: {  	[sflag:s15] =	ssyncset.done $0x0  }
0x99: {  	[sflag:s15] =	ssyncadd.s32 $0xFFFFC000  }
0x9a: {  	s23 =	sand.u32 $0x7C00, s22;
	_ =	swait.ge [sflag:s0], $0x80  }
0x9b: {  	s22 =	sand.u32 $0x380, s22;
	s23 =	sadd.s32 s4, s23;
	[sflag:s0] =	ssyncset.done $0x0  }
0x9c: {  	s23 =	sor.u32 s22, s23;
	s22 =	smov.u32 s25;
	[sflag:s0] =	ssyncadd.s32 $0xFFFFFF80  }
0x9d: {  	[tilespmem:s1], [sflag:$0x3] =	stream.indirect.gather [hbm4b:s5+s8], $0x80, s29, s8, $0xb8;
	[tilespmem:$0x1E900] =	vst v63  }
0x9e: {  	s23 =	sshrl.u32 s23, $0x3  }
0x9f: {  	s23 =	sadd.s32 s6, s23  }
0xa0: {  	[tilespmem:s30], [sflag:$0x2] =	stream.linear.gather [hbm4b:s23+s3], $0x80, $0x38;
	[tilespmem:$0x1E900] =	vst v63  }
0xa1: {  	_ =	swait.ge [sflag:s9], $0x4000  }
0xa2: {  	[sflag:s9] =	ssyncset.done $0x0  }
0xa3: {  	s23 =	sadd.s32 $0x80, s21;
	[sflag:s9] =	ssyncadd.s32 $0xFFFFC000  }
0xa4: {  	[spmem:s2] =	stream.indirect.scatter.add.f32 [tilespmem:s1], [sflag:$0x5], $0x80, s23, s8, $0xb8;
	[tilespmem:$0x1E900] =	vst v63  }
.Ltmp0:
0xa5: {  	_ = 	snop;
	(pc) =	sbr.rel @p0 .LBB2_2-.Ltmp0, $4  }
0xa6: {  	_ =	swait.ge [sflag:s17], $0x4000  }
0xa7: {  	s21 =	sadd.s32 $0x100, s21;
	s23 =	sadd.s32 $0xFFFFFF80, s22;
	[sflag:s17] =	ssyncset.done $0x0  }
0xa8: {  	s24 =	sand.u32 $0x7C00, s23;
	s25 =	sand.u32 $0x300, s23;
	[sflag:s17] =	ssyncadd.s32 $0xFFFFC000  }
0xa9: {  	s23 =	smov.u32 s7;
	s24 =	sadd.s32 s4, s24;
	_ =	swait.ge [sflag:s11], $0x80  }
0xaa: {  	s7 =	sor.u32 s25, s24;
	[sflag:s11] =	ssyncset.done $0x0  }
0xab: {  	s7 =	sshrl.u32 s7, $0x3;
	[sflag:s11] =	ssyncadd.s32 $0xFFFFFF80  }
0xac: {  	[tilespmem:s12], [sflag:$0x4] =	stream.indirect.gather [hbm4b:s5+s8], $0x80, s30, s8, $0xb8;
	[tilespmem:$0x1E900] =	vst v63  }
0xad: {  	s7 =	sadd.s32 s6, s7  }
0xae: {  	[tilespmem:s29], [sflag:$0x1] =	stream.linear.gather [hbm4b:s7+s3], $0x80, $0x38;
	[tilespmem:$0x1E900] =	vst v63  }
0xaf: {  	_ =	swait.ge [sflag:s13], $0x4000  }
0xb0: {  	[sflag:s13] =	ssyncset.done $0x0  }
0xb1: {  	[sflag:s13] =	ssyncadd.s32 $0xFFFFC000  }
0xb2: {  	[spmem:s2] =	stream.indirect.scatter.add.f32 [tilespmem:s12], [sflag:$0x6], $0x80, s21, s8, $0xb8;
	[tilespmem:$0x1E900] =	vst v63  }
0xb3: {  	_ =	swait.ge [sflag:s15], $0x4000  }
0xb4: {  	[sflag:s15] =	ssyncset.done $0x0  }
0xb5: {  	s24 =	sand.u32 $0x7C00, s22;
	[sflag:s15] =	ssyncadd.s32 $0xFFFFC000  }
0xb6: {  	s25 =	sand.u32 $0x380, s22;
	s7 =	sadd.s32 s4, s24;
	_ =	swait.ge [sflag:s0], $0x80  }
0xb7: {  	s7 =	sor.u32 s25, s7;
	[sflag:s0] =	ssyncset.done $0x0  }
0xb8: {  	s7 =	sshrl.u32 s7, $0x3;
	[sflag:s0] =	ssyncadd.s32 $0xFFFFFF80  }
0xb9: {  	[tilespmem:s1], [sflag:$0x3] =	stream.indirect.gather [hbm4b:s5+s8], $0x80, s29, s8, $0xb8;
	[tilespmem:$0x1E900] =	vst v63  }
0xba: {  	s7 =	sadd.s32 s6, s7  }
0xbb: {  	[tilespmem:s30], [sflag:$0x2] =	stream.linear.gather [hbm4b:s7+s3], $0x80, $0x38;
	[tilespmem:$0x1E900] =	vst v63  }
0xbc: {  	_ =	swait.ge [sflag:s9], $0x4000  }
0xbd: {  	[sflag:s9] =	ssyncset.done $0x0  }
0xbe: {  	s23 =	sadd.s32 $0x80, s21;
	[sflag:s9] =	ssyncadd.s32 $0xFFFFC000  }
0xbf: {  	[spmem:s2] =	stream.indirect.scatter.add.f32 [tilespmem:s1], [sflag:$0x5], $0x80, s23, s8, $0xb8;
	[tilespmem:$0x1E900] =	vst v63  }
0xc0: {  	_ =	swait.ge [sflag:s17], $0x4000  }
0xc1: {  	[sflag:s17] =	ssyncset.done $0x0  }
0xc2: {  	[sflag:s17] =	ssyncadd.s32 $0xFFFFC000  }
0xc3: {  	_ =	swait.ge [sflag:s11], $0x80  }
0xc4: {  	[sflag:s11] =	ssyncset.done $0x0  }
0xc5: {  	[sflag:s11] =	ssyncadd.s32 $0xFFFFFF80  }
0xc6: {  	[tilespmem:s12], [sflag:$0x4] =	stream.indirect.gather [hbm4b:s5+s8], $0x80, s30, s8, $0xb8;
	[tilespmem:$0x1E900] =	vst v63  }
0xc7: {  	_ =	swait.ge [sflag:s13], $0x4000  }
0xc8: {  	[sflag:s13] =	ssyncset.done $0x0  }
0xc9: {  	s24 =	sadd.s32 $0x100, s21;
	[sflag:s13] =	ssyncadd.s32 $0xFFFFC000  }
0xca: {  	[spmem:s2] =	stream.indirect.scatter.add.f32 [tilespmem:s12], [sflag:$0x6], $0x80, s24, s8, $0xb8;
	[tilespmem:$0x1E900] =	vst v63  }
0xcb: {  	_ =	swait.ge [sflag:s15], $0x4000  }
0xcc: {  	[sflag:s15] =	ssyncset.done $0x0  }
0xcd: {  	[sflag:s15] =	ssyncadd.s32 $0xFFFFC000  }
0xce: {  	_ =	swait.ge [sflag:s17], $0x4000  }
0xcf: {  	[sflag:s17] =	ssyncset.done $0x0  }
0xd0: {  	[sflag:s17] =	ssyncadd.s32 $0xFFFFC000  }
0xd1: {  	[bflag:$0x0] =	sbarrier.arrive $0xFFFF  }
0xd2: {  	[tilespmem:s1], [sflag:$0x7] =	stream.linear.gather [spmem:s10], $0x4000, $0x38;
	[tilespmem:$0x1E900] =	vst v63  }
0xd3: {  	_ =	swait.ge [sflag:s31], $0x4000  }
0xd4: {  	[sflag:s31] =	ssyncset.done $0x0  }
0xd5: {  	s25 =	rddreg [dreg:$0xb];
	[sflag:s31] =	ssyncadd.s32 $0xFFFFC000  }
0xd6: {  	[hbm4b:s25+s3] =	stream.linear.scatter [tilespmem:s1], [sflag:$0x7], $0x4000, $0x38;
	[tilespmem:$0x1E900] =	vst v63  }
0xd7: {  	_ =	swait.ge [sflag:s31], $0x4000  }
0xd8: {  	[sflag:s31] =	ssyncset.done $0x0  }
0xd9: {  	[sflag:s31] =	ssyncadd.s32 $0xFFFFC000  }
0xda: {  	[tilespmem:s1], [sflag:$0x7] =	stream.linear.gather [spmem:s14], $0x4000, $0x38;
	[tilespmem:$0x1E900] =	vst v63  }
0xdb: {  	_ =	swait.ge [sflag:s31], $0x4000  }
0xdc: {  	[sflag:s31] =	ssyncset.done $0x0  }
0xdd: {  	s21 =	rddreg [dreg:$0xc];
	[sflag:s31] =	ssyncadd.s32 $0xFFFFC000  }
0xde: {  	[hbm4b:s21+s3] =	stream.linear.scatter [tilespmem:s1], [sflag:$0x7], $0x4000, $0x38;
	[tilespmem:$0x1E900] =	vst v63  }
0xdf: {  	_ =	swait.ge [sflag:s31], $0x4000  }
0xe0: {  	[sflag:s31] =	ssyncset.done $0x0  }
0xe1: {  	[sflag:s31] =	ssyncadd.s32 $0xFFFFC000  }
0xe2: {  	[tilespmem:s1], [sflag:$0x7] =	stream.linear.gather [spmem:s16], $0x4000, $0x38;
	[tilespmem:$0x1E900] =	vst v63  }
0xe3: {  	_ =	swait.ge [sflag:s31], $0x4000  }
0xe4: {  	[sflag:s31] =	ssyncset.done $0x0  }
0xe5: {  	s22 =	rddreg [dreg:$0xd];
	[sflag:s31] =	ssyncadd.s32 $0xFFFFC000  }
0xe6: {  	[hbm4b:s22+s3] =	stream.linear.scatter [tilespmem:s1], [sflag:$0x7], $0x4000, $0x38;
	[tilespmem:$0x1E900] =	vst v63  }
0xe7: {  	_ =	swait.ge [sflag:s31], $0x4000  }
0xe8: {  	[sflag:s31] =	ssyncset.done $0x0  }
0xe9: {  	[sflag:s31] =	ssyncadd.s32 $0xFFFFC000  }
0xea: {  	[tilespmem:s1], [sflag:$0x7] =	stream.linear.gather [spmem:s18], $0x4000, $0x38;
	[tilespmem:$0x1E900] =	vst v63  }
0xeb: {  	_ =	swait.ge [sflag:s31], $0x4000  }
0xec: {  	[sflag:s31] =	ssyncset.done $0x0  }
0xed: {  	s23 =	rddreg [dreg:$0xe];
	[sflag:s31] =	ssyncadd.s32 $0xFFFFC000  }
0xee: {  	[hbm4b:s23+s3] =	stream.linear.scatter [tilespmem:s1], [sflag:$0x7], $0x4000, $0x38;
	[tilespmem:$0x1E900] =	vst v63  }
0xef: {  	_ =	swait.ge [sflag:s31], $0x4000  }
0xf0: {  	[sflag:s31] =	ssyncset.done $0x0  }
0xf1: {  	[sflag:s31] =	ssyncadd.s32 $0xFFFFC000  }
0xf2: {  	[tilespmem:s1], [sflag:$0x7] =	stream.linear.gather [spmem:s20], $0x4000, $0x38;
	[tilespmem:$0x1E900] =	vst v63  }
0xf3: {  	_ =	swait.ge [sflag:s31], $0x4000  }
0xf4: {  	[sflag:s31] =	ssyncset.done $0x0  }
0xf5: {  	s24 =	rddreg [dreg:$0xf];
	[sflag:s31] =	ssyncadd.s32 $0xFFFFC000  }
0xf6: {  	[hbm4b:s24+s3] =	stream.linear.scatter [tilespmem:s1], [sflag:$0x7], $0x4000, $0x38;
	[tilespmem:$0x1E900] =	vst v63  }
0xf7: {  	_ =	swait.ge [sflag:s31], $0x4000  }
0xf8: {  	s19 =	sadd.s32 $0x1, s19;
	s25 =	rddreg [dreg:$0x5]  }
0xf9: {  	p0 =	sne.s32 s19, s25  }
.Ltmp1:
0xfa: {  	_ = 	snop;
	(pc) =	sbr.rel @p0 .LBB2_1-.Ltmp1, $3  }
0xfb: {  	_ =	sdelay $0x1  }
0xfc: {  	[sflag:s31] =	ssyncset.done $0x0  }
0xfd: {  	[sflag:s31] =	ssyncadd.s32 $0xFFFFC000  }
0xfe: {  	_ =	sfence.sel $0x180000  }
0xff: {  	[bflag:$0x0] =	sbarrier.arrive $0xFFFF  }
0x100: {  	_ =	strace $0x9000004A  }
0x101: {  	s0 =	stileid.u32;
	[bflag:$0x2] =	sbarrier.arrive $0xFFFF  }
0x102: {  	p0 =	sne.s32 s0, $0x0;
	s0 =	rddreg [dreg:$0x2]  }
0x103: {  	s0 =	sadd.s32 @!p0 $0x100000, s0  }
0x104: {  	[sflag:s0] =	ssyncadd.tile.s32 @!p0 $0x1;
	_ =	shalt  }
.Lfunc_end2:
_tile_overlayer_lowered:
.L_overlay_start_2:
0x105: {  	(tag) =	ssettag $0x2  }
0x106: {  	s0 =	rddreg [dreg:$0x0];
	s2 =	stileid.u32  }
0x107: {  	s1 =	rddreg [dreg:$0x1];
	p0 =	sne.s32 s2, $0x0  }
0x108: {  	s3 =	rddreg [dreg:$0x2];
	[bflag:$0x3] =	sbarrier.arrive $0xFFFF;
	s2 =	simm.s32 @!p0 $0x1C07  }
0x109: {  	[timem:s3], [sflag:s2] =	dma.local @!p0 [hbm:s0], s1  }
0x10a: {  	s0 =	simm.s32 @!p0 $0x7  }
0x10b: {  	_ =	swait.ge @!p0 [sflag:s0], s1  }
0x10c: {  	s1 =	ssub.s32 @!p0 $0x0, s1;
	[sflag:s0] =	ssyncset.done @!p0 $0x0  }
0x10d: {  	[sflag:s0] =	ssyncadd.s32 @!p0 s1  }
0x10e: {  	[bflag:$0x3] =	sbarrier.arrive $0xFFFF  }
0x10f: {  	_ =	shalt  }

// kernel: kernel.16.cloned.1.call-start
scs
__scs_entry_jumppad:
0x0: {  	(pc) =	sbr.rel $0x88, $3  }
0x1: {  	(tag) =	ssettag $0x0;
	lr =	simm.s32 $0x1  }
0x2: {  	[smem:$0x3F96] =	sst lr;
	_ =	strace $0xD0000000  }
0x3: {  	_ = 	snop  }
0x4: {  	_ = 	snop  }
0x5: {  	_ = 	snop  }
0x6: {  	_ = 	snop  }
0x7: {  	_ = 	snop  }
__scs_overlays_trampoline_lowered:
0x8: {  	[smem:$0x3FA5] =	sst s0  }
0x9: {  	[smem:$0x3FA6] =	sst s1  }
0xa: {  	[smem:$0x3FA7] =	sst s2  }
0xb: {  	[smem:$0x3FA8] =	sst s3  }
0xc: {  	[smem:$0x3FA9] =	sst s4  }
0xd: {  	[smem:$0x3FAA] =	sst s5  }
0xe: {  	[smem:$0x3FAB] =	sst s6  }
0xf: {  	[smem:$0x3FAC] =	sst s7  }
0x10: {  	[smem:$0x3FAD] =	sst s8  }
0x11: {  	[smem:$0x3FAE] =	sst s9;
	s0 =	simm.s32 @!p0 $0x0  }
0x12: {  	s1 =	sld [smem:$0x3F94];
	s0 =	simm.s32 @p0 $0x1  }
0x13: {  	[smem:$0x3FAF] =	sst s0;
	s0 =	simm.s32 @!p1 $0x0  }
0x14: {  	s2 =	sld [smem:$0x3F93];
	s0 =	simm.s32 @p1 $0x1  }
0x15: {  	[smem:$0x3FB0] =	sst s0;
	s0 =	simm.s32 @!p2 $0x0  }
0x16: {  	s3 =	sld [smem:$0x3FDB];
	s0 =	simm.s32 @p2 $0x1  }
0x17: {  	s4 =	simm.s32 $0x1BF5;
	[smem:$0x3FB2] =	sst s0  }
0x18: {  	s0 =	sld [smem:$0x3F95];
	_ =	swait.ge [sflag:s4], $0x0  }
0x19: {  	s7 =	sld [smem:$0x3F96]  }
0x1a: {  	s8 =	sadd.s32 $0xFFFFE003, lr  }
0x1b: {  	s9 =	sadd.s32 $0xFFFFFEF7, lr;
	s5 =	simm.s32 $0xFFFFFFFF;
	p2 =	slt.u32 s8, $0xFFFFF086  }
0x1c: {  	p1 =	slt.u32 s9, $0xF7A;
	s5 =	simm.s32 @!p2 $0x0  }
0x1d: {  	s5 =	simm.s32 @p1 $0x1;
	p0 =	seq.s32 s7, s2  }
0x1e: {  	s7 =	smul.u32 @!p0 $0xF7A, s2;
	p2 =	seq.s32 @!p0 s5, $0x0  }
0x1f: {  	s9 =	smul.u32 $0xF7A, s1;
	s8 =	simm.s32 @!p0 $0x1BF5;
	p2 =	por !p2, p0  }
0x20: {  	[sflag:s8] =	ssyncset.s32 @!p0 $0xFFFFF086;
	s6 =	sadd.s32 @!p0 s3, s7;
	s7 =	simm.s32 @!p0 $0x108  }
0x21: {  	s3 =	sadd.s32 s3, s9;
	s6 =	sadd.s32 @!p0 $0x88, s6;
	s7 =	simm.s32 @p2 $0x1082  }
0x22: {  	[simem:s7], [sflag:s8] =	dma.local @!p0 [hbm:s6], $0xF7A  }
0x23: {  	s9 =	sor.u32 $0xD0000000, s2;
	s6 =	simm.s32 $0x108;
	_ =	swait.ge @!p0 [sflag:s8], $0x0  }
0x24: {  	s3 =	sadd.s32 $0x88, s3;
	s6 =	simm.s32 @!p1 $0x1082;
	[sflag:s4] =	ssyncset.s32 $0xFFFFF086  }
0x25: {  	[simem:s6], [sflag:s4] =	dma.local [hbm:s3], $0xF7A  }
0x26: {  	[smem:$0x3F96] =	sst s1;
	(tag) =	ssettag s2;
	_ =	strace s9  }
0x27: {  	s1 =	sld [smem:$0x3FA6]  }
0x28: {  	s2 =	sld [smem:$0x3FA7]  }
0x29: {  	s4 =	sld [smem:$0x3FA9]  }
0x2a: {  	p0 =	seq.s32 s5, $0x0;
	s5 =	sld [smem:$0x3FAA]  }
0x2b: {  	s6 =	sld [smem:$0x3FAB]  }
0x2c: {  	s7 =	sld [smem:$0x3FAC]  }
0x2d: {  	s3 =	simm.s32 $0x108;
	s8 =	sld [smem:$0x3FAD]  }
0x2e: {  	s3 =	simm.s32 @!p0 $0x1082;
	s9 =	sld [smem:$0x3FAE]  }
0x2f: {  	lr =	sadd.s32 s0, s3;
	s0 =	sld [smem:$0x3FA5]  }
0x30: {  	s3 =	sld [smem:$0x3FA8]  }
0x31: {  	[smem:$0x3FB1] =	sst s10  }
0x32: {  	s10 =	sld [smem:$0x3FAF];
	_ =	sdelay $0x3  }
0x33: {  	p0 =	seq.s32 s10, $0x1;
	s10 =	sld [smem:$0x3FB1];
	_ =	sdelay $0x3  }
0x34: {  	[smem:$0x3FB1] =	sst s10  }
0x35: {  	s10 =	sld [smem:$0x3FB0];
	_ =	sdelay $0x3  }
0x36: {  	p1 =	seq.s32 s10, $0x1;
	s10 =	sld [smem:$0x3FB1];
	_ =	sdelay $0x3  }
0x37: {  	[smem:$0x3FB1] =	sst s10  }
0x38: {  	s10 =	sld [smem:$0x3FB2]  }
0x39: {  	_ = 	snop;
	(pc) =	sbr.ind lr, $3  }
0x3a: {  	_ = 	snop  }
0x3b: {  	_ = 	snop  }
0x3c: {  	p2 =	seq.s32 s10, $0x1;
	s10 =	sld [smem:$0x3FB1]  }
0x3d: {  	_ =	shalt  }
0x3e: {  	_ =	shalt  }
0x3f: {  	_ =	shalt  }
0x40: {  	_ =	shalt  }
0x41: {  	_ =	shalt  }
0x42: {  	_ =	shalt  }
0x43: {  	_ =	shalt  }
0x44: {  	_ =	shalt  }
0x45: {  	_ =	shalt  }
0x46: {  	_ =	shalt  }
0x47: {  	_ =	shalt  }
0x48: {  	_ =	shalt  }
0x49: {  	_ =	shalt  }
0x4a: {  	_ =	shalt  }
0x4b: {  	_ =	shalt  }
0x4c: {  	_ =	shalt  }
0x4d: {  	_ =	shalt  }
0x4e: {  	_ =	shalt  }
0x4f: {  	_ =	shalt  }
0x50: {  	_ =	shalt  }
0x51: {  	_ =	shalt  }
0x52: {  	_ =	shalt  }
0x53: {  	_ =	shalt  }
0x54: {  	_ =	shalt  }
0x55: {  	_ =	shalt  }
0x56: {  	_ =	shalt  }
0x57: {  	_ =	shalt  }
0x58: {  	_ =	shalt  }
0x59: {  	_ =	shalt  }
0x5a: {  	_ =	shalt  }
0x5b: {  	_ =	shalt  }
0x5c: {  	_ =	shalt  }
0x5d: {  	_ =	shalt  }
0x5e: {  	_ =	shalt  }
0x5f: {  	_ =	shalt  }
0x60: {  	_ =	shalt  }
0x61: {  	_ =	shalt  }
0x62: {  	_ =	shalt  }
0x63: {  	_ =	shalt  }
0x64: {  	_ =	shalt  }
0x65: {  	_ =	shalt  }
0x66: {  	_ =	shalt  }
0x67: {  	_ =	shalt  }
0x68: {  	_ =	shalt  }
0x69: {  	_ =	shalt  }
0x6a: {  	_ =	shalt  }
0x6b: {  	_ =	shalt  }
0x6c: {  	_ =	shalt  }
0x6d: {  	_ =	shalt  }
0x6e: {  	_ =	shalt  }
0x6f: {  	_ =	shalt  }
0x70: {  	_ =	shalt  }
0x71: {  	_ =	shalt  }
0x72: {  	_ =	shalt  }
0x73: {  	_ =	shalt  }
0x74: {  	_ =	shalt  }
0x75: {  	_ =	shalt  }
0x76: {  	_ =	shalt  }
0x77: {  	_ =	shalt  }
0x78: {  	_ =	shalt  }
0x79: {  	_ =	shalt  }
0x7a: {  	_ =	shalt  }
0x7b: {  	_ =	shalt  }
0x7c: {  	_ =	shalt  }
0x7d: {  	_ =	shalt  }
0x7e: {  	_ =	shalt  }
0x7f: {  	_ =	shalt  }
0x80: {  	_ =	shalt  }
0x81: {  	_ =	shalt  }
0x82: {  	_ =	shalt  }
0x83: {  	_ =	shalt  }
0x84: {  	_ =	shalt  }
0x85: {  	_ =	shalt  }
0x86: {  	_ =	shalt  }
0x87: {  	_ =	shalt  }
.Lfunc_end0:
.L_simem_size_0:
called_computation.2_lowered:
.L_overlay_start_0:
0x88: {  	s2 =	sld [smem:$0x3FD9]  }
0x89: {  	s3 =	sld [smem:$0x3FFE];
	_ =	sdelay $0x1  }
0x8a: {  	s1 =	srdreg.scid  }
0x8b: {  	s0 =	sand.u32 $0x1, s1  }
0x8c: {  	s16 =	sshll.u32 s0, $0xA;
	s2 =	sadd.s32 s3, s2  }
0x8d: {  	s2 =	sadd.s32 s2, s16  }
0x8e: {  	[smem:$0x3FBD] =	sst s2  }
0x8f: {  	_ = 	snop  }
0x90: {  	(tm) =	ssettm $0x1  }
0x91: {  	s17 =	sld [smem:$0x3FFB];
	_ =	sdelay $0x3  }
0x92: {  	_ =	strace s17  }
0x93: {  	s2 =	sld [smem:$0x3FFC];
	_ =	sdelay $0x3  }
0x94: {  	_ =	strace s2  }
0x95: {  	s2 =	sld [smem:$0x3FFD];
	_ =	sdelay $0x3  }
0x96: {  	_ =	strace s2  }
0x97: {  	_ =	strace $0x8FFFFFFF  }
0x98: {  	s18 =	sld [smem:$0x3FDB];
	_ =	sdelay $0x1  }
0x99: {  	s19 =	simm.s32 $_scs_section_size  }
0x9a: {  	s4 =	simm.s32 $_size__tile_overlayer_lowered;
	s5 =	simm.s32 $_tile_overlayer_lowered  }
0x9b: {  	s22 =	simm.s32 $0x1BFF;
	s21 =	sshll.u32 s5, $0x1;
	s2 =	sadd.s32 s19, s18  }
0x9c: {  	s6 =	simm.s32 $0x0;
	s20 =	sshll.u32 s4, $0x1;
	s4 =	sadd.s32 s21, s2  }
0x9d: {  	[timem:s6], [sflag:s22] =	dma.local [hbm:s4], s20  }
0x9e: {  	_ =	swait.ge [sflag:s22], s20  }
0x9f: {  	s3 =	ssub.s32 $0x0, s20;
	[sflag:s22] =	ssyncset.done $0x0  }
0xa0: {  	[sflag:s22] =	ssyncadd.s32 s3;
	_ =	sdelay $0x1  }
0xa1: {  	s23 =	simm.s32 $0x1B8B  }
0xa2: {  	_ =	swait.ge [sflag:s23], $0x1  }
0xa3: {  	[sflag:s23] =	ssyncset.done $0x0  }
0xa4: {  	s25 =	simm.s32 $0x1B8E;
	s24 =	sld [smem:$0x3FFE];
	[sflag:s23] =	ssyncadd.s32 $0xFFFFFFFF  }
0xa5: {  	s26 =	simm.s32 $execute0_lowered;
	[smem:$0x3FD2] =	sst s25  }
0xa6: {  	s4 =	sshll.u32 s26, $0x1;
	_ =	strace $0x8000004C;
	[dreg:$0x1] =	wrdreg $0xFFFFFFFF  }
0xa7: {  	s28 =	simm.s32 $_size_execute0_lowered;
	s2 =	sadd.s32 s2, s4;
	[dreg:$0x0] =	wrdreg $0x0  }
0xa8: {  	s4 =	sshll.u32 s28, $0x1;
	[dreg:$0x2] =	wrdreg s2  }
0xa9: {  	[dreg:$0x3] =	wrdreg s4  }
0xaa: {  	[dreg:$0x4] =	wrdreg $0xC0  }
0xab: {  	_ =	task [dreg:s6], $0x5FFFF  }
0xac: {  	[dreg:$0x1] =	wrdreg $0xFFFFFFFF  }
0xad: {  	[dreg:$0x0] =	wrdreg $0x60  }
0xae: {  	[dreg:$0x2] =	wrdreg s24  }
0xaf: {  	[dreg:$0x3] =	wrdreg $0x28000  }
0xb0: {  	[dreg:$0x4] =	wrdreg $0x9  }
0xb1: {  	_ =	task.clear_ibuf [dreg:s6], $0x5FFFF;
	_ =	strace $0x9000004C  }
0xb2: {  	s29 =	simm.s32 $0x9;
	_ =	strace $0x8000004E  }
0xb3: {  	_ =	swait.ge [sflag:s29], $0x1  }
0xb4: {  	[sflag:s29] =	ssyncadd.s32 $0xFFFFFFFF  }
0xb5: {  	_ =	strace $0x9000004E  }
0xb6: {  	_ =	sfence  }
0xb7: {  	s30 =	sld [smem:$0x0];
	_ =	sdelay $0x2  }
0xb8: {  	s31 =	sshll.u32 s1, $0xD;
	s1 =	sshrl.u32 s1, $0x2  }
0xb9: {  	s3 =	sand.u32 $0x4000, s31;
	s1 =	sadd.s32 s1, s30  }
0xba: {  	s0 =	sor.u32 s3, s0;
	s1 =	sshll.u32 s1, $0x11  }
0xbb: {  	s0 =	sor.u32 s1, s0  }
0xbc: {  	s0 =	sadd.s32 $0x8F2B, s0  }
0xbd: {  	[sflag:s0] =	ssyncadd.remote.s32 $0x1  }
0xbe: {  	_ =	sfence.sel $0xFFFF  }
0xbf: {  	[dreg:$0x0] =	wrdreg $0xFFFFFFFF;
	(pc) =	sbr.abs _section_cstart, $3  }
0xc0: {  	[dreg:$0x1] =	wrdreg $0xFFFFFFFF  }
0xc1: {  	_ =	task.clear_ibuf [dreg:s6], $0x2FFFF;
	_ =	strace $0x9FFFFFFF  }
0xc2: {  	(tm) =	ssettm $0x7FFFFFFF  }
0xc3: {  	_ =	shalt  }
tec
execute0_lowered:
.L_overlay_start_1:
0x0: {  	(tag) =	ssettag $0x1  }
0x1: {  	s0 =	srdreg.scid  }
0x2: {  	s1 =	rddreg [dreg:$0x0];
	s13 =	stileid.u32  }
0x3: {  	s2 =	rddreg [dreg:$0x1];
	s29 =	simm.s32 $0x16800;
	s7 =	smul.u32 $0x280, s13  }
0x4: {  	s30 =	simm.s32 $0x16880;
	s31 =	simm.s32 $0x7;
	s12 =	smul.u32 $0x50000, s13  }
0x5: {  	s0 =	sand.u32 $0x1, s0;
	s5 =	sadd.s32 $0x3000, s1;
	s19 =	smul.u32 $0x2800, s13  }
0x6: {  	s6 =	sadd.s32 $0x69800, s1;
	s3 =	sshll.u32 s0, $0x4;
	s8 =	smul.u32 $0x2800, s0  }
0x7: {  	s0 =	ssub.s32 $0x2, s0;
	s4 =	sor.u32 s13, s3;
	s3 =	simm.s32 $0x0  }
0x8: {  	s11 =	sshrl.u32 s0, $0x1;
	s18 =	sshrl.u32 s12, $0x2;
	s20 =	sadd.s32 $0x80, s7  }
0x9: {  	s21 =	sadd.s32 s5, s19;
	s24 =	sadd.s32 $0x100, s7;
	s26 =	sadd.s32 $0x180, s7  }
0xa: {  	s4 =	smul.u32 $0x2800, s4;
	[smem:$0x7FF] =	sst s3;
	s8 =	sadd.s32 s8, s7  }
0xb: {  	s0 =	ssub.s32 s0, s11;
	s22 =	sshll.u32 s20, $0x4;
	s23 =	sshll.u32 s20, $0x7  }
0xc: {  	s25 =	sshll.u32 s24, $0x4;
	s12 =	sshll.u32 s24, $0x7;
	s13 =	sshll.u32 s26, $0x4  }
0xd: {  	_ =	strace $0x8000004D;
	s8 =	sshll.u32 s8, $0x4;
	s0 =	smax.u32 s0, $0x1  }
0xe: {  	[dreg:$0x6] =	wrdreg s21;
	s14 =	sadd.s32 s23, s2;
	s16 =	sadd.s32 s12, s2  }
0xf: {  	s15 =	sadd.s32 s5, s13;
	s12 =	simm.s32 $0x1A900;
	s13 =	simm.s32 $0x4  }
0x10: {  	s9 =	sshrl.u32 s4, $0x3;
	[dreg:$0x5] =	wrdreg s0;
	s0 =	sadd.s32 s5, s22  }
0x11: {  	[dreg:$0x9] =	wrdreg s15;
	s15 =	simm.s32 $0x5;
	s10 =	sadd.s32 s9, s1  }
0x12: {  	s11 =	sadd.s32 s6, s9;
	[dreg:$0x7] =	wrdreg s0;
	s0 =	sadd.s32 s5, s25  }
0x13: {  	s1 =	sadd.s32 s8, s1;
	s17 =	sadd.s32 $0x10, s11;
	[dreg:$0x8] =	wrdreg s0  }
0x14: {  	s8 =	simm.s32 $0x80;
	s10 =	sadd.s32 $0x73800, s10;
	[dreg:$0x3] =	wrdreg s17  }
0x15: {  	s9 =	simm.s32 $0x3;
	s21 =	sadd.s32 $0x7D800, s1;
	[dreg:$0x4] =	wrdreg s10  }
0x16: {  	s22 =	sadd.s32 $0x7E000, s1;
	s23 =	sadd.s32 $0x7E800, s1;
	[dreg:$0xb] =	wrdreg s21  }
0x17: {  	s24 =	sadd.s32 $0x7F000, s1;
	s25 =	sadd.s32 $0x7F800, s1;
	[dreg:$0xc] =	wrdreg s22  }
0x18: {  	s28 =	sadd.s32 $0x30, s11;
	s1 =	simm.s32 $0x16900;
	[dreg:$0xd] =	wrdreg s23  }
0x19: {  	s10 =	sadd.s32 s18, s2;
	s17 =	sadd.s32 $0x200, s7;
	[dreg:$0xe] =	wrdreg s24  }
0x1a: {  	s18 =	sshll.u32 s26, $0x7;
	[dreg:$0xf] =	wrdreg s25;
	s26 =	sadd.s32 $0x20, s11  }
0x1b: {  	s19 =	sshll.u32 s17, $0x4;
	s0 =	sshll.u32 s17, $0x7;
	s18 =	sadd.s32 s18, s2  }
0x1c: {  	[dreg:$0x10] =	wrdreg s26;
	s26 =	smov.u32 s11;
	s11 =	simm.s32 $0x2  }
0x1d: {  	s17 =	simm.s32 $0x6;
	s20 =	sadd.s32 s5, s19;
	s19 =	simm.s32 $0x0  }
0x1e: {  	[dreg:$0xa] =	wrdreg s20;
	s20 =	sadd.s32 s0, s2;
	s0 =	simm.s32 $0x1  }
.LBB2_1:
0x1f: {  	[tilespmem:s29], [sflag:$0x1] =	stream.linear.gather [hbm4b:s26+s3], $0x80, $0x38;
	[tilespmem:$0x1E900] =	vst v63  }
0x20: {  	s7 =	rddreg [dreg:$0x3]  }
0x21: {  	[tilespmem:s30], [sflag:$0x2] =	stream.linear.gather [hbm4b:s7+s3], $0x80, $0x38;
	[tilespmem:$0x1E900] =	vst v63  }
0x22: {  	s22 =	rddreg [dreg:$0x4]  }
0x23: {  	[tilespmem:s3], [sflag:$0x7] =	stream.linear.gather [hbm4b:s22+s3], $0x2800, $0x38;
	[tilespmem:$0x1E900] =	vst v63  }
0x24: {  	_ =	swait.ge [sflag:s31], $0x2800  }
0x25: {  	[sflag:s31] =	ssyncset.done $0x0  }
0x26: {  	s23 =	rddreg [dreg:$0x6];
	[sflag:s31] =	ssyncadd.s32 $0xFFFFD800  }
0x27: {  	[tilespmem:s1], [sflag:$0x7] =	stream.linear.gather [hbm4b:s23+s3], $0x4000, $0x38;
	[tilespmem:$0x1E900] =	vst v63  }
0x28: {  	_ =	swait.ge [sflag:s31], $0x4000  }
0x29: {  	[sflag:s31] =	ssyncset.done $0x0  }
0x2a: {  	[sflag:s31] =	ssyncadd.s32 $0xFFFFC000  }
0x2b: {  	[spmem:s10] =	stream.linear.scatter [tilespmem:s1], [sflag:$0x7], $0x4000, $0x38;
	[tilespmem:$0x1E900] =	vst v63  }
0x2c: {  	_ =	swait.ge [sflag:s31], $0x4000  }
0x2d: {  	[sflag:s31] =	ssyncset.done $0x0  }
0x2e: {  	s24 =	rddreg [dreg:$0x7];
	[sflag:s31] =	ssyncadd.s32 $0xFFFFC000  }
0x2f: {  	[tilespmem:s1], [sflag:$0x7] =	stream.linear.gather [hbm4b:s24+s3], $0x4000, $0x38;
	[tilespmem:$0x1E900] =	vst v63  }
0x30: {  	_ =	swait.ge [sflag:s31], $0x4000  }
0x31: {  	[sflag:s31] =	ssyncset.done $0x0  }
0x32: {  	[sflag:s31] =	ssyncadd.s32 $0xFFFFC000  }
0x33: {  	[spmem:s14] =	stream.linear.scatter [tilespmem:s1], [sflag:$0x7], $0x4000, $0x38;
	[tilespmem:$0x1E900] =	vst v63  }
0x34: {  	_ =	swait.ge [sflag:s31], $0x4000  }
0x35: {  	[sflag:s31] =	ssyncset.done $0x0  }
0x36: {  	s25 =	rddreg [dreg:$0x8];
	[sflag:s31] =	ssyncadd.s32 $0xFFFFC000  }
0x37: {  	[tilespmem:s1], [sflag:$0x7] =	stream.linear.gather [hbm4b:s25+s3], $0x4000, $0x38;
	[tilespmem:$0x1E900] =	vst v63  }
0x38: {  	_ =	swait.ge [sflag:s31], $0x4000  }
0x39: {  	[sflag:s31] =	ssyncset.done $0x0  }
0x3a: {  	[sflag:s31] =	ssyncadd.s32 $0xFFFFC000  }
0x3b: {  	[spmem:s16] =	stream.linear.scatter [tilespmem:s1], [sflag:$0x7], $0x4000, $0x38;
	[tilespmem:$0x1E900] =	vst v63  }
0x3c: {  	_ =	swait.ge [sflag:s31], $0x4000  }
0x3d: {  	[sflag:s31] =	ssyncset.done $0x0  }
0x3e: {  	s21 =	rddreg [dreg:$0x9];
	[sflag:s31] =	ssyncadd.s32 $0xFFFFC000  }
0x3f: {  	[tilespmem:s1], [sflag:$0x7] =	stream.linear.gather [hbm4b:s21+s3], $0x4000, $0x38;
	[tilespmem:$0x1E900] =	vst v63  }
0x40: {  	_ =	swait.ge [sflag:s31], $0x4000  }
0x41: {  	[sflag:s31] =	ssyncset.done $0x0  }
0x42: {  	[sflag:s31] =	ssyncadd.s32 $0xFFFFC000  }
0x43: {  	[spmem:s18] =	stream.linear.scatter [tilespmem:s1], [sflag:$0x7], $0x4000, $0x38;
	[tilespmem:$0x1E900] =	vst v63  }
0x44: {  	_ =	swait.ge [sflag:s31], $0x4000  }
0x45: {  	[sflag:s31] =	ssyncset.done $0x0  }
0x46: {  	s22 =	rddreg [dreg:$0xa];
	[sflag:s31] =	ssyncadd.s32 $0xFFFFC000  }
0x47: {  	[tilespmem:s1], [sflag:$0x7] =	stream.linear.gather [hbm4b:s22+s3], $0x4000, $0x38;
	[tilespmem:$0x1E900] =	vst v63  }
0x48: {  	_ =	swait.ge [sflag:s31], $0x4000  }
0x49: {  	[sflag:s31] =	ssyncset.done $0x0  }
0x4a: {  	[sflag:s31] =	ssyncadd.s32 $0xFFFFC000  }
0x4b: {  	[spmem:s20] =	stream.linear.scatter [tilespmem:s1], [sflag:$0x7], $0x4000, $0x38;
	[tilespmem:$0x1E900] =	vst v63  }
0x4c: {  	_ =	swait.ge [sflag:s31], $0x4000  }
0x4d: {  	[sflag:s31] =	ssyncset.done $0x0  }
0x4e: {  	[sflag:s31] =	ssyncadd.s32 $0xFFFFC000  }
0x4f: {  	[bflag:$0x0] =	sbarrier.arrive $0xFFFF  }
0x50: {  	_ =	swait.ge [sflag:s0], $0x80  }
0x51: {  	[sflag:s0] =	ssyncset.done $0x0  }
0x52: {  	[sflag:s0] =	ssyncadd.s32 $0xFFFFFF80  }
0x53: {  	[tilespmem:s1], [sflag:$0x3] =	stream.indirect.gather [hbm4b:s5+s8], $0x80, s29, s8, $0xb8;
	[tilespmem:$0x1E900] =	vst v63  }
0x54: {  	_ =	swait.ge [sflag:s9], $0x4000  }
0x55: {  	[sflag:s9] =	ssyncset.done $0x0  }
0x56: {  	[sflag:s9] =	ssyncadd.s32 $0xFFFFC000  }
0x57: {  	[spmem:s2] =	stream.indirect.scatter.add.f32 [tilespmem:s1], [sflag:$0x5], $0x80, s3, s8, $0xb8;
	[tilespmem:$0x1E900] =	vst v63  }
0x58: {  	_ =	swait.ge [sflag:s11], $0x80  }
0x59: {  	[sflag:s11] =	ssyncset.done $0x0  }
0x5a: {  	[sflag:s11] =	ssyncadd.s32 $0xFFFFFF80  }
0x5b: {  	[tilespmem:s12], [sflag:$0x4] =	stream.indirect.gather [hbm4b:s5+s8], $0x80, s30, s8, $0xb8;
	[tilespmem:$0x1E900] =	vst v63  }
0x5c: {  	s23 =	rddreg [dreg:$0x10]  }
0x5d: {  	[tilespmem:s29], [sflag:$0x1] =	stream.linear.gather [hbm4b:s23+s3], $0x80, $0x38;
	[tilespmem:$0x1E900] =	vst v63  }
0x5e: {  	_ =	swait.ge [sflag:s13], $0x4000  }
0x5f: {  	[sflag:s13] =	ssyncset.done $0x0  }
0x60: {  	[sflag:s13] =	ssyncadd.s32 $0xFFFFC000  }
0x61: {  	[spmem:s2] =	stream.indirect.scatter.add.f32 [tilespmem:s12], [sflag:$0x6], $0x80, s8, s8, $0xb8;
	[tilespmem:$0x1E900] =	vst v63  }
0x62: {  	_ =	swait.ge [sflag:s15], $0x4000  }
0x63: {  	[sflag:s15] =	ssyncset.done $0x0  }
0x64: {  	[sflag:s15] =	ssyncadd.s32 $0xFFFFC000  }
0x65: {  	_ =	swait.ge [sflag:s0], $0x80  }
0x66: {  	[sflag:s0] =	ssyncset.done $0x0  }
0x67: {  	[sflag:s0] =	ssyncadd.s32 $0xFFFFFF80  }
0x68: {  	[tilespmem:s1], [sflag:$0x3] =	stream.indirect.gather [hbm4b:s5+s8], $0x80, s29, s8, $0xb8;
	[tilespmem:$0x1E900] =	vst v63  }
0x69: {  	_ = 	snop  }
0x6a: {  	[tilespmem:s30], [sflag:$0x2] =	stream.linear.gather [hbm4b:s28+s3], $0x80, $0x38;
	[tilespmem:$0x1E900] =	vst v63  }
0x6b: {  	_ =	swait.ge [sflag:s9], $0x4000  }
0x6c: {  	[sflag:s9] =	ssyncset.done $0x0  }
0x6d: {  	s24 =	simm.s32 $0x100;
	[sflag:s9] =	ssyncadd.s32 $0xFFFFC000  }
0x6e: {  	[spmem:s2] =	stream.indirect.scatter.add.f32 [tilespmem:s1], [sflag:$0x5], $0x80, s24, s8, $0xb8;
	[tilespmem:$0x1E900] =	vst v63  }
0x6f: {  	_ =	swait.ge [sflag:s17], $0x4000  }
0x70: {  	s25 =	simm.s32 $0x200;
	[sflag:s17] =	ssyncset.done $0x0  }
0x71: {  	s21 =	sand.u32 $0x7C00, s25;
	[sflag:s17] =	ssyncadd.s32 $0xFFFFC000  }
0x72: {  	s7 =	sand.u32 $0x300, s25;
	s21 =	sadd.s32 s4, s21;
	_ =	swait.ge [sflag:s11], $0x80  }
0x73: {  	s7 =	sor.u32 s7, s21;
	[sflag:s11] =	ssyncset.done $0x0  }
0x74: {  	s7 =	sshrl.u32 s7, $0x3;
	[sflag:s11] =	ssyncadd.s32 $0xFFFFFF80  }
0x75: {  	[tilespmem:s12], [sflag:$0x4] =	stream.indirect.gather [hbm4b:s5+s8], $0x80, s30, s8, $0xb8;
	[tilespmem:$0x1E900] =	vst v63  }
0x76: {  	s7 =	sadd.s32 s6, s7  }
0x77: {  	[tilespmem:s29], [sflag:$0x1] =	stream.linear.gather [hbm4b:s7+s3], $0x80, $0x38;
	[tilespmem:$0x1E900] =	vst v63  }
0x78: {  	_ =	swait.ge [sflag:s13], $0x4000  }
0x79: {  	[sflag:s13] =	ssyncset.done $0x0  }
0x7a: {  	s21 =	simm.s32 $0x180;
	[sflag:s13] =	ssyncadd.s32 $0xFFFFC000  }
0x7b: {  	[spmem:s2] =	stream.indirect.scatter.add.f32 [tilespmem:s12], [sflag:$0x6], $0x80, s21, s8, $0xb8;
	[tilespmem:$0x1E900] =	vst v63  }
0x7c: {  	_ =	swait.ge [sflag:s15], $0x4000  }
0x7d: {  	s22 =	simm.s32 $0x280;
	[sflag:s15] =	ssyncset.done $0x0  }
0x7e: {  	s23 =	sand.u32 $0x7C00, s22;
	[sflag:s15] =	ssyncadd.s32 $0xFFFFC000  }
0x7f: {  	s7 =	sand.u32 $0x380, s22;
	s21 =	sadd.s32 s4, s23;
	_ =	swait.ge [sflag:s0], $0x80  }
0x80: {  	s7 =	sor.u32 s7, s21;
	[sflag:s0] =	ssyncset.done $0x0  }
0x81: {  	s7 =	sshrl.u32 s7, $0x3;
	[sflag:s0] =	ssyncadd.s32 $0xFFFFFF80  }
0x82: {  	[tilespmem:s1], [sflag:$0x3] =	stream.indirect.gather [hbm4b:s5+s8], $0x80, s29, s8, $0xb8;
	[tilespmem:$0x1E900] =	vst v63  }
0x83: {  	s7 =	sadd.s32 s6, s7  }
0x84: {  	[tilespmem:s30], [sflag:$0x2] =	stream.linear.gather [hbm4b:s7+s3], $0x80, $0x38;
	[tilespmem:$0x1E900] =	vst v63  }
0x85: {  	_ =	swait.ge [sflag:s9], $0x4000  }
0x86: {  	[sflag:s9] =	ssyncset.done $0x0  }
0x87: {  	s24 =	simm.s32 $0x200;
	[sflag:s9] =	ssyncadd.s32 $0xFFFFC000  }
0x88: {  	[spmem:s2] =	stream.indirect.scatter.add.f32 [tilespmem:s1], [sflag:$0x5], $0x80, s24, s8, $0xb8;
	[tilespmem:$0x1E900] =	vst v63  }
0x89: {  	s25 =	simm.s32 $0x300;
	_ =	swait.ge [sflag:s17], $0x4000  }
0x8a: {  	s22 =	simm.s32 $0x380;
	s23 =	simm.s32 $0x480;
	[sflag:s17] =	ssyncset.done $0x0  }
0x8b: {  	s21 =	simm.s32 $0x280;
	s24 =	sand.u32 $0x7C00, s25;
	[sflag:s17] =	ssyncadd.s32 $0xFFFFC000  }
0x8c: {  	s25 =	sand.u32 $0x300, s25;
	s24 =	sadd.s32 s4, s24;
	_ =	swait.ge [sflag:s11], $0x80  }
.LBB2_2:
0x8d: {  	s24 =	sor.u32 s25, s24  }
0x8e: {  	[sflag:s11] =	ssyncset.done $0x0;
	s25 =	smov.u32 s23;
	s7 =	sadd.s32 $0x100, s23  }
0x8f: {  	p0 =	sne.s32 s23, $0x2780;
	s23 =	sshrl.u32 s24, $0x3;
	[sflag:s11] =	ssyncadd.s32 $0xFFFFFF80  }
0x90: {  	[tilespmem:s12], [sflag:$0x4] =	stream.indirect.gather [hbm4b:s5+s8], $0x80, s30, s8, $0xb8;
	[tilespmem:$0x1E900] =	vst v63  }
0x91: {  	s23 =	sadd.s32 s6, s23  }
0x92: {  	[tilespmem:s29], [sflag:$0x1] =	stream.linear.gather [hbm4b:s23+s3], $0x80, $0x38;
	[tilespmem:$0x1E900] =	vst v63  }
0x93: {  	_ =	swait.ge [sflag:s13], $0x4000  }
0x94: {  	[sflag:s13] =	ssyncset.done $0x0  }
0x95: {  	[sflag:s13] =	ssyncadd.s32 $0xFFFFC000  }
0x96: {  	[spmem:s2] =	stream.indirect.scatter.add.f32 [tilespmem:s12], [sflag:$0x6], $0x80, s21, s8, $0xb8;
	[tilespmem:$0x1E900] =	vst v63  }
0x97: {  	_ =	swait.ge [sflag:s15], $0x4000  }
0x98: {  	[sflag:s15] =	ssyncset.done $0x0  }
0x99: {  	[sflag:s15] =	ssyncadd.s32 $0xFFFFC000  }
0x9a: {  	s23 =	sand.u32 $0x7C00, s22;
	_ =	swait.ge [sflag:s0], $0x80  }
0x9b: {  	s22 =	sand.u32 $0x380, s22;
	s23 =	sadd.s32 s4, s23;
	[sflag:s0] =	ssyncset.done $0x0  }
0x9c: {  	s23 =	sor.u32 s22, s23;
	s22 =	smov.u32 s25;
	[sflag:s0] =	ssyncadd.s32 $0xFFFFFF80  }
0x9d: {  	[tilespmem:s1], [sflag:$0x3] =	stream.indirect.gather [hbm4b:s5+s8], $0x80, s29, s8, $0xb8;
	[tilespmem:$0x1E900] =	vst v63  }
0x9e: {  	s23 =	sshrl.u32 s23, $0x3  }
0x9f: {  	s23 =	sadd.s32 s6, s23  }
0xa0: {  	[tilespmem:s30], [sflag:$0x2] =	stream.linear.gather [hbm4b:s23+s3], $0x80, $0x38;
	[tilespmem:$0x1E900] =	vst v63  }
0xa1: {  	_ =	swait.ge [sflag:s9], $0x4000  }
0xa2: {  	[sflag:s9] =	ssyncset.done $0x0  }
0xa3: {  	s23 =	sadd.s32 $0x80, s21;
	[sflag:s9] =	ssyncadd.s32 $0xFFFFC000  }
0xa4: {  	[spmem:s2] =	stream.indirect.scatter.add.f32 [tilespmem:s1], [sflag:$0x5], $0x80, s23, s8, $0xb8;
	[tilespmem:$0x1E900] =	vst v63  }
.Ltmp0:
0xa5: {  	_ = 	snop;
	(pc) =	sbr.rel @p0 .LBB2_2-.Ltmp0, $4  }
0xa6: {  	_ =	swait.ge [sflag:s17], $0x4000  }
0xa7: {  	s21 =	sadd.s32 $0x100, s21;
	s23 =	sadd.s32 $0xFFFFFF80, s22;
	[sflag:s17] =	ssyncset.done $0x0  }
0xa8: {  	s24 =	sand.u32 $0x7C00, s23;
	s25 =	sand.u32 $0x300, s23;
	[sflag:s17] =	ssyncadd.s32 $0xFFFFC000  }
0xa9: {  	s23 =	smov.u32 s7;
	s24 =	sadd.s32 s4, s24;
	_ =	swait.ge [sflag:s11], $0x80  }
0xaa: {  	s7 =	sor.u32 s25, s24;
	[sflag:s11] =	ssyncset.done $0x0  }
0xab: {  	s7 =	sshrl.u32 s7, $0x3;
	[sflag:s11] =	ssyncadd.s32 $0xFFFFFF80  }
0xac: {  	[tilespmem:s12], [sflag:$0x4] =	stream.indirect.gather [hbm4b:s5+s8], $0x80, s30, s8, $0xb8;
	[tilespmem:$0x1E900] =	vst v63  }
0xad: {  	s7 =	sadd.s32 s6, s7  }
0xae: {  	[tilespmem:s29], [sflag:$0x1] =	stream.linear.gather [hbm4b:s7+s3], $0x80, $0x38;
	[tilespmem:$0x1E900] =	vst v63  }
0xaf: {  	_ =	swait.ge [sflag:s13], $0x4000  }
0xb0: {  	[sflag:s13] =	ssyncset.done $0x0  }
0xb1: {  	[sflag:s13] =	ssyncadd.s32 $0xFFFFC000  }
0xb2: {  	[spmem:s2] =	stream.indirect.scatter.add.f32 [tilespmem:s12], [sflag:$0x6], $0x80, s21, s8, $0xb8;
	[tilespmem:$0x1E900] =	vst v63  }
0xb3: {  	_ =	swait.ge [sflag:s15], $0x4000  }
0xb4: {  	[sflag:s15] =	ssyncset.done $0x0  }
0xb5: {  	s24 =	sand.u32 $0x7C00, s22;
	[sflag:s15] =	ssyncadd.s32 $0xFFFFC000  }
0xb6: {  	s25 =	sand.u32 $0x380, s22;
	s7 =	sadd.s32 s4, s24;
	_ =	swait.ge [sflag:s0], $0x80  }
0xb7: {  	s7 =	sor.u32 s25, s7;
	[sflag:s0] =	ssyncset.done $0x0  }
0xb8: {  	s7 =	sshrl.u32 s7, $0x3;
	[sflag:s0] =	ssyncadd.s32 $0xFFFFFF80  }
0xb9: {  	[tilespmem:s1], [sflag:$0x3] =	stream.indirect.gather [hbm4b:s5+s8], $0x80, s29, s8, $0xb8;
	[tilespmem:$0x1E900] =	vst v63  }
0xba: {  	s7 =	sadd.s32 s6, s7  }
0xbb: {  	[tilespmem:s30], [sflag:$0x2] =	stream.linear.gather [hbm4b:s7+s3], $0x80, $0x38;
	[tilespmem:$0x1E900] =	vst v63  }
0xbc: {  	_ =	swait.ge [sflag:s9], $0x4000  }
0xbd: {  	[sflag:s9] =	ssyncset.done $0x0  }
0xbe: {  	s23 =	sadd.s32 $0x80, s21;
	[sflag:s9] =	ssyncadd.s32 $0xFFFFC000  }
0xbf: {  	[spmem:s2] =	stream.indirect.scatter.add.f32 [tilespmem:s1], [sflag:$0x5], $0x80, s23, s8, $0xb8;
	[tilespmem:$0x1E900] =	vst v63  }
0xc0: {  	_ =	swait.ge [sflag:s17], $0x4000  }
0xc1: {  	[sflag:s17] =	ssyncset.done $0x0  }
0xc2: {  	[sflag:s17] =	ssyncadd.s32 $0xFFFFC000  }
0xc3: {  	_ =	swait.ge [sflag:s11], $0x80  }
0xc4: {  	[sflag:s11] =	ssyncset.done $0x0  }
0xc5: {  	[sflag:s11] =	ssyncadd.s32 $0xFFFFFF80  }
0xc6: {  	[tilespmem:s12], [sflag:$0x4] =	stream.indirect.gather [hbm4b:s5+s8], $0x80, s30, s8, $0xb8;
	[tilespmem:$0x1E900] =	vst v63  }
0xc7: {  	_ =	swait.ge [sflag:s13], $0x4000  }
0xc8: {  	[sflag:s13] =	ssyncset.done $0x0  }
0xc9: {  	s24 =	sadd.s32 $0x100, s21;
	[sflag:s13] =	ssyncadd.s32 $0xFFFFC000  }
0xca: {  	[spmem:s2] =	stream.indirect.scatter.add.f32 [tilespmem:s12], [sflag:$0x6], $0x80, s24, s8, $0xb8;
	[tilespmem:$0x1E900] =	vst v63  }
0xcb: {  	_ =	swait.ge [sflag:s15], $0x4000  }
0xcc: {  	[sflag:s15] =	ssyncset.done $0x0  }
0xcd: {  	[sflag:s15] =	ssyncadd.s32 $0xFFFFC000  }
0xce: {  	_ =	swait.ge [sflag:s17], $0x4000  }
0xcf: {  	[sflag:s17] =	ssyncset.done $0x0  }
0xd0: {  	[sflag:s17] =	ssyncadd.s32 $0xFFFFC000  }
0xd1: {  	[bflag:$0x0] =	sbarrier.arrive $0xFFFF  }
0xd2: {  	[tilespmem:s1], [sflag:$0x7] =	stream.linear.gather [spmem:s10], $0x4000, $0x38;
	[tilespmem:$0x1E900] =	vst v63  }
0xd3: {  	_ =	swait.ge [sflag:s31], $0x4000  }
0xd4: {  	[sflag:s31] =	ssyncset.done $0x0  }
0xd5: {  	s25 =	rddreg [dreg:$0xb];
	[sflag:s31] =	ssyncadd.s32 $0xFFFFC000  }
0xd6: {  	[hbm4b:s25+s3] =	stream.linear.scatter [tilespmem:s1], [sflag:$0x7], $0x4000, $0x38;
	[tilespmem:$0x1E900] =	vst v63  }
0xd7: {  	_ =	swait.ge [sflag:s31], $0x4000  }
0xd8: {  	[sflag:s31] =	ssyncset.done $0x0  }
0xd9: {  	[sflag:s31] =	ssyncadd.s32 $0xFFFFC000  }
0xda: {  	[tilespmem:s1], [sflag:$0x7] =	stream.linear.gather [spmem:s14], $0x4000, $0x38;
	[tilespmem:$0x1E900] =	vst v63  }
0xdb: {  	_ =	swait.ge [sflag:s31], $0x4000  }
0xdc: {  	[sflag:s31] =	ssyncset.done $0x0  }
0xdd: {  	s21 =	rddreg [dreg:$0xc];
	[sflag:s31] =	ssyncadd.s32 $0xFFFFC000  }
0xde: {  	[hbm4b:s21+s3] =	stream.linear.scatter [tilespmem:s1], [sflag:$0x7], $0x4000, $0x38;
	[tilespmem:$0x1E900] =	vst v63  }
0xdf: {  	_ =	swait.ge [sflag:s31], $0x4000  }
0xe0: {  	[sflag:s31] =	ssyncset.done $0x0  }
0xe1: {  	[sflag:s31] =	ssyncadd.s32 $0xFFFFC000  }
0xe2: {  	[tilespmem:s1], [sflag:$0x7] =	stream.linear.gather [spmem:s16], $0x4000, $0x38;
	[tilespmem:$0x1E900] =	vst v63  }
0xe3: {  	_ =	swait.ge [sflag:s31], $0x4000  }
0xe4: {  	[sflag:s31] =	ssyncset.done $0x0  }
0xe5: {  	s22 =	rddreg [dreg:$0xd];
	[sflag:s31] =	ssyncadd.s32 $0xFFFFC000  }
0xe6: {  	[hbm4b:s22+s3] =	stream.linear.scatter [tilespmem:s1], [sflag:$0x7], $0x4000, $0x38;
	[tilespmem:$0x1E900] =	vst v63  }
0xe7: {  	_ =	swait.ge [sflag:s31], $0x4000  }
0xe8: {  	[sflag:s31] =	ssyncset.done $0x0  }
0xe9: {  	[sflag:s31] =	ssyncadd.s32 $0xFFFFC000  }
0xea: {  	[tilespmem:s1], [sflag:$0x7] =	stream.linear.gather [spmem:s18], $0x4000, $0x38;
	[tilespmem:$0x1E900] =	vst v63  }
0xeb: {  	_ =	swait.ge [sflag:s31], $0x4000  }
0xec: {  	[sflag:s31] =	ssyncset.done $0x0  }
0xed: {  	s23 =	rddreg [dreg:$0xe];
	[sflag:s31] =	ssyncadd.s32 $0xFFFFC000  }
0xee: {  	[hbm4b:s23+s3] =	stream.linear.scatter [tilespmem:s1], [sflag:$0x7], $0x4000, $0x38;
	[tilespmem:$0x1E900] =	vst v63  }
0xef: {  	_ =	swait.ge [sflag:s31], $0x4000  }
0xf0: {  	[sflag:s31] =	ssyncset.done $0x0  }
0xf1: {  	[sflag:s31] =	ssyncadd.s32 $0xFFFFC000  }
0xf2: {  	[tilespmem:s1], [sflag:$0x7] =	stream.linear.gather [spmem:s20], $0x4000, $0x38;
	[tilespmem:$0x1E900] =	vst v63  }
0xf3: {  	_ =	swait.ge [sflag:s31], $0x4000  }
0xf4: {  	[sflag:s31] =	ssyncset.done $0x0  }
0xf5: {  	s24 =	rddreg [dreg:$0xf];
	[sflag:s31] =	ssyncadd.s32 $0xFFFFC000  }
0xf6: {  	[hbm4b:s24+s3] =	stream.linear.scatter [tilespmem:s1], [sflag:$0x7], $0x4000, $0x38;
	[tilespmem:$0x1E900] =	vst v63  }
0xf7: {  	_ =	swait.ge [sflag:s31], $0x4000  }
0xf8: {  	s19 =	sadd.s32 $0x1, s19;
	s25 =	rddreg [dreg:$0x5]  }
0xf9: {  	p0 =	sne.s32 s19, s25  }
.Ltmp1:
0xfa: {  	_ = 	snop;
	(pc) =	sbr.rel @p0 .LBB2_1-.Ltmp1, $3  }
0xfb: {  	_ =	sdelay $0x1  }
0xfc: {  	[sflag:s31] =	ssyncset.done $0x0  }
0xfd: {  	[sflag:s31] =	ssyncadd.s32 $0xFFFFC000  }
0xfe: {  	_ =	sfence.sel $0x180000  }
0xff: {  	[bflag:$0x0] =	sbarrier.arrive $0xFFFF  }
0x100: {  	_ =	strace $0x9000004D  }
0x101: {  	s0 =	stileid.u32;
	[bflag:$0x2] =	sbarrier.arrive $0xFFFF  }
0x102: {  	p0 =	sne.s32 s0, $0x0;
	s0 =	rddreg [dreg:$0x2]  }
0x103: {  	s0 =	sadd.s32 @!p0 $0x100000, s0  }
0x104: {  	[sflag:s0] =	ssyncadd.tile.s32 @!p0 $0x1;
	_ =	shalt  }
.Lfunc_end2:
_tile_overlayer_lowered:
.L_overlay_start_2:
0x105: {  	(tag) =	ssettag $0x2  }
0x106: {  	s0 =	rddreg [dreg:$0x0];
	s2 =	stileid.u32  }
0x107: {  	s1 =	rddreg [dreg:$0x1];
	p0 =	sne.s32 s2, $0x0  }
0x108: {  	s3 =	rddreg [dreg:$0x2];
	[bflag:$0x3] =	sbarrier.arrive $0xFFFF;
	s2 =	simm.s32 @!p0 $0x1C07  }
0x109: {  	[timem:s3], [sflag:s2] =	dma.local @!p0 [hbm:s0], s1  }
0x10a: {  	s0 =	simm.s32 @!p0 $0x7  }
0x10b: {  	_ =	swait.ge @!p0 [sflag:s0], s1  }
0x10c: {  	s1 =	ssub.s32 @!p0 $0x0, s1;
	[sflag:s0] =	ssyncset.done @!p0 $0x0  }
0x10d: {  	[sflag:s0] =	ssyncadd.s32 @!p0 s1  }
0x10e: {  	[bflag:$0x3] =	sbarrier.arrive $0xFFFF  }
0x10f: {  	_ =	shalt  }

// kernel: kernel.19.cloned.1.call-start
scs
__scs_entry_jumppad:
0x0: {  	(pc) =	sbr.rel $0x88, $3  }
0x1: {  	(tag) =	ssettag $0x0;
	lr =	simm.s32 $0x1  }
0x2: {  	[smem:$0x3F96] =	sst lr;
	_ =	strace $0xD0000000  }
0x3: {  	_ = 	snop  }
0x4: {  	_ = 	snop  }
0x5: {  	_ = 	snop  }
0x6: {  	_ = 	snop  }
0x7: {  	_ = 	snop  }
__scs_overlays_trampoline_lowered:
0x8: {  	[smem:$0x3FA5] =	sst s0  }
0x9: {  	[smem:$0x3FA6] =	sst s1  }
0xa: {  	[smem:$0x3FA7] =	sst s2  }
0xb: {  	[smem:$0x3FA8] =	sst s3  }
0xc: {  	[smem:$0x3FA9] =	sst s4  }
0xd: {  	[smem:$0x3FAA] =	sst s5  }
0xe: {  	[smem:$0x3FAB] =	sst s6  }
0xf: {  	[smem:$0x3FAC] =	sst s7  }
0x10: {  	[smem:$0x3FAD] =	sst s8  }
0x11: {  	[smem:$0x3FAE] =	sst s9;
	s0 =	simm.s32 @!p0 $0x0  }
0x12: {  	s1 =	sld [smem:$0x3F94];
	s0 =	simm.s32 @p0 $0x1  }
0x13: {  	[smem:$0x3FAF] =	sst s0;
	s0 =	simm.s32 @!p1 $0x0  }
0x14: {  	s2 =	sld [smem:$0x3F93];
	s0 =	simm.s32 @p1 $0x1  }
0x15: {  	[smem:$0x3FB0] =	sst s0;
	s0 =	simm.s32 @!p2 $0x0  }
0x16: {  	s3 =	sld [smem:$0x3FDB];
	s0 =	simm.s32 @p2 $0x1  }
0x17: {  	s4 =	simm.s32 $0x1BF5;
	[smem:$0x3FB2] =	sst s0  }
0x18: {  	s0 =	sld [smem:$0x3F95];
	_ =	swait.ge [sflag:s4], $0x0  }
0x19: {  	s7 =	sld [smem:$0x3F96]  }
0x1a: {  	s8 =	sadd.s32 $0xFFFFE003, lr  }
0x1b: {  	s9 =	sadd.s32 $0xFFFFFEF7, lr;
	s5 =	simm.s32 $0xFFFFFFFF;
	p2 =	slt.u32 s8, $0xFFFFF086  }
0x1c: {  	p1 =	slt.u32 s9, $0xF7A;
	s5 =	simm.s32 @!p2 $0x0  }
0x1d: {  	s5 =	simm.s32 @p1 $0x1;
	p0 =	seq.s32 s7, s2  }
0x1e: {  	s7 =	smul.u32 @!p0 $0xF7A, s2;
	p2 =	seq.s32 @!p0 s5, $0x0  }
0x1f: {  	s9 =	smul.u32 $0xF7A, s1;
	s8 =	simm.s32 @!p0 $0x1BF5;
	p2 =	por !p2, p0  }
0x20: {  	[sflag:s8] =	ssyncset.s32 @!p0 $0xFFFFF086;
	s6 =	sadd.s32 @!p0 s3, s7;
	s7 =	simm.s32 @!p0 $0x108  }
0x21: {  	s3 =	sadd.s32 s3, s9;
	s6 =	sadd.s32 @!p0 $0x88, s6;
	s7 =	simm.s32 @p2 $0x1082  }
0x22: {  	[simem:s7], [sflag:s8] =	dma.local @!p0 [hbm:s6], $0xF7A  }
0x23: {  	s9 =	sor.u32 $0xD0000000, s2;
	s6 =	simm.s32 $0x108;
	_ =	swait.ge @!p0 [sflag:s8], $0x0  }
0x24: {  	s3 =	sadd.s32 $0x88, s3;
	s6 =	simm.s32 @!p1 $0x1082;
	[sflag:s4] =	ssyncset.s32 $0xFFFFF086  }
0x25: {  	[simem:s6], [sflag:s4] =	dma.local [hbm:s3], $0xF7A  }
0x26: {  	[smem:$0x3F96] =	sst s1;
	(tag) =	ssettag s2;
	_ =	strace s9  }
0x27: {  	s1 =	sld [smem:$0x3FA6]  }
0x28: {  	s2 =	sld [smem:$0x3FA7]  }
0x29: {  	s4 =	sld [smem:$0x3FA9]  }
0x2a: {  	p0 =	seq.s32 s5, $0x0;
	s5 =	sld [smem:$0x3FAA]  }
0x2b: {  	s6 =	sld [smem:$0x3FAB]  }
0x2c: {  	s7 =	sld [smem:$0x3FAC]  }
0x2d: {  	s3 =	simm.s32 $0x108;
	s8 =	sld [smem:$0x3FAD]  }
0x2e: {  	s3 =	simm.s32 @!p0 $0x1082;
	s9 =	sld [smem:$0x3FAE]  }
0x2f: {  	lr =	sadd.s32 s0, s3;
	s0 =	sld [smem:$0x3FA5]  }
0x30: {  	s3 =	sld [smem:$0x3FA8]  }
0x31: {  	[smem:$0x3FB1] =	sst s10  }
0x32: {  	s10 =	sld [smem:$0x3FAF];
	_ =	sdelay $0x3  }
0x33: {  	p0 =	seq.s32 s10, $0x1;
	s10 =	sld [smem:$0x3FB1];
	_ =	sdelay $0x3  }
0x34: {  	[smem:$0x3FB1] =	sst s10  }
0x35: {  	s10 =	sld [smem:$0x3FB0];
	_ =	sdelay $0x3  }
0x36: {  	p1 =	seq.s32 s10, $0x1;
	s10 =	sld [smem:$0x3FB1];
	_ =	sdelay $0x3  }
0x37: {  	[smem:$0x3FB1] =	sst s10  }
0x38: {  	s10 =	sld [smem:$0x3FB2]  }
0x39: {  	_ = 	snop;
	(pc) =	sbr.ind lr, $3  }
0x3a: {  	_ = 	snop  }
0x3b: {  	_ = 	snop  }
0x3c: {  	p2 =	seq.s32 s10, $0x1;
	s10 =	sld [smem:$0x3FB1]  }
0x3d: {  	_ =	shalt  }
0x3e: {  	_ =	shalt  }
0x3f: {  	_ =	shalt  }
0x40: {  	_ =	shalt  }
0x41: {  	_ =	shalt  }
0x42: {  	_ =	shalt  }
0x43: {  	_ =	shalt  }
0x44: {  	_ =	shalt  }
0x45: {  	_ =	shalt  }
0x46: {  	_ =	shalt  }
0x47: {  	_ =	shalt  }
0x48: {  	_ =	shalt  }
0x49: {  	_ =	shalt  }
0x4a: {  	_ =	shalt  }
0x4b: {  	_ =	shalt  }
0x4c: {  	_ =	shalt  }
0x4d: {  	_ =	shalt  }
0x4e: {  	_ =	shalt  }
0x4f: {  	_ =	shalt  }
0x50: {  	_ =	shalt  }
0x51: {  	_ =	shalt  }
0x52: {  	_ =	shalt  }
0x53: {  	_ =	shalt  }
0x54: {  	_ =	shalt  }
0x55: {  	_ =	shalt  }
0x56: {  	_ =	shalt  }
0x57: {  	_ =	shalt  }
0x58: {  	_ =	shalt  }
0x59: {  	_ =	shalt  }
0x5a: {  	_ =	shalt  }
0x5b: {  	_ =	shalt  }
0x5c: {  	_ =	shalt  }
0x5d: {  	_ =	shalt  }
0x5e: {  	_ =	shalt  }
0x5f: {  	_ =	shalt  }
0x60: {  	_ =	shalt  }
0x61: {  	_ =	shalt  }
0x62: {  	_ =	shalt  }
0x63: {  	_ =	shalt  }
0x64: {  	_ =	shalt  }
0x65: {  	_ =	shalt  }
0x66: {  	_ =	shalt  }
0x67: {  	_ =	shalt  }
0x68: {  	_ =	shalt  }
0x69: {  	_ =	shalt  }
0x6a: {  	_ =	shalt  }
0x6b: {  	_ =	shalt  }
0x6c: {  	_ =	shalt  }
0x6d: {  	_ =	shalt  }
0x6e: {  	_ =	shalt  }
0x6f: {  	_ =	shalt  }
0x70: {  	_ =	shalt  }
0x71: {  	_ =	shalt  }
0x72: {  	_ =	shalt  }
0x73: {  	_ =	shalt  }
0x74: {  	_ =	shalt  }
0x75: {  	_ =	shalt  }
0x76: {  	_ =	shalt  }
0x77: {  	_ =	shalt  }
0x78: {  	_ =	shalt  }
0x79: {  	_ =	shalt  }
0x7a: {  	_ =	shalt  }
0x7b: {  	_ =	shalt  }
0x7c: {  	_ =	shalt  }
0x7d: {  	_ =	shalt  }
0x7e: {  	_ =	shalt  }
0x7f: {  	_ =	shalt  }
0x80: {  	_ =	shalt  }
0x81: {  	_ =	shalt  }
0x82: {  	_ =	shalt  }
0x83: {  	_ =	shalt  }
0x84: {  	_ =	shalt  }
0x85: {  	_ =	shalt  }
0x86: {  	_ =	shalt  }
0x87: {  	_ =	shalt  }
.Lfunc_end0:
.L_simem_size_0:
called_computation.3_lowered:
.L_overlay_start_0:
0x88: {  	s2 =	sld [smem:$0x3FD9]  }
0x89: {  	s3 =	sld [smem:$0x3FFE];
	_ =	sdelay $0x1  }
0x8a: {  	s1 =	srdreg.scid  }
0x8b: {  	s0 =	sand.u32 $0x1, s1  }
0x8c: {  	s16 =	sshll.u32 s0, $0xA;
	s2 =	sadd.s32 s3, s2  }
0x8d: {  	s2 =	sadd.s32 s2, s16  }
0x8e: {  	[smem:$0x3FBD] =	sst s2  }
0x8f: {  	_ = 	snop  }
0x90: {  	(tm) =	ssettm $0x1  }
0x91: {  	s17 =	sld [smem:$0x3FFB];
	_ =	sdelay $0x3  }
0x92: {  	_ =	strace s17  }
0x93: {  	s2 =	sld [smem:$0x3FFC];
	_ =	sdelay $0x3  }
0x94: {  	_ =	strace s2  }
0x95: {  	s2 =	sld [smem:$0x3FFD];
	_ =	sdelay $0x3  }
0x96: {  	_ =	strace s2  }
0x97: {  	_ =	strace $0x8FFFFFFF  }
0x98: {  	s18 =	sld [smem:$0x3FDB];
	_ =	sdelay $0x1  }
0x99: {  	s19 =	simm.s32 $_scs_section_size  }
0x9a: {  	s4 =	simm.s32 $_size__tile_overlayer_lowered;
	s5 =	simm.s32 $_tile_overlayer_lowered  }
0x9b: {  	s22 =	simm.s32 $0x1BFF;
	s21 =	sshll.u32 s5, $0x1;
	s2 =	sadd.s32 s19, s18  }
0x9c: {  	s6 =	simm.s32 $0x0;
	s20 =	sshll.u32 s4, $0x1;
	s4 =	sadd.s32 s21, s2  }
0x9d: {  	[timem:s6], [sflag:s22] =	dma.local [hbm:s4], s20  }
0x9e: {  	_ =	swait.ge [sflag:s22], s20  }
0x9f: {  	s3 =	ssub.s32 $0x0, s20;
	[sflag:s22] =	ssyncset.done $0x0  }
0xa0: {  	[sflag:s22] =	ssyncadd.s32 s3;
	_ =	sdelay $0x1  }
0xa1: {  	s23 =	simm.s32 $0x1B8B  }
0xa2: {  	_ =	swait.ge [sflag:s23], $0x1  }
0xa3: {  	[sflag:s23] =	ssyncset.done $0x0  }
0xa4: {  	s25 =	simm.s32 $0x1B8E;
	s24 =	sld [smem:$0x3FFE];
	[sflag:s23] =	ssyncadd.s32 $0xFFFFFFFF  }
0xa5: {  	s26 =	simm.s32 $execute0_lowered;
	[smem:$0x3FD2] =	sst s25  }
0xa6: {  	s4 =	sshll.u32 s26, $0x1;
	_ =	strace $0x8000004F;
	[dreg:$0x1] =	wrdreg $0xFFFFFFFF  }
0xa7: {  	s28 =	simm.s32 $_size_execute0_lowered;
	s2 =	sadd.s32 s2, s4;
	[dreg:$0x0] =	wrdreg $0x0  }
0xa8: {  	s4 =	sshll.u32 s28, $0x1;
	[dreg:$0x2] =	wrdreg s2  }
0xa9: {  	[dreg:$0x3] =	wrdreg s4  }
0xaa: {  	[dreg:$0x4] =	wrdreg $0xC0  }
0xab: {  	_ =	task [dreg:s6], $0x5FFFF  }
0xac: {  	[dreg:$0x1] =	wrdreg $0xFFFFFFFF  }
0xad: {  	[dreg:$0x0] =	wrdreg $0x60  }
0xae: {  	[dreg:$0x2] =	wrdreg s24  }
0xaf: {  	[dreg:$0x3] =	wrdreg $0x9  }
0xb0: {  	_ =	task.clear_ibuf [dreg:s6], $0x4FFFF;
	_ =	strace $0x9000004F  }
0xb1: {  	s29 =	simm.s32 $0x9;
	_ =	strace $0x80000051  }
0xb2: {  	_ =	swait.ge [sflag:s29], $0x1  }
0xb3: {  	[sflag:s29] =	ssyncadd.s32 $0xFFFFFFFF  }
0xb4: {  	_ =	strace $0x90000051  }
0xb5: {  	_ =	sfence  }
0xb6: {  	s30 =	sld [smem:$0x0];
	_ =	sdelay $0x2  }
0xb7: {  	s31 =	sshll.u32 s1, $0xD;
	s1 =	sshrl.u32 s1, $0x2  }
0xb8: {  	s3 =	sand.u32 $0x4000, s31;
	s1 =	sadd.s32 s1, s30  }
0xb9: {  	s0 =	sor.u32 s3, s0;
	s1 =	sshll.u32 s1, $0x11  }
0xba: {  	s0 =	sor.u32 s1, s0  }
0xbb: {  	s0 =	sadd.s32 $0x8F2B, s0  }
0xbc: {  	[sflag:s0] =	ssyncadd.remote.s32 $0x1  }
0xbd: {  	_ =	sfence.sel $0xFFFF  }
0xbe: {  	[dreg:$0x0] =	wrdreg $0xFFFFFFFF;
	(pc) =	sbr.abs _section_cstart, $3  }
0xbf: {  	[dreg:$0x1] =	wrdreg $0xFFFFFFFF  }
0xc0: {  	_ =	task.clear_ibuf [dreg:s6], $0x2FFFF;
	_ =	strace $0x9FFFFFFF  }
0xc1: {  	(tm) =	ssettm $0x7FFFFFFF  }
tec
execute0_lowered:
.L_overlay_start_1:
0x0: {  	(tag) =	ssettag $0x1  }
0x1: {  	s4 =	rddreg [dreg:$0x0]  }
0x2: {  	s1 =	srdreg.scid;
	s0 =	rddreg [dreg:$0x1]  }
0x3: {  	s2 =	simm.s32 $0x0;
	s11 =	simm.s32 $0x1000;
	s12 =	simm.s32 $0x5000  }
0x4: {  	s13 =	simm.s32 $0x1;
	s14 =	simm.s32 $0x2;
	s15 =	simm.s32 $0x3  }
0x5: {  	s16 =	simm.s32 $0x4;
	s17 =	simm.s32 $0x0;
	s6 =	sand.u32 $0x1, s1  }
0x6: {  	s1 =	stileid.u32;
	[smem:$0x7FF] =	sst s2;
	s10 =	sadd.s32 $0x2F000, s4  }
0x7: {  	s3 =	sshll.u32 s6, $0x4;
	_ =	strace $0x80000050;
	s8 =	ssub.s32 $0x2, s6  }
0x8: {  	s6 =	sshll.u32 s6, $0x13;
	s31 =	sshll.u32 s1, $0xF;
	s7 =	sor.u32 s1, s3  }
0x9: {  	s3 =	sadd.s32 $0x3000, s4;
	s9 =	sshrl.u32 s8, $0x1;
	s30 =	sadd.s32 s6, s10  }
0xa: {  	s5 =	sshll.u32 s7, $0x9;
	s8 =	ssub.s32 s8, s9;
	s7 =	sshll.u32 s7, $0xF  }
0xb: {  	s9 =	simm.s32 $0x5;
	s5 =	sadd.s32 s5, s4;
	s7 =	sadd.s32 s7, s10  }
0xc: {  	s10 =	simm.s32 $0x80;
	s4 =	sadd.s32 $0x2B000, s5;
	s5 =	smax.u32 s8, $0x1  }
0xd: {  	s6 =	sadd.s32 $0x107000, s7;
	s7 =	sadd.s32 $0x107800, s7;
	s8 =	sadd.s32 s31, s30  }
.LBB2_1:
0xe: {  	[tilespmem:s2], [sflag:$0x5] =	stream.linear.gather [hbm4b:s4+s2], $0x1000, $0x38;
	[tilespmem:$0x9000] =	vst v63  }
0xf: {  	_ =	swait.ge [sflag:s9], $0x1000  }
0x10: {  	[sflag:s9] =	ssyncset.done $0x0  }
0x11: {  	s18 =	simm.s32 $0x0;
	[sflag:s9] =	ssyncadd.s32 $0xFFFFF000  }
0x12: {  	[tilespmem:s11], [sflag:$0x1] =	stream.indirect.gather [hbm4b:s3+s10], $0x80, s2, s10, $0xb8;
	[tilespmem:$0x9000] =	vst v63  }
0x13: {  	s18 =	smul.u32 $0xF8000, s18  }
0x14: {  	[tilespmem:s12], [sflag:$0x2] =	stream.indirect.gather [hbm4b:s3+s10], $0x80, s10, s10, $0xb8;
	[tilespmem:$0x9000] =	vst v63  }
0x15: {  	_ =	swait.ge [sflag:s13], $0x4000  }
0x16: {  	s18 =	sadd.s32 s18, s8;
	[sflag:s13] =	ssyncset.done $0x0  }
0x17: {  	s18 =	sadd.s32 $0x0, s18;
	[sflag:s13] =	ssyncadd.s32 $0xFFFFC000  }
0x18: {  	[hbm4b:s18+s2] =	stream.linear.scatter [tilespmem:s11], [sflag:$0x3], $0x4000, $0x38;
	[tilespmem:$0x9000] =	vst v63  }
0x19: {  	_ =	swait.ge [sflag:s14], $0x4000  }
0x1a: {  	[sflag:s14] =	ssyncset.done $0x0  }
0x1b: {  	s18 =	sadd.s32 $0x800, s18;
	[sflag:s14] =	ssyncadd.s32 $0xFFFFC000  }
0x1c: {  	[hbm4b:s18+s2] =	stream.linear.scatter [tilespmem:s12], [sflag:$0x4], $0x4000, $0x38;
	[tilespmem:$0x9000] =	vst v63  }
0x1d: {  	_ =	swait.ge [sflag:s15], $0x4000  }
0x1e: {  	s19 =	simm.s32 $0x1000;
	[sflag:s15] =	ssyncset.done $0x0  }
0x1f: {  	s20 =	simm.s32 $0x100;
	s21 =	simm.s32 $0x1;
	[sflag:s15] =	ssyncadd.s32 $0xFFFFC000  }
0x20: {  	[tilespmem:s11], [sflag:$0x1] =	stream.indirect.gather [hbm4b:s3+s10], $0x80, s20, s10, $0xb8;
	[tilespmem:$0x9000] =	vst v63  }
0x21: {  	s23 =	simm.s32 $0x0;
	s22 =	simm.s32 $0x180;
	_ =	swait.ge [sflag:s16], $0x4000  }
0x22: {  	s18 =	simm.s32 $0x180;
	s20 =	simm.s32 $0x2000;
	[sflag:s16] =	ssyncset.done $0x0  }
.LBB2_2:
0x23: {  	s23 =	smul.u32 $0xF8000, s23  }
0x24: {  	[sflag:s16] =	ssyncadd.s32 $0xFFFFC000;
	s18 =	sadd.s32 $0x100, s18;
	s24 =	smov.u32 s20  }
0x25: {  	[tilespmem:s12], [sflag:$0x2] =	stream.indirect.gather [hbm4b:s3+s10], $0x80, s22, s10, $0xb8;
	[tilespmem:$0x9000] =	vst v63  }
0x26: {  	p0 =	sne.s32 s20, $0xE000;
	s22 =	sadd.s32 s23, s8;
	_ =	swait.ge [sflag:s13], $0x4000  }
0x27: {  	s20 =	sadd.s32 $0x1000, s20;
	[sflag:s13] =	ssyncset.done $0x0;
	s23 =	sadd.s32 s22, s19  }
0x28: {  	s22 =	smov.u32 s18;
	s19 =	smov.u32 s24;
	[sflag:s13] =	ssyncadd.s32 $0xFFFFC000  }
0x29: {  	[hbm4b:s23+s2] =	stream.linear.scatter [tilespmem:s11], [sflag:$0x3], $0x4000, $0x38;
	[tilespmem:$0x9000] =	vst v63  }
0x2a: {  	_ =	swait.ge [sflag:s14], $0x4000  }
0x2b: {  	[sflag:s14] =	ssyncset.done $0x0  }
0x2c: {  	s23 =	sadd.s32 $0x800, s23;
	[sflag:s14] =	ssyncadd.s32 $0xFFFFC000  }
0x2d: {  	[hbm4b:s23+s2] =	stream.linear.scatter [tilespmem:s12], [sflag:$0x4], $0x4000, $0x38;
	[tilespmem:$0x9000] =	vst v63  }
0x2e: {  	_ =	swait.ge [sflag:s15], $0x4000  }
.Ltmp0:
0x2f: {  	[sflag:s15] =	ssyncset.done $0x0;
	(pc) =	sbr.rel @p0 .LBB2_2-.Ltmp0, $4  }
0x30: {  	s23 =	sadd.s32 $0xFFFFFF80, s18;
	[sflag:s15] =	ssyncadd.s32 $0xFFFFC000  }
0x31: {  	[tilespmem:s11], [sflag:$0x1] =	stream.indirect.gather [hbm4b:s3+s10], $0x80, s23, s10, $0xb8;
	[tilespmem:$0x9000] =	vst v63  }
0x32: {  	s21 =	sadd.s32 $0x1, s21;
	_ =	swait.ge [sflag:s16], $0x4000  }
0x33: {  	s23 =	sshrl.u32 s21, $0x3;
	[sflag:s16] =	ssyncset.done $0x0  }
0x34: {  	s20 =	smul.u32 $0xF8000, s23;
	[sflag:s16] =	ssyncadd.s32 $0xFFFFC000  }
0x35: {  	[tilespmem:s12], [sflag:$0x2] =	stream.indirect.gather [hbm4b:s3+s10], $0x80, s22, s10, $0xb8;
	[tilespmem:$0x9000] =	vst v63  }
0x36: {  	_ =	swait.ge [sflag:s13], $0x4000  }
0x37: {  	s20 =	sadd.s32 s20, s8;
	[sflag:s13] =	ssyncset.done $0x0  }
0x38: {  	s19 =	sadd.s32 s20, s19;
	[sflag:s13] =	ssyncadd.s32 $0xFFFFC000  }
0x39: {  	[hbm4b:s19+s2] =	stream.linear.scatter [tilespmem:s11], [sflag:$0x3], $0x4000, $0x38;
	[tilespmem:$0x9000] =	vst v63  }
0x3a: {  	_ =	swait.ge [sflag:s14], $0x4000  }
0x3b: {  	[sflag:s14] =	ssyncset.done $0x0  }
0x3c: {  	s19 =	sadd.s32 $0x800, s19;
	[sflag:s14] =	ssyncadd.s32 $0xFFFFC000  }
0x3d: {  	[hbm4b:s19+s2] =	stream.linear.scatter [tilespmem:s12], [sflag:$0x4], $0x4000, $0x38;
	[tilespmem:$0x9000] =	vst v63  }
0x3e: {  	_ =	swait.ge [sflag:s15], $0x4000  }
0x3f: {  	s18 =	sadd.s32 $0x100, s18;
	[sflag:s15] =	ssyncset.done $0x0  }
0x40: {  	s31 =	sadd.s32 $0xFFFFFF80, s18;
	[sflag:s15] =	ssyncadd.s32 $0xFFFFC000  }
0x41: {  	[tilespmem:s11], [sflag:$0x1] =	stream.indirect.gather [hbm4b:s3+s10], $0x80, s31, s10, $0xb8;
	[tilespmem:$0x9000] =	vst v63  }
0x42: {  	_ =	swait.ge [sflag:s16], $0x4000  }
0x43: {  	[sflag:s16] =	ssyncset.done $0x0  }
0x44: {  	[sflag:s16] =	ssyncadd.s32 $0xFFFFC000  }
0x45: {  	[tilespmem:s12], [sflag:$0x2] =	stream.indirect.gather [hbm4b:s3+s10], $0x80, s18, s10, $0xb8;
	[tilespmem:$0x9000] =	vst v63  }
0x46: {  	_ =	swait.ge [sflag:s13], $0x4000  }
0x47: {  	[sflag:s13] =	ssyncset.done $0x0  }
0x48: {  	[sflag:s13] =	ssyncadd.s32 $0xFFFFC000  }
0x49: {  	[hbm4b:s6+s2] =	stream.linear.scatter [tilespmem:s11], [sflag:$0x3], $0x4000, $0x38;
	[tilespmem:$0x9000] =	vst v63  }
0x4a: {  	_ =	swait.ge [sflag:s14], $0x4000  }
0x4b: {  	[sflag:s14] =	ssyncset.done $0x0  }
0x4c: {  	s17 =	sadd.s32 $0x1, s17;
	[sflag:s14] =	ssyncadd.s32 $0xFFFFC000  }
0x4d: {  	[hbm4b:s7+s2] =	stream.linear.scatter [tilespmem:s12], [sflag:$0x4], $0x4000, $0x38;
	[tilespmem:$0x9000] =	vst v63  }
0x4e: {  	p0 =	sne.s32 s17, s5;
	_ =	swait.ge [sflag:s15], $0x4000  }
.Ltmp1:
0x4f: {  	[sflag:s15] =	ssyncset.done $0x0;
	(pc) =	sbr.rel @p0 .LBB2_1-.Ltmp1, $4  }
0x50: {  	[sflag:s15] =	ssyncadd.s32 $0xFFFFC000  }
0x51: {  	_ =	swait.ge [sflag:s16], $0x4000  }
0x52: {  	[sflag:s16] =	ssyncset.done $0x0  }
0x53: {  	[sflag:s16] =	ssyncadd.s32 $0xFFFFC000  }
0x54: {  	_ =	sfence.sel $0x180000  }
0x55: {  	[bflag:$0x0] =	sbarrier.arrive $0xFFFF  }
0x56: {  	p0 =	sne.s32 s1, $0x0;
	_ =	strace $0x90000050  }
0x57: {  	s0 =	sadd.s32 @!p0 $0x100000, s0;
	[bflag:$0x2] =	sbarrier.arrive $0xFFFF  }
0x58: {  	[sflag:s0] =	ssyncadd.tile.s32 @!p0 $0x1;
	_ =	shalt  }
.Lfunc_end2:
_tile_overlayer_lowered:
.L_overlay_start_2:
0x59: {  	(tag) =	ssettag $0x2  }
0x5a: {  	s0 =	rddreg [dreg:$0x0];
	s2 =	stileid.u32  }
0x5b: {  	s1 =	rddreg [dreg:$0x1];
	p0 =	sne.s32 s2, $0x0  }
0x5c: {  	s3 =	rddreg [dreg:$0x2];
	[bflag:$0x3] =	sbarrier.arrive $0xFFFF;
	s2 =	simm.s32 @!p0 $0x1C05  }
0x5d: {  	[timem:s3], [sflag:s2] =	dma.local @!p0 [hbm:s0], s1  }
0x5e: {  	s0 =	simm.s32 @!p0 $0x5  }
0x5f: {  	_ =	swait.ge @!p0 [sflag:s0], s1  }
0x60: {  	s1 =	ssub.s32 @!p0 $0x0, s1;
	[sflag:s0] =	ssyncset.done @!p0 $0x0  }
0x61: {  	[sflag:s0] =	ssyncadd.s32 @!p0 s1  }
0x62: {  	[bflag:$0x3] =	sbarrier.arrive $0xFFFF  }
0x63: {  	_ =	shalt  }

</sc_bundles>
